<compile_context>
chip_gen: v7x
topology: tpu7x:2x2x1
jax: 0.10.2.dev20260603
libtpu: 0.0.44.dev20260713+nightly
codegen_flags: <defaults>
</compile_context>

<pallas_src>
import functools

import jax
import jax.numpy as jnp
from jax import lax
from jax.experimental import pallas as pl
from jax.experimental.pallas import tpu as pltpu
from jax.experimental.pallas import tpu_sc as plsc

N = 10000
D = 128
R = 8
B = 4
E = 40000

NC = 2
NS = 16
RPC = R // NC

NROW = 10240
PT = NROW // NS

E_PAD = 40960
EPT = E_PAD // NS
CHUNK = 40
NBUF = 4
NCHUNK = EPT // CHUNK
NITER = NCHUNK // NBUF
CPR = E_PAD // CHUNK
CPT = EPT // CHUNK

XROWS = N + 8


def _sc_body(x_hbm, ech_hbm, z_hbm, ones_hbm, s_out, deg_out,
             s_sp, ebig, rows, g0, g1, g2, g3, s0, s1, s2, s3):
    c = lax.axis_index("c")
    s = lax.axis_index("s")
    row0 = s * PT
    gsem = [g0, g1, g2, g3]
    ssem = [s0, s1, s2, s3]
    rbuf = [rows.at[pl.ds(k * CHUNK, CHUNK)] for k in range(NBUF)]

    for j in range(RPC):
        r = c * RPC + j
        cbase = r * CPR + s * CPT
        obase = r * NROW + row0

        pltpu.sync_copy(ech_hbm.at[pl.ds(cbase, CPT)], ebig)

        pltpu.sync_copy(z_hbm, s_sp.at[pl.ds(row0, PT)])
        plsc.subcore_barrier()

        for k in range(NBUF):
            pltpu.async_copy(x_hbm.at[ebig.at[k, 0]], rbuf[k], gsem[k])

        def p1_body(i, carry):
            a = NBUF * i
            for k in range(NBUF):
                pltpu.make_async_copy(
                    x_hbm.at[ebig.at[a + k, 0]], rbuf[k], gsem[k]).wait()
                pltpu.async_copy(
                    rbuf[k], s_sp.at[ebig.at[a + k, 1]], ssem[k], add=True)
            for k in range(NBUF):
                pltpu.make_async_copy(
                    rbuf[k], s_sp.at[ebig.at[a + k, 1]], ssem[k]).wait()

                @pl.when(i < NITER - 1)
                def _():
                    pltpu.async_copy(
                        x_hbm.at[ebig.at[a + NBUF + k, 0]], rbuf[k], gsem[k])

            return carry

        lax.fori_loop(0, NITER, p1_body, 0)
        plsc.subcore_barrier()

        pltpu.sync_copy(s_sp.at[pl.ds(row0, PT)], s_out.at[pl.ds(obase, PT)])

        pltpu.sync_copy(z_hbm, s_sp.at[pl.ds(row0, PT)])
        pltpu.sync_copy(ones_hbm, rbuf[0])
        plsc.subcore_barrier()

        pltpu.async_copy(rbuf[0], s_sp.at[ebig.at[0, 1]], s0, add=True)
        pltpu.async_copy(rbuf[0], s_sp.at[ebig.at[1, 1]], s1, add=True)

        def p2_body(i, carry):
            a = 2 * i
            pltpu.make_async_copy(rbuf[0], s_sp.at[ebig.at[a, 1]], s0).wait()

            @pl.when(i < NCHUNK // 2 - 1)
            def _():
                pltpu.async_copy(
                    rbuf[0], s_sp.at[ebig.at[a + 2, 1]], s0, add=True)

            pltpu.make_async_copy(
                rbuf[0], s_sp.at[ebig.at[a + 1, 1]], s1).wait()

            @pl.when(i < NCHUNK // 2 - 1)
            def _():
                pltpu.async_copy(
                    rbuf[0], s_sp.at[ebig.at[a + 3, 1]], s1, add=True)

            return carry

        lax.fori_loop(0, NCHUNK // 2, p2_body, 0)
        plsc.subcore_barrier()

        pltpu.sync_copy(s_sp.at[pl.ds(row0, PT)], deg_out.at[pl.ds(obase, PT)])


@functools.cache
def _sc_kernel():
    return pl.kernel(
        _sc_body,
        out_type=[
            jax.ShapeDtypeStruct((R * NROW, D), jnp.float32),
            jax.ShapeDtypeStruct((R * NROW, D), jnp.float32),
        ],
        mesh=plsc.VectorSubcoreMesh(core_axis_name="c", subcore_axis_name="s",
                                    num_cores=NC, num_subcores=NS),
        scratch_types=[
            pltpu.VMEM_SHARED((NROW, D), jnp.float32),
            pltpu.VMEM((CPT, 2, CHUNK), jnp.int32),
            pltpu.VMEM((NBUF * CHUNK, D), jnp.float32),
            pltpu.SemaphoreType.DMA,
            pltpu.SemaphoreType.DMA,
            pltpu.SemaphoreType.DMA,
            pltpu.SemaphoreType.DMA,
            pltpu.SemaphoreType.DMA,
            pltpu.SemaphoreType.DMA,
            pltpu.SemaphoreType.DMA,
            pltpu.SemaphoreType.DMA,
        ],
    )


BLK = 1000


def _tc_body(x_ref, s_ref, deg_ref, bases_ref, coeff_ref, w0_ref, b0_ref,
             gamma_ref, beta_ref, out_ref):
    h = jnp.dot(x_ref[...], w0_ref[...], preferred_element_type=jnp.float32)
    h = h + b0_ref[...]
    for r in range(R):
        rec = 1.0 / jnp.maximum(deg_ref[r, :, 0:1].astype(jnp.float32), 1.0)
        p = s_ref[r].astype(jnp.float32) * rec
        w_r = coeff_ref[r, 0] * bases_ref[0]
        for b in range(1, B):
            w_r = w_r + coeff_ref[r, b] * bases_ref[b]
        h = h + jnp.dot(p, w_r, preferred_element_type=jnp.float32)
    sig = 1.0 / (1.0 + jnp.exp(-h))
    sl = h * sig
    mean = jnp.mean(sl, axis=-1, keepdims=True)
    cen = sl - mean
    var = jnp.mean(cen * cen, axis=-1, keepdims=True)
    out_ref[...] = cen * lax.rsqrt(var + 1e-5) * gamma_ref[...] + beta_ref[...]


_tc_kernel = pl.pallas_call(
    _tc_body,
    grid=(N // BLK,),
    in_specs=[
        pl.BlockSpec((BLK, D), lambda i: (i, 0)),
        pl.BlockSpec((R, BLK, D), lambda i: (0, i, 0)),
        pl.BlockSpec((R, BLK, D), lambda i: (0, i, 0)),
        pl.BlockSpec((B, D, D), lambda i: (0, 0, 0)),
        pl.BlockSpec((R, B), lambda i: (0, 0)),
        pl.BlockSpec((D, D), lambda i: (0, 0)),
        pl.BlockSpec((1, D), lambda i: (0, 0)),
        pl.BlockSpec((1, D), lambda i: (0, 0)),
        pl.BlockSpec((1, D), lambda i: (0, 0)),
    ],
    out_specs=pl.BlockSpec((BLK, D), lambda i: (i, 0)),
    out_shape=jax.ShapeDtypeStruct((N, D), jnp.float32),
)


def kernel(x, edge_indices, bases, coefficients, W0, b0, gamma, beta):
    x_pad = jnp.concatenate(
        [x, jnp.zeros((XROWS - N, D), jnp.float32)], axis=0)
    epad = jnp.full((R, 2, E_PAD - E), N, jnp.int32)
    ei = jnp.concatenate([edge_indices, epad], axis=2)
    ech = ei.reshape(R, 2, CPR, CHUNK).transpose(0, 2, 1, 3).reshape(-1, 2, CHUNK)
    ech = jnp.concatenate([ech, jnp.full((1, 2, CHUNK), N, jnp.int32)], axis=0)

    z = jnp.zeros((PT, D), jnp.float32)
    ones = jnp.ones((CHUNK, D), jnp.float32)

    s_flat, deg_flat = _sc_kernel()(x_pad, ech, z, ones)
    s_acc = s_flat.reshape(R, NROW, D)
    deg_acc = deg_flat.reshape(R, NROW, D)

    return _tc_kernel(x, s_acc, deg_acc, bases, coefficients, W0,
                      b0.reshape(1, D), gamma.reshape(1, D),
                      beta.reshape(1, D))

# --- scband reference (transcript-rebuilt; emitter-appended) ---
"""Pipeline reference for scband-relational-gcnlayer-9328668966984 (READ-ONLY COPY).

The authoritative reference and input builder live on the scoring server;
editing this copy changes nothing except your own understanding.
"""

import jax, jax.numpy as jnp
import numpy as np

N = 10000
D = 128
R = 8
B = 4
E = 40000


def setup_inputs(seed: int = 0) -> dict:
    key = jax.random.key(seed)
    ks = jax.random.split(key, 8)
    x = jax.random.normal(ks[0], (N, D), dtype=jnp.float32)
    edge_indices = jax.random.randint(ks[1], (R, 2, E), 0, N, dtype=jnp.int32)
    bases = jax.random.normal(ks[2], (B, D, D), dtype=jnp.float32) * 0.01
    coefficients = jax.random.normal(ks[3], (R, B), dtype=jnp.float32) * 0.01
    W0 = jax.random.normal(ks[4], (D, D), dtype=jnp.float32) * (1.0 / np.sqrt(D))
    b0 = jnp.zeros((D,), dtype=jnp.float32)
    gamma = jnp.ones((D,), dtype=jnp.float32)
    beta = jnp.zeros((D,), dtype=jnp.float32)
    return {"x": x, "edge_indices": edge_indices, "bases": bases, "coefficients": coefficients, "W0": W0, "b0": b0, "gamma": gamma, "beta": beta}


def reference(x, edge_indices, bases, coefficients, W0, b0, gamma, beta):
    # self-loop linear
    h = x @ W0 + b0
    for r in range(R):
        src = edge_indices[r, 0]
        dst = edge_indices[r, 1]
        # basis decomposition: W_r = sum_b coeff[r,b] * bases[b]
        W_r = jnp.einsum('b,bio->io', coefficients[r], bases)
        msg = x[src] @ W_r
        deg = jnp.zeros((N,), dtype=x.dtype).at[dst].add(1.0)
        deg = jnp.maximum(deg, 1.0)
        agg = jnp.zeros_like(h).at[dst].add(msg)
        agg = agg / deg[:, None]
        h = h + agg
    # silu then LayerNorm (biased variance, eps=1e-5), dropout in eval = identity
    s = jax.nn.silu(h)
    mean = jnp.mean(s, axis=-1, keepdims=True)
    var = jnp.mean((s - mean) ** 2, axis=-1, keepdims=True)
    out = (s - mean) / jnp.sqrt(var + 1e-5) * gamma + beta
    return out

if __name__ == "__main__":
    import jax
    _d = setup_inputs()
    print(jax.jit(kernel)(*tuple(_d.values())))

</pallas_src>

<mosaic_0001>
#map = affine_map<(d0, d1) -> (0, 0)>
#map1 = affine_map<(d0, d1) -> (0, 0, 0)>
module attributes {stable_mosaic.version = 14 : i64} {
  func.func @_sc_body(%arg0: i32, %arg1: i32, %arg2: memref<10008x128xf32, #tpu.memory_space<hbm>>, %arg3: memref<8193x2x40xi32, #tpu.memory_space<hbm>>, %arg4: memref<640x128xf32, #tpu.memory_space<hbm>>, %arg5: memref<40x128xf32, #tpu.memory_space<hbm>>, %arg6: memref<81920x128xf32, #tpu.memory_space<hbm>>, %arg7: memref<81920x128xf32, #tpu.memory_space<hbm>>, %arg8: memref<10240x128xf32, #tpu.memory_space<vmem_shared>>, %arg9: memref<64x2x40xi32, #tpu.memory_space<vmem>>, %arg10: memref<160x128xf32, #tpu.memory_space<vmem>>, %arg11: memref<!tpu.dma_semaphore, #tpu.memory_space<semaphore_mem>>, %arg12: memref<!tpu.dma_semaphore, #tpu.memory_space<semaphore_mem>>, %arg13: memref<!tpu.dma_semaphore, #tpu.memory_space<semaphore_mem>>, %arg14: memref<!tpu.dma_semaphore, #tpu.memory_space<semaphore_mem>>, %arg15: memref<!tpu.dma_semaphore, #tpu.memory_space<semaphore_mem>>, %arg16: memref<!tpu.dma_semaphore, #tpu.memory_space<semaphore_mem>>, %arg17: memref<!tpu.dma_semaphore, #tpu.memory_space<semaphore_mem>>, %arg18: memref<!tpu.dma_semaphore, #tpu.memory_space<semaphore_mem>>) attributes {dimension_semantics = [#tpu.dimension_semantics<core_parallel>, #tpu.dimension_semantics<subcore_parallel>], iteration_bounds = array<i64: 2, 16>, scalar_prefetch = 0 : i64, scratch_operands = 11 : i64, tpu.core_type = #tpu.core_type<sc_vector_subcore>, window_params = [{transform_indices = #map}, {transform_indices = #map1}, {transform_indices = #map}, {transform_indices = #map}, {transform_indices = #map}, {transform_indices = #map}]} {
    %mul3A = arith.constant 640 : i32
    %mul3A_0 = arith.muli %arg1, %mul3A : i32
    %mul3A_1 = arith.constant 4 : i32
    %mul3A_2 = arith.muli %arg0, %mul3A_1 : i32
    %add3A = arith.constant 0 : i32
    %add3A_3 = arith.addi %mul3A_2, %add3A : i32
    %mul3A_4 = arith.constant 1024 : i32
    %mul3A_5 = arith.muli %add3A_3, %mul3A_4 : i32
    %mul3A_6 = arith.constant 64 : i32
    %mul3A_7 = arith.muli %arg1, %mul3A_6 : i32
    %add3A_8 = arith.addi %mul3A_5, %mul3A_7 : i32
    %mul3A_9 = arith.constant 10240 : i32
    %mul3A_10 = arith.muli %add3A_3, %mul3A_9 : i32
    %add3A_11 = arith.addi %mul3A_10, %mul3A_0 : i32
    "tpu.region"() ({
      %run_scoped3A = tpu.sem_alloc : memref<!tpu.dma_semaphore, #tpu.memory_space<semaphore_mem>>
      %dma_start3A_373 = arith.constant 0 : i32
      %dma_start3A_374 = arith.constant 0 : i32
      %dma_start3A_375 = tpu.memref_slice %arg3[%add3A_8, %dma_start3A_373, %dma_start3A_374] : memref<8193x2x40xi32, #tpu.memory_space<hbm>> -> memref<64x2x40xi32, #tpu.memory_space<hbm>>
      %dma_start3A_376 = arith.constant 0 : i32
      %dma_start3A_377 = arith.constant 0 : i32
      %dma_start3A_378 = tpu.memref_slice %arg3[%add3A_8, %dma_start3A_376, %dma_start3A_377] : memref<8193x2x40xi32, #tpu.memory_space<hbm>> -> memref<64x2x40xi32, #tpu.memory_space<hbm>>
      tpu.enqueue_dma source(%dma_start3A_378 : memref<64x2x40xi32, #tpu.memory_space<hbm>>) target(%arg9 : memref<64x2x40xi32, #tpu.memory_space<vmem>>) target_semaphore(%run_scoped3A : memref<!tpu.dma_semaphore, #tpu.memory_space<semaphore_mem>>)
      %dma_wait3A = arith.constant 0 : i32
      %dma_wait3A_379 = arith.constant 0 : i32
      %dma_wait3A_380 = tpu.memref_slice %arg3[%add3A_8, %dma_wait3A, %dma_wait3A_379] : memref<8193x2x40xi32, #tpu.memory_space<hbm>> -> memref<64x2x40xi32, #tpu.memory_space<hbm>>
      %dma_wait3A_381 = arith.constant 0 : i32
      %dma_wait3A_382 = arith.constant 0 : i32
      %dma_wait3A_383 = tpu.memref_slice %arg3[%add3A_8, %dma_wait3A_381, %dma_wait3A_382] : memref<8193x2x40xi32, #tpu.memory_space<hbm>> -> memref<64x2x40xi32, #tpu.memory_space<hbm>>
      tpu.wait_dma2 semaphore(%run_scoped3A : memref<!tpu.dma_semaphore, #tpu.memory_space<semaphore_mem>>) src(%dma_wait3A_383 : memref<64x2x40xi32, #tpu.memory_space<hbm>>) dst(%arg9 : memref<64x2x40xi32, #tpu.memory_space<vmem>>)
      tpu.yield
    }) : () -> ()
    "tpu.region"() ({
      %run_scoped3A = tpu.sem_alloc : memref<!tpu.dma_semaphore, #tpu.memory_space<semaphore_mem>>
      %dma_start3A_373 = arith.constant 0 : i32
      %dma_start3A_374 = tpu.memref_slice %arg8[%mul3A_0, %dma_start3A_373] : memref<10240x128xf32, #tpu.memory_space<vmem_shared>> -> memref<640x128xf32, #tpu.memory_space<vmem_shared>>
      tpu.enqueue_dma source(%arg4 : memref<640x128xf32, #tpu.memory_space<hbm>>) target(%dma_start3A_374 : memref<640x128xf32, #tpu.memory_space<vmem_shared>>) target_semaphore(%run_scoped3A : memref<!tpu.dma_semaphore, #tpu.memory_space<semaphore_mem>>)
      %dma_wait3A = arith.constant 0 : i32
      %dma_wait3A_375 = tpu.memref_slice %arg8[%mul3A_0, %dma_wait3A] : memref<10240x128xf32, #tpu.memory_space<vmem_shared>> -> memref<640x128xf32, #tpu.memory_space<vmem_shared>>
      tpu.wait_dma2 semaphore(%run_scoped3A : memref<!tpu.dma_semaphore, #tpu.memory_space<semaphore_mem>>) src(%arg4 : memref<640x128xf32, #tpu.memory_space<hbm>>) dst(%dma_wait3A_375 : memref<640x128xf32, #tpu.memory_space<vmem_shared>>)
      tpu.yield
    }) : () -> ()
    %barrier3A = arith.constant 0 : index
    tpu.barrier barrier_id(%barrier3A)
    %dma_start3A = arith.constant 0 : i32
    %dma_start3A_12 = arith.constant 0 : i32
    %dma_start3A_13 = arith.constant 0 : i32
    %dma_start3A_14 = arith.constant 0 : i32
    %dma_start3A_15 = tpu.memref_slice %arg10[%dma_start3A_13, %dma_start3A_14] : memref<160x128xf32, #tpu.memory_space<vmem>> -> memref<40x128xf32, #tpu.memory_space<vmem>>
    %dma_start3A_16 = arith.constant 0 : i32
    %dma_start3A_17 = tpu.memref_slice %arg9[%dma_start3A, %dma_start3A_12, %dma_start3A_16] : memref<64x2x40xi32, #tpu.memory_space<vmem>> -> memref<1x1x40xi32, #tpu.memory_space<vmem>>
    %dma_start3A_18 = tpu.memref_squeeze %dma_start3A_17 : memref<1x1x40xi32, #tpu.memory_space<vmem>> -> memref<40xi32, #tpu.memory_space<vmem>>
    %dma_start3A_19 = arith.constant 0 : i32
    %dma_start3A_20 = arith.constant 0 : i32
    %dma_start3A_21 = tpu.memref_slice %arg2[%dma_start3A_19, %dma_start3A_20] : memref<10008x128xf32, #tpu.memory_space<hbm>> -> memref<10008x128xf32, #tpu.memory_space<hbm>>
    tpu.enqueue_indirect_dma source(%dma_start3A_21 : memref<10008x128xf32, #tpu.memory_space<hbm>>) target(%dma_start3A_15 : memref<40x128xf32, #tpu.memory_space<vmem>>) offsets(%dma_start3A_18 : memref<40xi32, #tpu.memory_space<vmem>>) semaphore(%arg11 : memref<!tpu.dma_semaphore, #tpu.memory_space<semaphore_mem>>)
    %dma_start3A_22 = arith.constant 1 : i32
    %dma_start3A_23 = arith.constant 0 : i32
    %dma_start3A_24 = arith.constant 40 : i32
    %dma_start3A_25 = arith.constant 0 : i32
    %dma_start3A_26 = tpu.memref_slice %arg10[%dma_start3A_24, %dma_start3A_25] : memref<160x128xf32, #tpu.memory_space<vmem>> -> memref<40x128xf32, #tpu.memory_space<vmem>>
    %dma_start3A_27 = arith.constant 0 : i32
    %dma_start3A_28 = tpu.memref_slice %arg9[%dma_start3A_22, %dma_start3A_23, %dma_start3A_27] : memref<64x2x40xi32, #tpu.memory_space<vmem>> -> memref<1x1x40xi32, #tpu.memory_space<vmem>>
    %dma_start3A_29 = tpu.memref_squeeze %dma_start3A_28 : memref<1x1x40xi32, #tpu.memory_space<vmem>> -> memref<40xi32, #tpu.memory_space<vmem>>
    %dma_start3A_30 = arith.constant 0 : i32
    %dma_start3A_31 = arith.constant 0 : i32
    %dma_start3A_32 = tpu.memref_slice %arg2[%dma_start3A_30, %dma_start3A_31] : memref<10008x128xf32, #tpu.memory_space<hbm>> -> memref<10008x128xf32, #tpu.memory_space<hbm>>
    tpu.enqueue_indirect_dma source(%dma_start3A_32 : memref<10008x128xf32, #tpu.memory_space<hbm>>) target(%dma_start3A_26 : memref<40x128xf32, #tpu.memory_space<vmem>>) offsets(%dma_start3A_29 : memref<40xi32, #tpu.memory_space<vmem>>) semaphore(%arg12 : memref<!tpu.dma_semaphore, #tpu.memory_space<semaphore_mem>>)
    %dma_start3A_33 = arith.constant 2 : i32
    %dma_start3A_34 = arith.constant 0 : i32
    %dma_start3A_35 = arith.constant 80 : i32
    %dma_start3A_36 = arith.constant 0 : i32
    %dma_start3A_37 = tpu.memref_slice %arg10[%dma_start3A_35, %dma_start3A_36] : memref<160x128xf32, #tpu.memory_space<vmem>> -> memref<40x128xf32, #tpu.memory_space<vmem>>
    %dma_start3A_38 = arith.constant 0 : i32
    %dma_start3A_39 = tpu.memref_slice %arg9[%dma_start3A_33, %dma_start3A_34, %dma_start3A_38] : memref<64x2x40xi32, #tpu.memory_space<vmem>> -> memref<1x1x40xi32, #tpu.memory_space<vmem>>
    %dma_start3A_40 = tpu.memref_squeeze %dma_start3A_39 : memref<1x1x40xi32, #tpu.memory_space<vmem>> -> memref<40xi32, #tpu.memory_space<vmem>>
    %dma_start3A_41 = arith.constant 0 : i32
    %dma_start3A_42 = arith.constant 0 : i32
    %dma_start3A_43 = tpu.memref_slice %arg2[%dma_start3A_41, %dma_start3A_42] : memref<10008x128xf32, #tpu.memory_space<hbm>> -> memref<10008x128xf32, #tpu.memory_space<hbm>>
    tpu.enqueue_indirect_dma source(%dma_start3A_43 : memref<10008x128xf32, #tpu.memory_space<hbm>>) target(%dma_start3A_37 : memref<40x128xf32, #tpu.memory_space<vmem>>) offsets(%dma_start3A_40 : memref<40xi32, #tpu.memory_space<vmem>>) semaphore(%arg13 : memref<!tpu.dma_semaphore, #tpu.memory_space<semaphore_mem>>)
    %dma_start3A_44 = arith.constant 3 : i32
    %dma_start3A_45 = arith.constant 0 : i32
    %dma_start3A_46 = arith.constant 120 : i32
    %dma_start3A_47 = arith.constant 0 : i32
    %dma_start3A_48 = tpu.memref_slice %arg10[%dma_start3A_46, %dma_start3A_47] : memref<160x128xf32, #tpu.memory_space<vmem>> -> memref<40x128xf32, #tpu.memory_space<vmem>>
    %dma_start3A_49 = arith.constant 0 : i32
    %dma_start3A_50 = tpu.memref_slice %arg9[%dma_start3A_44, %dma_start3A_45, %dma_start3A_49] : memref<64x2x40xi32, #tpu.memory_space<vmem>> -> memref<1x1x40xi32, #tpu.memory_space<vmem>>
    %dma_start3A_51 = tpu.memref_squeeze %dma_start3A_50 : memref<1x1x40xi32, #tpu.memory_space<vmem>> -> memref<40xi32, #tpu.memory_space<vmem>>
    %dma_start3A_52 = arith.constant 0 : i32
    %dma_start3A_53 = arith.constant 0 : i32
    %dma_start3A_54 = tpu.memref_slice %arg2[%dma_start3A_52, %dma_start3A_53] : memref<10008x128xf32, #tpu.memory_space<hbm>> -> memref<10008x128xf32, #tpu.memory_space<hbm>>
    tpu.enqueue_indirect_dma source(%dma_start3A_54 : memref<10008x128xf32, #tpu.memory_space<hbm>>) target(%dma_start3A_48 : memref<40x128xf32, #tpu.memory_space<vmem>>) offsets(%dma_start3A_51 : memref<40xi32, #tpu.memory_space<vmem>>) semaphore(%arg14 : memref<!tpu.dma_semaphore, #tpu.memory_space<semaphore_mem>>)
    %scan3A = arith.constant 0 : i32
    %scan3A_55 = arith.constant 0 : i32
    %scan3A_56 = arith.constant 16 : i32
    %scan3A_57 = arith.addi %scan3A_55, %scan3A_56 : i32
    %scan3A_58 = arith.constant 1 : i32
    scf.for %scan3A_373 = %scan3A_55 to %scan3A_57 step %scan3A_58  : i32 {
      %mul3A_374 = arith.constant 4 : i32
      %mul3A_375 = arith.muli %mul3A_374, %scan3A_373 : i32
      %add3A_376 = arith.constant 0 : i32
      %add3A_377 = arith.addi %mul3A_375, %add3A_376 : i32
      %dma_wait3A = arith.constant 0 : i32
      %dma_wait3A_378 = arith.constant 0 : i32
      %dma_wait3A_379 = arith.constant 0 : i32
      %dma_wait3A_380 = tpu.memref_slice %arg10[%dma_wait3A_378, %dma_wait3A_379] : memref<160x128xf32, #tpu.memory_space<vmem>> -> memref<40x128xf32, #tpu.memory_space<vmem>>
      %dma_wait3A_381 = arith.constant 0 : i32
      %dma_wait3A_382 = tpu.memref_slice %arg9[%add3A_377, %dma_wait3A, %dma_wait3A_381] : memref<64x2x40xi32, #tpu.memory_space<vmem>> -> memref<1x1x40xi32, #tpu.memory_space<vmem>>
      %dma_wait3A_383 = tpu.memref_squeeze %dma_wait3A_382 : memref<1x1x40xi32, #tpu.memory_space<vmem>> -> memref<40xi32, #tpu.memory_space<vmem>>
      %dma_wait3A_384 = arith.constant 0 : i32
      %dma_wait3A_385 = arith.constant 0 : i32
      %dma_wait3A_386 = tpu.memref_slice %arg2[%dma_wait3A_384, %dma_wait3A_385] : memref<10008x128xf32, #tpu.memory_space<hbm>> -> memref<10008x128xf32, #tpu.memory_space<hbm>>
      tpu.wait_indirect_dma semaphore(%arg11 : memref<!tpu.dma_semaphore, #tpu.memory_space<semaphore_mem>>) src(%dma_wait3A_386 : memref<10008x128xf32, #tpu.memory_space<hbm>>) dst(%dma_wait3A_380 : memref<40x128xf32, #tpu.memory_space<vmem>>)
      %add3A_387 = arith.constant 0 : i32
      %add3A_388 = arith.addi %mul3A_375, %add3A_387 : i32
      %dma_start3A_389 = arith.constant 1 : i32
      %dma_start3A_390 = arith.constant 0 : i32
      %dma_start3A_391 = arith.constant 0 : i32
      %dma_start3A_392 = tpu.memref_slice %arg10[%dma_start3A_390, %dma_start3A_391] : memref<160x128xf32, #tpu.memory_space<vmem>> -> memref<40x128xf32, #tpu.memory_space<vmem>>
      %dma_start3A_393 = arith.constant 0 : i32
      %dma_start3A_394 = tpu.memref_slice %arg9[%add3A_388, %dma_start3A_389, %dma_start3A_393] : memref<64x2x40xi32, #tpu.memory_space<vmem>> -> memref<1x1x40xi32, #tpu.memory_space<vmem>>
      %dma_start3A_395 = tpu.memref_squeeze %dma_start3A_394 : memref<1x1x40xi32, #tpu.memory_space<vmem>> -> memref<40xi32, #tpu.memory_space<vmem>>
      %dma_start3A_396 = arith.constant 0 : i32
      %dma_start3A_397 = arith.constant 0 : i32
      %dma_start3A_398 = tpu.memref_slice %arg8[%dma_start3A_396, %dma_start3A_397] : memref<10240x128xf32, #tpu.memory_space<vmem_shared>> -> memref<10240x128xf32, #tpu.memory_space<vmem_shared>>
      tpu.enqueue_indirect_dma source(%dma_start3A_392 : memref<40x128xf32, #tpu.memory_space<vmem>>) target(%dma_start3A_398 : memref<10240x128xf32, #tpu.memory_space<vmem_shared>>) offsets(%dma_start3A_395 : memref<40xi32, #tpu.memory_space<vmem>>) semaphore(%arg15 : memref<!tpu.dma_semaphore, #tpu.memory_space<semaphore_mem>>) {add = true}
      %add3A_399 = arith.constant 1 : i32
      %add3A_400 = arith.addi %mul3A_375, %add3A_399 : i32
      %dma_wait3A_401 = arith.constant 0 : i32
      %dma_wait3A_402 = arith.constant 40 : i32
      %dma_wait3A_403 = arith.constant 0 : i32
      %dma_wait3A_404 = tpu.memref_slice %arg10[%dma_wait3A_402, %dma_wait3A_403] : memref<160x128xf32, #tpu.memory_space<vmem>> -> memref<40x128xf32, #tpu.memory_space<vmem>>
      %dma_wait3A_405 = arith.constant 0 : i32
      %dma_wait3A_406 = tpu.memref_slice %arg9[%add3A_400, %dma_wait3A_401, %dma_wait3A_405] : memref<64x2x40xi32, #tpu.memory_space<vmem>> -> memref<1x1x40xi32, #tpu.memory_space<vmem>>
      %dma_wait3A_407 = tpu.memref_squeeze %dma_wait3A_406 : memref<1x1x40xi32, #tpu.memory_space<vmem>> -> memref<40xi32, #tpu.memory_space<vmem>>
      %dma_wait3A_408 = arith.constant 0 : i32
      %dma_wait3A_409 = arith.constant 0 : i32
      %dma_wait3A_410 = tpu.memref_slice %arg2[%dma_wait3A_408, %dma_wait3A_409] : memref<10008x128xf32, #tpu.memory_space<hbm>> -> memref<10008x128xf32, #tpu.memory_space<hbm>>
      tpu.wait_indirect_dma semaphore(%arg12 : memref<!tpu.dma_semaphore, #tpu.memory_space<semaphore_mem>>) src(%dma_wait3A_410 : memref<10008x128xf32, #tpu.memory_space<hbm>>) dst(%dma_wait3A_404 : memref<40x128xf32, #tpu.memory_space<vmem>>)
      %add3A_411 = arith.constant 1 : i32
      %add3A_412 = arith.addi %mul3A_375, %add3A_411 : i32
      %dma_start3A_413 = arith.constant 1 : i32
      %dma_start3A_414 = arith.constant 40 : i32
      %dma_start3A_415 = arith.constant 0 : i32
      %dma_start3A_416 = tpu.memref_slice %arg10[%dma_start3A_414, %dma_start3A_415] : memref<160x128xf32, #tpu.memory_space<vmem>> -> memref<40x128xf32, #tpu.memory_space<vmem>>
      %dma_start3A_417 = arith.constant 0 : i32
      %dma_start3A_418 = tpu.memref_slice %arg9[%add3A_412, %dma_start3A_413, %dma_start3A_417] : memref<64x2x40xi32, #tpu.memory_space<vmem>> -> memref<1x1x40xi32, #tpu.memory_space<vmem>>
      %dma_start3A_419 = tpu.memref_squeeze %dma_start3A_418 : memref<1x1x40xi32, #tpu.memory_space<vmem>> -> memref<40xi32, #tpu.memory_space<vmem>>
      %dma_start3A_420 = arith.constant 0 : i32
      %dma_start3A_421 = arith.constant 0 : i32
      %dma_start3A_422 = tpu.memref_slice %arg8[%dma_start3A_420, %dma_start3A_421] : memref<10240x128xf32, #tpu.memory_space<vmem_shared>> -> memref<10240x128xf32, #tpu.memory_space<vmem_shared>>
      tpu.enqueue_indirect_dma source(%dma_start3A_416 : memref<40x128xf32, #tpu.memory_space<vmem>>) target(%dma_start3A_422 : memref<10240x128xf32, #tpu.memory_space<vmem_shared>>) offsets(%dma_start3A_419 : memref<40xi32, #tpu.memory_space<vmem>>) semaphore(%arg16 : memref<!tpu.dma_semaphore, #tpu.memory_space<semaphore_mem>>) {add = true}
      %add3A_423 = arith.constant 2 : i32
      %add3A_424 = arith.addi %mul3A_375, %add3A_423 : i32
      %dma_wait3A_425 = arith.constant 0 : i32
      %dma_wait3A_426 = arith.constant 80 : i32
      %dma_wait3A_427 = arith.constant 0 : i32
      %dma_wait3A_428 = tpu.memref_slice %arg10[%dma_wait3A_426, %dma_wait3A_427] : memref<160x128xf32, #tpu.memory_space<vmem>> -> memref<40x128xf32, #tpu.memory_space<vmem>>
      %dma_wait3A_429 = arith.constant 0 : i32
      %dma_wait3A_430 = tpu.memref_slice %arg9[%add3A_424, %dma_wait3A_425, %dma_wait3A_429] : memref<64x2x40xi32, #tpu.memory_space<vmem>> -> memref<1x1x40xi32, #tpu.memory_space<vmem>>
      %dma_wait3A_431 = tpu.memref_squeeze %dma_wait3A_430 : memref<1x1x40xi32, #tpu.memory_space<vmem>> -> memref<40xi32, #tpu.memory_space<vmem>>
      %dma_wait3A_432 = arith.constant 0 : i32
      %dma_wait3A_433 = arith.constant 0 : i32
      %dma_wait3A_434 = tpu.memref_slice %arg2[%dma_wait3A_432, %dma_wait3A_433] : memref<10008x128xf32, #tpu.memory_space<hbm>> -> memref<10008x128xf32, #tpu.memory_space<hbm>>
      tpu.wait_indirect_dma semaphore(%arg13 : memref<!tpu.dma_semaphore, #tpu.memory_space<semaphore_mem>>) src(%dma_wait3A_434 : memref<10008x128xf32, #tpu.memory_space<hbm>>) dst(%dma_wait3A_428 : memref<40x128xf32, #tpu.memory_space<vmem>>)
      %add3A_435 = arith.constant 2 : i32
      %add3A_436 = arith.addi %mul3A_375, %add3A_435 : i32
      %dma_start3A_437 = arith.constant 1 : i32
      %dma_start3A_438 = arith.constant 80 : i32
      %dma_start3A_439 = arith.constant 0 : i32
      %dma_start3A_440 = tpu.memref_slice %arg10[%dma_start3A_438, %dma_start3A_439] : memref<160x128xf32, #tpu.memory_space<vmem>> -> memref<40x128xf32, #tpu.memory_space<vmem>>
      %dma_start3A_441 = arith.constant 0 : i32
      %dma_start3A_442 = tpu.memref_slice %arg9[%add3A_436, %dma_start3A_437, %dma_start3A_441] : memref<64x2x40xi32, #tpu.memory_space<vmem>> -> memref<1x1x40xi32, #tpu.memory_space<vmem>>
      %dma_start3A_443 = tpu.memref_squeeze %dma_start3A_442 : memref<1x1x40xi32, #tpu.memory_space<vmem>> -> memref<40xi32, #tpu.memory_space<vmem>>
      %dma_start3A_444 = arith.constant 0 : i32
      %dma_start3A_445 = arith.constant 0 : i32
      %dma_start3A_446 = tpu.memref_slice %arg8[%dma_start3A_444, %dma_start3A_445] : memref<10240x128xf32, #tpu.memory_space<vmem_shared>> -> memref<10240x128xf32, #tpu.memory_space<vmem_shared>>
      tpu.enqueue_indirect_dma source(%dma_start3A_440 : memref<40x128xf32, #tpu.memory_space<vmem>>) target(%dma_start3A_446 : memref<10240x128xf32, #tpu.memory_space<vmem_shared>>) offsets(%dma_start3A_443 : memref<40xi32, #tpu.memory_space<vmem>>) semaphore(%arg17 : memref<!tpu.dma_semaphore, #tpu.memory_space<semaphore_mem>>) {add = true}
      %add3A_447 = arith.constant 3 : i32
      %add3A_448 = arith.addi %mul3A_375, %add3A_447 : i32
      %dma_wait3A_449 = arith.constant 0 : i32
      %dma_wait3A_450 = arith.constant 120 : i32
      %dma_wait3A_451 = arith.constant 0 : i32
      %dma_wait3A_452 = tpu.memref_slice %arg10[%dma_wait3A_450, %dma_wait3A_451] : memref<160x128xf32, #tpu.memory_space<vmem>> -> memref<40x128xf32, #tpu.memory_space<vmem>>
      %dma_wait3A_453 = arith.constant 0 : i32
      %dma_wait3A_454 = tpu.memref_slice %arg9[%add3A_448, %dma_wait3A_449, %dma_wait3A_453] : memref<64x2x40xi32, #tpu.memory_space<vmem>> -> memref<1x1x40xi32, #tpu.memory_space<vmem>>
      %dma_wait3A_455 = tpu.memref_squeeze %dma_wait3A_454 : memref<1x1x40xi32, #tpu.memory_space<vmem>> -> memref<40xi32, #tpu.memory_space<vmem>>
      %dma_wait3A_456 = arith.constant 0 : i32
      %dma_wait3A_457 = arith.constant 0 : i32
      %dma_wait3A_458 = tpu.memref_slice %arg2[%dma_wait3A_456, %dma_wait3A_457] : memref<10008x128xf32, #tpu.memory_space<hbm>> -> memref<10008x128xf32, #tpu.memory_space<hbm>>
      tpu.wait_indirect_dma semaphore(%arg14 : memref<!tpu.dma_semaphore, #tpu.memory_space<semaphore_mem>>) src(%dma_wait3A_458 : memref<10008x128xf32, #tpu.memory_space<hbm>>) dst(%dma_wait3A_452 : memref<40x128xf32, #tpu.memory_space<vmem>>)
      %add3A_459 = arith.constant 3 : i32
      %add3A_460 = arith.addi %mul3A_375, %add3A_459 : i32
      %dma_start3A_461 = arith.constant 1 : i32
      %dma_start3A_462 = arith.constant 120 : i32
      %dma_start3A_463 = arith.constant 0 : i32
      %dma_start3A_464 = tpu.memref_slice %arg10[%dma_start3A_462, %dma_start3A_463] : memref<160x128xf32, #tpu.memory_space<vmem>> -> memref<40x128xf32, #tpu.memory_space<vmem>>
      %dma_start3A_465 = arith.constant 0 : i32
      %dma_start3A_466 = tpu.memref_slice %arg9[%add3A_460, %dma_start3A_461, %dma_start3A_465] : memref<64x2x40xi32, #tpu.memory_space<vmem>> -> memref<1x1x40xi32, #tpu.memory_space<vmem>>
      %dma_start3A_467 = tpu.memref_squeeze %dma_start3A_466 : memref<1x1x40xi32, #tpu.memory_space<vmem>> -> memref<40xi32, #tpu.memory_space<vmem>>
      %dma_start3A_468 = arith.constant 0 : i32
      %dma_start3A_469 = arith.constant 0 : i32
      %dma_start3A_470 = tpu.memref_slice %arg8[%dma_start3A_468, %dma_start3A_469] : memref<10240x128xf32, #tpu.memory_space<vmem_shared>> -> memref<10240x128xf32, #tpu.memory_space<vmem_shared>>
      tpu.enqueue_indirect_dma source(%dma_start3A_464 : memref<40x128xf32, #tpu.memory_space<vmem>>) target(%dma_start3A_470 : memref<10240x128xf32, #tpu.memory_space<vmem_shared>>) offsets(%dma_start3A_467 : memref<40xi32, #tpu.memory_space<vmem>>) semaphore(%arg18 : memref<!tpu.dma_semaphore, #tpu.memory_space<semaphore_mem>>) {add = true}
      %add3A_471 = arith.constant 0 : i32
      %add3A_472 = arith.addi %mul3A_375, %add3A_471 : i32
      %dma_wait3A_473 = arith.constant 1 : i32
      %dma_wait3A_474 = arith.constant 0 : i32
      %dma_wait3A_475 = arith.constant 0 : i32
      %dma_wait3A_476 = tpu.memref_slice %arg10[%dma_wait3A_474, %dma_wait3A_475] : memref<160x128xf32, #tpu.memory_space<vmem>> -> memref<40x128xf32, #tpu.memory_space<vmem>>
      %dma_wait3A_477 = arith.constant 0 : i32
      %dma_wait3A_478 = tpu.memref_slice %arg9[%add3A_472, %dma_wait3A_473, %dma_wait3A_477] : memref<64x2x40xi32, #tpu.memory_space<vmem>> -> memref<1x1x40xi32, #tpu.memory_space<vmem>>
      %dma_wait3A_479 = tpu.memref_squeeze %dma_wait3A_478 : memref<1x1x40xi32, #tpu.memory_space<vmem>> -> memref<40xi32, #tpu.memory_space<vmem>>
      %dma_wait3A_480 = arith.constant 0 : i32
      %dma_wait3A_481 = arith.constant 0 : i32
      %dma_wait3A_482 = tpu.memref_slice %arg8[%dma_wait3A_480, %dma_wait3A_481] : memref<10240x128xf32, #tpu.memory_space<vmem_shared>> -> memref<10240x128xf32, #tpu.memory_space<vmem_shared>>
      tpu.wait_indirect_dma semaphore(%arg15 : memref<!tpu.dma_semaphore, #tpu.memory_space<semaphore_mem>>) src(%dma_wait3A_476 : memref<40x128xf32, #tpu.memory_space<vmem>>) dst(%dma_wait3A_482 : memref<10240x128xf32, #tpu.memory_space<vmem_shared>>)
      %lt3A = arith.constant 15 : i32
      %lt3A_483 = arith.cmpi slt, %scan3A_373, %lt3A : i32
      %convert_element_type3A = arith.extui %lt3A_483 : i1 to i32
      %cond3A = arith.constant 0 : i32
      %cond3A_484 = arith.cmpi ne, %convert_element_type3A, %cond3A : i32
      scf.if %cond3A_484 {
        %add3A_536 = arith.constant 4 : i32
        %add3A_537 = arith.addi %mul3A_375, %add3A_536 : i32
        %add3A_538 = arith.constant 0 : i32
        %add3A_539 = arith.addi %add3A_537, %add3A_538 : i32
        %dma_start3A_540 = arith.constant 0 : i32
        %dma_start3A_541 = arith.constant 0 : i32
        %dma_start3A_542 = arith.constant 0 : i32
        %dma_start3A_543 = tpu.memref_slice %arg10[%dma_start3A_541, %dma_start3A_542] : memref<160x128xf32, #tpu.memory_space<vmem>> -> memref<40x128xf32, #tpu.memory_space<vmem>>
        %dma_start3A_544 = arith.constant 0 : i32
        %dma_start3A_545 = tpu.memref_slice %arg9[%add3A_539, %dma_start3A_540, %dma_start3A_544] : memref<64x2x40xi32, #tpu.memory_space<vmem>> -> memref<1x1x40xi32, #tpu.memory_space<vmem>>
        %dma_start3A_546 = tpu.memref_squeeze %dma_start3A_545 : memref<1x1x40xi32, #tpu.memory_space<vmem>> -> memref<40xi32, #tpu.memory_space<vmem>>
        %dma_start3A_547 = arith.constant 0 : i32
        %dma_start3A_548 = arith.constant 0 : i32
        %dma_start3A_549 = tpu.memref_slice %arg2[%dma_start3A_547, %dma_start3A_548] : memref<10008x128xf32, #tpu.memory_space<hbm>> -> memref<10008x128xf32, #tpu.memory_space<hbm>>
        tpu.enqueue_indirect_dma source(%dma_start3A_549 : memref<10008x128xf32, #tpu.memory_space<hbm>>) target(%dma_start3A_543 : memref<40x128xf32, #tpu.memory_space<vmem>>) offsets(%dma_start3A_546 : memref<40xi32, #tpu.memory_space<vmem>>) semaphore(%arg11 : memref<!tpu.dma_semaphore, #tpu.memory_space<semaphore_mem>>)
      } else {
      }
      %add3A_485 = arith.constant 1 : i32
      %add3A_486 = arith.addi %mul3A_375, %add3A_485 : i32
      %dma_wait3A_487 = arith.constant 1 : i32
      %dma_wait3A_488 = arith.constant 40 : i32
      %dma_wait3A_489 = arith.constant 0 : i32
      %dma_wait3A_490 = tpu.memref_slice %arg10[%dma_wait3A_488, %dma_wait3A_489] : memref<160x128xf32, #tpu.memory_space<vmem>> -> memref<40x128xf32, #tpu.memory_space<vmem>>
      %dma_wait3A_491 = arith.constant 0 : i32
      %dma_wait3A_492 = tpu.memref_slice %arg9[%add3A_486, %dma_wait3A_487, %dma_wait3A_491] : memref<64x2x40xi32, #tpu.memory_space<vmem>> -> memref<1x1x40xi32, #tpu.memory_space<vmem>>
      %dma_wait3A_493 = tpu.memref_squeeze %dma_wait3A_492 : memref<1x1x40xi32, #tpu.memory_space<vmem>> -> memref<40xi32, #tpu.memory_space<vmem>>
      %dma_wait3A_494 = arith.constant 0 : i32
      %dma_wait3A_495 = arith.constant 0 : i32
      %dma_wait3A_496 = tpu.memref_slice %arg8[%dma_wait3A_494, %dma_wait3A_495] : memref<10240x128xf32, #tpu.memory_space<vmem_shared>> -> memref<10240x128xf32, #tpu.memory_space<vmem_shared>>
      tpu.wait_indirect_dma semaphore(%arg16 : memref<!tpu.dma_semaphore, #tpu.memory_space<semaphore_mem>>) src(%dma_wait3A_490 : memref<40x128xf32, #tpu.memory_space<vmem>>) dst(%dma_wait3A_496 : memref<10240x128xf32, #tpu.memory_space<vmem_shared>>)
      %lt3A_497 = arith.constant 15 : i32
      %lt3A_498 = arith.cmpi slt, %scan3A_373, %lt3A_497 : i32
      %convert_element_type3A_499 = arith.extui %lt3A_498 : i1 to i32
      %cond3A_500 = arith.constant 0 : i32
      %cond3A_501 = arith.cmpi ne, %convert_element_type3A_499, %cond3A_500 : i32
      scf.if %cond3A_501 {
        %add3A_536 = arith.constant 4 : i32
        %add3A_537 = arith.addi %mul3A_375, %add3A_536 : i32
        %add3A_538 = arith.constant 1 : i32
        %add3A_539 = arith.addi %add3A_537, %add3A_538 : i32
        %dma_start3A_540 = arith.constant 0 : i32
        %dma_start3A_541 = arith.constant 40 : i32
        %dma_start3A_542 = arith.constant 0 : i32
        %dma_start3A_543 = tpu.memref_slice %arg10[%dma_start3A_541, %dma_start3A_542] : memref<160x128xf32, #tpu.memory_space<vmem>> -> memref<40x128xf32, #tpu.memory_space<vmem>>
        %dma_start3A_544 = arith.constant 0 : i32
        %dma_start3A_545 = tpu.memref_slice %arg9[%add3A_539, %dma_start3A_540, %dma_start3A_544] : memref<64x2x40xi32, #tpu.memory_space<vmem>> -> memref<1x1x40xi32, #tpu.memory_space<vmem>>
        %dma_start3A_546 = tpu.memref_squeeze %dma_start3A_545 : memref<1x1x40xi32, #tpu.memory_space<vmem>> -> memref<40xi32, #tpu.memory_space<vmem>>
        %dma_start3A_547 = arith.constant 0 : i32
        %dma_start3A_548 = arith.constant 0 : i32
        %dma_start3A_549 = tpu.memref_slice %arg2[%dma_start3A_547, %dma_start3A_548] : memref<10008x128xf32, #tpu.memory_space<hbm>> -> memref<10008x128xf32, #tpu.memory_space<hbm>>
        tpu.enqueue_indirect_dma source(%dma_start3A_549 : memref<10008x128xf32, #tpu.memory_space<hbm>>) target(%dma_start3A_543 : memref<40x128xf32, #tpu.memory_space<vmem>>) offsets(%dma_start3A_546 : memref<40xi32, #tpu.memory_space<vmem>>) semaphore(%arg12 : memref<!tpu.dma_semaphore, #tpu.memory_space<semaphore_mem>>)
      } else {
      }
      %add3A_502 = arith.constant 2 : i32
      %add3A_503 = arith.addi %mul3A_375, %add3A_502 : i32
      %dma_wait3A_504 = arith.constant 1 : i32
      %dma_wait3A_505 = arith.constant 80 : i32
      %dma_wait3A_506 = arith.constant 0 : i32
      %dma_wait3A_507 = tpu.memref_slice %arg10[%dma_wait3A_505, %dma_wait3A_506] : memref<160x128xf32, #tpu.memory_space<vmem>> -> memref<40x128xf32, #tpu.memory_space<vmem>>
      %dma_wait3A_508 = arith.constant 0 : i32
      %dma_wait3A_509 = tpu.memref_slice %arg9[%add3A_503, %dma_wait3A_504, %dma_wait3A_508] : memref<64x2x40xi32, #tpu.memory_space<vmem>> -> memref<1x1x40xi32, #tpu.memory_space<vmem>>
      %dma_wait3A_510 = tpu.memref_squeeze %dma_wait3A_509 : memref<1x1x40xi32, #tpu.memory_space<vmem>> -> memref<40xi32, #tpu.memory_space<vmem>>
      %dma_wait3A_511 = arith.constant 0 : i32
      %dma_wait3A_512 = arith.constant 0 : i32
      %dma_wait3A_513 = tpu.memref_slice %arg8[%dma_wait3A_511, %dma_wait3A_512] : memref<10240x128xf32, #tpu.memory_space<vmem_shared>> -> memref<10240x128xf32, #tpu.memory_space<vmem_shared>>
      tpu.wait_indirect_dma semaphore(%arg17 : memref<!tpu.dma_semaphore, #tpu.memory_space<semaphore_mem>>) src(%dma_wait3A_507 : memref<40x128xf32, #tpu.memory_space<vmem>>) dst(%dma_wait3A_513 : memref<10240x128xf32, #tpu.memory_space<vmem_shared>>)
      %lt3A_514 = arith.constant 15 : i32
      %lt3A_515 = arith.cmpi slt, %scan3A_373, %lt3A_514 : i32
      %convert_element_type3A_516 = arith.extui %lt3A_515 : i1 to i32
      %cond3A_517 = arith.constant 0 : i32
      %cond3A_518 = arith.cmpi ne, %convert_element_type3A_516, %cond3A_517 : i32
      scf.if %cond3A_518 {
        %add3A_536 = arith.constant 4 : i32
        %add3A_537 = arith.addi %mul3A_375, %add3A_536 : i32
        %add3A_538 = arith.constant 2 : i32
        %add3A_539 = arith.addi %add3A_537, %add3A_538 : i32
        %dma_start3A_540 = arith.constant 0 : i32
        %dma_start3A_541 = arith.constant 80 : i32
        %dma_start3A_542 = arith.constant 0 : i32
        %dma_start3A_543 = tpu.memref_slice %arg10[%dma_start3A_541, %dma_start3A_542] : memref<160x128xf32, #tpu.memory_space<vmem>> -> memref<40x128xf32, #tpu.memory_space<vmem>>
        %dma_start3A_544 = arith.constant 0 : i32
        %dma_start3A_545 = tpu.memref_slice %arg9[%add3A_539, %dma_start3A_540, %dma_start3A_544] : memref<64x2x40xi32, #tpu.memory_space<vmem>> -> memref<1x1x40xi32, #tpu.memory_space<vmem>>
        %dma_start3A_546 = tpu.memref_squeeze %dma_start3A_545 : memref<1x1x40xi32, #tpu.memory_space<vmem>> -> memref<40xi32, #tpu.memory_space<vmem>>
        %dma_start3A_547 = arith.constant 0 : i32
        %dma_start3A_548 = arith.constant 0 : i32
        %dma_start3A_549 = tpu.memref_slice %arg2[%dma_start3A_547, %dma_start3A_548] : memref<10008x128xf32, #tpu.memory_space<hbm>> -> memref<10008x128xf32, #tpu.memory_space<hbm>>
        tpu.enqueue_indirect_dma source(%dma_start3A_549 : memref<10008x128xf32, #tpu.memory_space<hbm>>) target(%dma_start3A_543 : memref<40x128xf32, #tpu.memory_space<vmem>>) offsets(%dma_start3A_546 : memref<40xi32, #tpu.memory_space<vmem>>) semaphore(%arg13 : memref<!tpu.dma_semaphore, #tpu.memory_space<semaphore_mem>>)
      } else {
      }
      %add3A_519 = arith.constant 3 : i32
      %add3A_520 = arith.addi %mul3A_375, %add3A_519 : i32
      %dma_wait3A_521 = arith.constant 1 : i32
      %dma_wait3A_522 = arith.constant 120 : i32
      %dma_wait3A_523 = arith.constant 0 : i32
      %dma_wait3A_524 = tpu.memref_slice %arg10[%dma_wait3A_522, %dma_wait3A_523] : memref<160x128xf32, #tpu.memory_space<vmem>> -> memref<40x128xf32, #tpu.memory_space<vmem>>
      %dma_wait3A_525 = arith.constant 0 : i32
      %dma_wait3A_526 = tpu.memref_slice %arg9[%add3A_520, %dma_wait3A_521, %dma_wait3A_525] : memref<64x2x40xi32, #tpu.memory_space<vmem>> -> memref<1x1x40xi32, #tpu.memory_space<vmem>>
      %dma_wait3A_527 = tpu.memref_squeeze %dma_wait3A_526 : memref<1x1x40xi32, #tpu.memory_space<vmem>> -> memref<40xi32, #tpu.memory_space<vmem>>
      %dma_wait3A_528 = arith.constant 0 : i32
      %dma_wait3A_529 = arith.constant 0 : i32
      %dma_wait3A_530 = tpu.memref_slice %arg8[%dma_wait3A_528, %dma_wait3A_529] : memref<10240x128xf32, #tpu.memory_space<vmem_shared>> -> memref<10240x128xf32, #tpu.memory_space<vmem_shared>>
      tpu.wait_indirect_dma semaphore(%arg18 : memref<!tpu.dma_semaphore, #tpu.memory_space<semaphore_mem>>) src(%dma_wait3A_524 : memref<40x128xf32, #tpu.memory_space<vmem>>) dst(%dma_wait3A_530 : memref<10240x128xf32, #tpu.memory_space<vmem_shared>>)
      %lt3A_531 = arith.constant 15 : i32
      %lt3A_532 = arith.cmpi slt, %scan3A_373, %lt3A_531 : i32
      %convert_element_type3A_533 = arith.extui %lt3A_532 : i1 to i32
      %cond3A_534 = arith.constant 0 : i32
      %cond3A_535 = arith.cmpi ne, %convert_element_type3A_533, %cond3A_534 : i32
      scf.if %cond3A_535 {
        %add3A_536 = arith.constant 4 : i32
        %add3A_537 = arith.addi %mul3A_375, %add3A_536 : i32
        %add3A_538 = arith.constant 3 : i32
        %add3A_539 = arith.addi %add3A_537, %add3A_538 : i32
        %dma_start3A_540 = arith.constant 0 : i32
        %dma_start3A_541 = arith.constant 120 : i32
        %dma_start3A_542 = arith.constant 0 : i32
        %dma_start3A_543 = tpu.memref_slice %arg10[%dma_start3A_541, %dma_start3A_542] : memref<160x128xf32, #tpu.memory_space<vmem>> -> memref<40x128xf32, #tpu.memory_space<vmem>>
        %dma_start3A_544 = arith.constant 0 : i32
        %dma_start3A_545 = tpu.memref_slice %arg9[%add3A_539, %dma_start3A_540, %dma_start3A_544] : memref<64x2x40xi32, #tpu.memory_space<vmem>> -> memref<1x1x40xi32, #tpu.memory_space<vmem>>
        %dma_start3A_546 = tpu.memref_squeeze %dma_start3A_545 : memref<1x1x40xi32, #tpu.memory_space<vmem>> -> memref<40xi32, #tpu.memory_space<vmem>>
        %dma_start3A_547 = arith.constant 0 : i32
        %dma_start3A_548 = arith.constant 0 : i32
        %dma_start3A_549 = tpu.memref_slice %arg2[%dma_start3A_547, %dma_start3A_548] : memref<10008x128xf32, #tpu.memory_space<hbm>> -> memref<10008x128xf32, #tpu.memory_space<hbm>>
        tpu.enqueue_indirect_dma source(%dma_start3A_549 : memref<10008x128xf32, #tpu.memory_space<hbm>>) target(%dma_start3A_543 : memref<40x128xf32, #tpu.memory_space<vmem>>) offsets(%dma_start3A_546 : memref<40xi32, #tpu.memory_space<vmem>>) semaphore(%arg14 : memref<!tpu.dma_semaphore, #tpu.memory_space<semaphore_mem>>)
      } else {
      }
    }
    %scan3A_59 = arith.constant 16 : i32
    %barrier3A_60 = arith.constant 0 : index
    tpu.barrier barrier_id(%barrier3A_60)
    "tpu.region"() ({
      %run_scoped3A = tpu.sem_alloc : memref<!tpu.dma_semaphore, #tpu.memory_space<semaphore_mem>>
      %dma_start3A_373 = arith.constant 0 : i32
      %dma_start3A_374 = tpu.memref_slice %arg6[%add3A_11, %dma_start3A_373] : memref<81920x128xf32, #tpu.memory_space<hbm>> -> memref<640x128xf32, #tpu.memory_space<hbm>>
      %dma_start3A_375 = arith.constant 0 : i32
      %dma_start3A_376 = tpu.memref_slice %arg8[%mul3A_0, %dma_start3A_375] : memref<10240x128xf32, #tpu.memory_space<vmem_shared>> -> memref<640x128xf32, #tpu.memory_space<vmem_shared>>
      tpu.enqueue_dma source(%dma_start3A_376 : memref<640x128xf32, #tpu.memory_space<vmem_shared>>) target(%dma_start3A_374 : memref<640x128xf32, #tpu.memory_space<hbm>>) target_semaphore(%run_scoped3A : memref<!tpu.dma_semaphore, #tpu.memory_space<semaphore_mem>>)
      %dma_wait3A = arith.constant 0 : i32
      %dma_wait3A_377 = tpu.memref_slice %arg6[%add3A_11, %dma_wait3A] : memref<81920x128xf32, #tpu.memory_space<hbm>> -> memref<640x128xf32, #tpu.memory_space<hbm>>
      %dma_wait3A_378 = arith.constant 0 : i32
      %dma_wait3A_379 = tpu.memref_slice %arg8[%mul3A_0, %dma_wait3A_378] : memref<10240x128xf32, #tpu.memory_space<vmem_shared>> -> memref<640x128xf32, #tpu.memory_space<vmem_shared>>
      tpu.wait_dma2 semaphore(%run_scoped3A : memref<!tpu.dma_semaphore, #tpu.memory_space<semaphore_mem>>) src(%dma_wait3A_379 : memref<640x128xf32, #tpu.memory_space<vmem_shared>>) dst(%dma_wait3A_377 : memref<640x128xf32, #tpu.memory_space<hbm>>)
      tpu.yield
    }) : () -> ()
    "tpu.region"() ({
      %run_scoped3A = tpu.sem_alloc : memref<!tpu.dma_semaphore, #tpu.memory_space<semaphore_mem>>
      %dma_start3A_373 = arith.constant 0 : i32
      %dma_start3A_374 = tpu.memref_slice %arg8[%mul3A_0, %dma_start3A_373] : memref<10240x128xf32, #tpu.memory_space<vmem_shared>> -> memref<640x128xf32, #tpu.memory_space<vmem_shared>>
      tpu.enqueue_dma source(%arg4 : memref<640x128xf32, #tpu.memory_space<hbm>>) target(%dma_start3A_374 : memref<640x128xf32, #tpu.memory_space<vmem_shared>>) target_semaphore(%run_scoped3A : memref<!tpu.dma_semaphore, #tpu.memory_space<semaphore_mem>>)
      %dma_wait3A = arith.constant 0 : i32
      %dma_wait3A_375 = tpu.memref_slice %arg8[%mul3A_0, %dma_wait3A] : memref<10240x128xf32, #tpu.memory_space<vmem_shared>> -> memref<640x128xf32, #tpu.memory_space<vmem_shared>>
      tpu.wait_dma2 semaphore(%run_scoped3A : memref<!tpu.dma_semaphore, #tpu.memory_space<semaphore_mem>>) src(%arg4 : memref<640x128xf32, #tpu.memory_space<hbm>>) dst(%dma_wait3A_375 : memref<640x128xf32, #tpu.memory_space<vmem_shared>>)
      tpu.yield
    }) : () -> ()
    "tpu.region"() ({
      %run_scoped3A = tpu.sem_alloc : memref<!tpu.dma_semaphore, #tpu.memory_space<semaphore_mem>>
      %dma_start3A_373 = arith.constant 0 : i32
      %dma_start3A_374 = arith.constant 0 : i32
      %dma_start3A_375 = tpu.memref_slice %arg10[%dma_start3A_373, %dma_start3A_374] : memref<160x128xf32, #tpu.memory_space<vmem>> -> memref<40x128xf32, #tpu.memory_space<vmem>>
      %dma_start3A_376 = arith.constant 0 : i32
      %dma_start3A_377 = arith.constant 0 : i32
      %dma_start3A_378 = tpu.memref_slice %arg10[%dma_start3A_376, %dma_start3A_377] : memref<160x128xf32, #tpu.memory_space<vmem>> -> memref<40x128xf32, #tpu.memory_space<vmem>>
      tpu.enqueue_dma source(%arg5 : memref<40x128xf32, #tpu.memory_space<hbm>>) target(%dma_start3A_378 : memref<40x128xf32, #tpu.memory_space<vmem>>) target_semaphore(%run_scoped3A : memref<!tpu.dma_semaphore, #tpu.memory_space<semaphore_mem>>)
      %dma_wait3A = arith.constant 0 : i32
      %dma_wait3A_379 = arith.constant 0 : i32
      %dma_wait3A_380 = tpu.memref_slice %arg10[%dma_wait3A, %dma_wait3A_379] : memref<160x128xf32, #tpu.memory_space<vmem>> -> memref<40x128xf32, #tpu.memory_space<vmem>>
      %dma_wait3A_381 = arith.constant 0 : i32
      %dma_wait3A_382 = arith.constant 0 : i32
      %dma_wait3A_383 = tpu.memref_slice %arg10[%dma_wait3A_381, %dma_wait3A_382] : memref<160x128xf32, #tpu.memory_space<vmem>> -> memref<40x128xf32, #tpu.memory_space<vmem>>
      tpu.wait_dma2 semaphore(%run_scoped3A : memref<!tpu.dma_semaphore, #tpu.memory_space<semaphore_mem>>) src(%arg5 : memref<40x128xf32, #tpu.memory_space<hbm>>) dst(%dma_wait3A_383 : memref<40x128xf32, #tpu.memory_space<vmem>>)
      tpu.yield
    }) : () -> ()
    %barrier3A_61 = arith.constant 0 : index
    tpu.barrier barrier_id(%barrier3A_61)
    %dma_start3A_62 = arith.constant 0 : i32
    %dma_start3A_63 = arith.constant 1 : i32
    %dma_start3A_64 = arith.constant 0 : i32
    %dma_start3A_65 = arith.constant 0 : i32
    %dma_start3A_66 = tpu.memref_slice %arg10[%dma_start3A_64, %dma_start3A_65] : memref<160x128xf32, #tpu.memory_space<vmem>> -> memref<40x128xf32, #tpu.memory_space<vmem>>
    %dma_start3A_67 = arith.constant 0 : i32
    %dma_start3A_68 = tpu.memref_slice %arg9[%dma_start3A_62, %dma_start3A_63, %dma_start3A_67] : memref<64x2x40xi32, #tpu.memory_space<vmem>> -> memref<1x1x40xi32, #tpu.memory_space<vmem>>
    %dma_start3A_69 = tpu.memref_squeeze %dma_start3A_68 : memref<1x1x40xi32, #tpu.memory_space<vmem>> -> memref<40xi32, #tpu.memory_space<vmem>>
    %dma_start3A_70 = arith.constant 0 : i32
    %dma_start3A_71 = arith.constant 0 : i32
    %dma_start3A_72 = tpu.memref_slice %arg8[%dma_start3A_70, %dma_start3A_71] : memref<10240x128xf32, #tpu.memory_space<vmem_shared>> -> memref<10240x128xf32, #tpu.memory_space<vmem_shared>>
    tpu.enqueue_indirect_dma source(%dma_start3A_66 : memref<40x128xf32, #tpu.memory_space<vmem>>) target(%dma_start3A_72 : memref<10240x128xf32, #tpu.memory_space<vmem_shared>>) offsets(%dma_start3A_69 : memref<40xi32, #tpu.memory_space<vmem>>) semaphore(%arg15 : memref<!tpu.dma_semaphore, #tpu.memory_space<semaphore_mem>>) {add = true}
    %dma_start3A_73 = arith.constant 1 : i32
    %dma_start3A_74 = arith.constant 1 : i32
    %dma_start3A_75 = arith.constant 0 : i32
    %dma_start3A_76 = arith.constant 0 : i32
    %dma_start3A_77 = tpu.memref_slice %arg10[%dma_start3A_75, %dma_start3A_76] : memref<160x128xf32, #tpu.memory_space<vmem>> -> memref<40x128xf32, #tpu.memory_space<vmem>>
    %dma_start3A_78 = arith.constant 0 : i32
    %dma_start3A_79 = tpu.memref_slice %arg9[%dma_start3A_73, %dma_start3A_74, %dma_start3A_78] : memref<64x2x40xi32, #tpu.memory_space<vmem>> -> memref<1x1x40xi32, #tpu.memory_space<vmem>>
    %dma_start3A_80 = tpu.memref_squeeze %dma_start3A_79 : memref<1x1x40xi32, #tpu.memory_space<vmem>> -> memref<40xi32, #tpu.memory_space<vmem>>
    %dma_start3A_81 = arith.constant 0 : i32
    %dma_start3A_82 = arith.constant 0 : i32
    %dma_start3A_83 = tpu.memref_slice %arg8[%dma_start3A_81, %dma_start3A_82] : memref<10240x128xf32, #tpu.memory_space<vmem_shared>> -> memref<10240x128xf32, #tpu.memory_space<vmem_shared>>
    tpu.enqueue_indirect_dma source(%dma_start3A_77 : memref<40x128xf32, #tpu.memory_space<vmem>>) target(%dma_start3A_83 : memref<10240x128xf32, #tpu.memory_space<vmem_shared>>) offsets(%dma_start3A_80 : memref<40xi32, #tpu.memory_space<vmem>>) semaphore(%arg16 : memref<!tpu.dma_semaphore, #tpu.memory_space<semaphore_mem>>) {add = true}
    %scan3A_84 = arith.constant 0 : i32
    %scan3A_85 = arith.constant 0 : i32
    %scan3A_86 = arith.constant 32 : i32
    %scan3A_87 = arith.addi %scan3A_85, %scan3A_86 : i32
    %scan3A_88 = arith.constant 1 : i32
    scf.for %scan3A_373 = %scan3A_85 to %scan3A_87 step %scan3A_88  : i32 {
      %mul3A_374 = arith.constant 2 : i32
      %mul3A_375 = arith.muli %mul3A_374, %scan3A_373 : i32
      %dma_wait3A = arith.constant 1 : i32
      %dma_wait3A_376 = arith.constant 0 : i32
      %dma_wait3A_377 = arith.constant 0 : i32
      %dma_wait3A_378 = tpu.memref_slice %arg10[%dma_wait3A_376, %dma_wait3A_377] : memref<160x128xf32, #tpu.memory_space<vmem>> -> memref<40x128xf32, #tpu.memory_space<vmem>>
      %dma_wait3A_379 = arith.constant 0 : i32
      %dma_wait3A_380 = tpu.memref_slice %arg9[%mul3A_375, %dma_wait3A, %dma_wait3A_379] : memref<64x2x40xi32, #tpu.memory_space<vmem>> -> memref<1x1x40xi32, #tpu.memory_space<vmem>>
      %dma_wait3A_381 = tpu.memref_squeeze %dma_wait3A_380 : memref<1x1x40xi32, #tpu.memory_space<vmem>> -> memref<40xi32, #tpu.memory_space<vmem>>
      %dma_wait3A_382 = arith.constant 0 : i32
      %dma_wait3A_383 = arith.constant 0 : i32
      %dma_wait3A_384 = tpu.memref_slice %arg8[%dma_wait3A_382, %dma_wait3A_383] : memref<10240x128xf32, #tpu.memory_space<vmem_shared>> -> memref<10240x128xf32, #tpu.memory_space<vmem_shared>>
      tpu.wait_indirect_dma semaphore(%arg15 : memref<!tpu.dma_semaphore, #tpu.memory_space<semaphore_mem>>) src(%dma_wait3A_378 : memref<40x128xf32, #tpu.memory_space<vmem>>) dst(%dma_wait3A_384 : memref<10240x128xf32, #tpu.memory_space<vmem_shared>>)
      %lt3A = arith.constant 31 : i32
      %lt3A_385 = arith.cmpi slt, %scan3A_373, %lt3A : i32
      %convert_element_type3A = arith.extui %lt3A_385 : i1 to i32
      %cond3A = arith.constant 0 : i32
      %cond3A_386 = arith.cmpi ne, %convert_element_type3A, %cond3A : i32
      scf.if %cond3A_386 {
        %add3A_404 = arith.constant 2 : i32
        %add3A_405 = arith.addi %mul3A_375, %add3A_404 : i32
        %dma_start3A_406 = arith.constant 1 : i32
        %dma_start3A_407 = arith.constant 0 : i32
        %dma_start3A_408 = arith.constant 0 : i32
        %dma_start3A_409 = tpu.memref_slice %arg10[%dma_start3A_407, %dma_start3A_408] : memref<160x128xf32, #tpu.memory_space<vmem>> -> memref<40x128xf32, #tpu.memory_space<vmem>>
        %dma_start3A_410 = arith.constant 0 : i32
        %dma_start3A_411 = tpu.memref_slice %arg9[%add3A_405, %dma_start3A_406, %dma_start3A_410] : memref<64x2x40xi32, #tpu.memory_space<vmem>> -> memref<1x1x40xi32, #tpu.memory_space<vmem>>
        %dma_start3A_412 = tpu.memref_squeeze %dma_start3A_411 : memref<1x1x40xi32, #tpu.memory_space<vmem>> -> memref<40xi32, #tpu.memory_space<vmem>>
        %dma_start3A_413 = arith.constant 0 : i32
        %dma_start3A_414 = arith.constant 0 : i32
        %dma_start3A_415 = tpu.memref_slice %arg8[%dma_start3A_413, %dma_start3A_414] : memref<10240x128xf32, #tpu.memory_space<vmem_shared>> -> memref<10240x128xf32, #tpu.memory_space<vmem_shared>>
        tpu.enqueue_indirect_dma source(%dma_start3A_409 : memref<40x128xf32, #tpu.memory_space<vmem>>) target(%dma_start3A_415 : memref<10240x128xf32, #tpu.memory_space<vmem_shared>>) offsets(%dma_start3A_412 : memref<40xi32, #tpu.memory_space<vmem>>) semaphore(%arg15 : memref<!tpu.dma_semaphore, #tpu.memory_space<semaphore_mem>>) {add = true}
      } else {
      }
      %add3A_387 = arith.constant 1 : i32
      %add3A_388 = arith.addi %mul3A_375, %add3A_387 : i32
      %dma_wait3A_389 = arith.constant 1 : i32
      %dma_wait3A_390 = arith.constant 0 : i32
      %dma_wait3A_391 = arith.constant 0 : i32
      %dma_wait3A_392 = tpu.memref_slice %arg10[%dma_wait3A_390, %dma_wait3A_391] : memref<160x128xf32, #tpu.memory_space<vmem>> -> memref<40x128xf32, #tpu.memory_space<vmem>>
      %dma_wait3A_393 = arith.constant 0 : i32
      %dma_wait3A_394 = tpu.memref_slice %arg9[%add3A_388, %dma_wait3A_389, %dma_wait3A_393] : memref<64x2x40xi32, #tpu.memory_space<vmem>> -> memref<1x1x40xi32, #tpu.memory_space<vmem>>
      %dma_wait3A_395 = tpu.memref_squeeze %dma_wait3A_394 : memref<1x1x40xi32, #tpu.memory_space<vmem>> -> memref<40xi32, #tpu.memory_space<vmem>>
      %dma_wait3A_396 = arith.constant 0 : i32
      %dma_wait3A_397 = arith.constant 0 : i32
      %dma_wait3A_398 = tpu.memref_slice %arg8[%dma_wait3A_396, %dma_wait3A_397] : memref<10240x128xf32, #tpu.memory_space<vmem_shared>> -> memref<10240x128xf32, #tpu.memory_space<vmem_shared>>
      tpu.wait_indirect_dma semaphore(%arg16 : memref<!tpu.dma_semaphore, #tpu.memory_space<semaphore_mem>>) src(%dma_wait3A_392 : memref<40x128xf32, #tpu.memory_space<vmem>>) dst(%dma_wait3A_398 : memref<10240x128xf32, #tpu.memory_space<vmem_shared>>)
      %lt3A_399 = arith.constant 31 : i32
      %lt3A_400 = arith.cmpi slt, %scan3A_373, %lt3A_399 : i32
      %convert_element_type3A_401 = arith.extui %lt3A_400 : i1 to i32
      %cond3A_402 = arith.constant 0 : i32
      %cond3A_403 = arith.cmpi ne, %convert_element_type3A_401, %cond3A_402 : i32
      scf.if %cond3A_403 {
        %add3A_404 = arith.constant 3 : i32
        %add3A_405 = arith.addi %mul3A_375, %add3A_404 : i32
        %dma_start3A_406 = arith.constant 1 : i32
        %dma_start3A_407 = arith.constant 0 : i32
        %dma_start3A_408 = arith.constant 0 : i32
        %dma_start3A_409 = tpu.memref_slice %arg10[%dma_start3A_407, %dma_start3A_408] : memref<160x128xf32, #tpu.memory_space<vmem>> -> memref<40x128xf32, #tpu.memory_space<vmem>>
        %dma_start3A_410 = arith.constant 0 : i32
        %dma_start3A_411 = tpu.memref_slice %arg9[%add3A_405, %dma_start3A_406, %dma_start3A_410] : memref<64x2x40xi32, #tpu.memory_space<vmem>> -> memref<1x1x40xi32, #tpu.memory_space<vmem>>
        %dma_start3A_412 = tpu.memref_squeeze %dma_start3A_411 : memref<1x1x40xi32, #tpu.memory_space<vmem>> -> memref<40xi32, #tpu.memory_space<vmem>>
        %dma_start3A_413 = arith.constant 0 : i32
        %dma_start3A_414 = arith.constant 0 : i32
        %dma_start3A_415 = tpu.memref_slice %arg8[%dma_start3A_413, %dma_start3A_414] : memref<10240x128xf32, #tpu.memory_space<vmem_shared>> -> memref<10240x128xf32, #tpu.memory_space<vmem_shared>>
        tpu.enqueue_indirect_dma source(%dma_start3A_409 : memref<40x128xf32, #tpu.memory_space<vmem>>) target(%dma_start3A_415 : memref<10240x128xf32, #tpu.memory_space<vmem_shared>>) offsets(%dma_start3A_412 : memref<40xi32, #tpu.memory_space<vmem>>) semaphore(%arg16 : memref<!tpu.dma_semaphore, #tpu.memory_space<semaphore_mem>>) {add = true}
      } else {
      }
    }
    %scan3A_89 = arith.constant 32 : i32
    %barrier3A_90 = arith.constant 0 : index
    tpu.barrier barrier_id(%barrier3A_90)
    "tpu.region"() ({
      %run_scoped3A = tpu.sem_alloc : memref<!tpu.dma_semaphore, #tpu.memory_space<semaphore_mem>>
      %dma_start3A_373 = arith.constant 0 : i32
      %dma_start3A_374 = tpu.memref_slice %arg7[%add3A_11, %dma_start3A_373] : memref<81920x128xf32, #tpu.memory_space<hbm>> -> memref<640x128xf32, #tpu.memory_space<hbm>>
      %dma_start3A_375 = arith.constant 0 : i32
      %dma_start3A_376 = tpu.memref_slice %arg8[%mul3A_0, %dma_start3A_375] : memref<10240x128xf32, #tpu.memory_space<vmem_shared>> -> memref<640x128xf32, #tpu.memory_space<vmem_shared>>
      tpu.enqueue_dma source(%dma_start3A_376 : memref<640x128xf32, #tpu.memory_space<vmem_shared>>) target(%dma_start3A_374 : memref<640x128xf32, #tpu.memory_space<hbm>>) target_semaphore(%run_scoped3A : memref<!tpu.dma_semaphore, #tpu.memory_space<semaphore_mem>>)
      %dma_wait3A = arith.constant 0 : i32
      %dma_wait3A_377 = tpu.memref_slice %arg7[%add3A_11, %dma_wait3A] : memref<81920x128xf32, #tpu.memory_space<hbm>> -> memref<640x128xf32, #tpu.memory_space<hbm>>
      %dma_wait3A_378 = arith.constant 0 : i32
      %dma_wait3A_379 = tpu.memref_slice %arg8[%mul3A_0, %dma_wait3A_378] : memref<10240x128xf32, #tpu.memory_space<vmem_shared>> -> memref<640x128xf32, #tpu.memory_space<vmem_shared>>
      tpu.wait_dma2 semaphore(%run_scoped3A : memref<!tpu.dma_semaphore, #tpu.memory_space<semaphore_mem>>) src(%dma_wait3A_379 : memref<640x128xf32, #tpu.memory_space<vmem_shared>>) dst(%dma_wait3A_377 : memref<640x128xf32, #tpu.memory_space<hbm>>)
      tpu.yield
    }) : () -> ()
    %mul3A_91 = arith.constant 4 : i32
    %mul3A_92 = arith.muli %arg0, %mul3A_91 : i32
    %add3A_93 = arith.constant 1 : i32
    %add3A_94 = arith.addi %mul3A_92, %add3A_93 : i32
    %mul3A_95 = arith.constant 1024 : i32
    %mul3A_96 = arith.muli %add3A_94, %mul3A_95 : i32
    %mul3A_97 = arith.constant 64 : i32
    %mul3A_98 = arith.muli %arg1, %mul3A_97 : i32
    %add3A_99 = arith.addi %mul3A_96, %mul3A_98 : i32
    %mul3A_100 = arith.constant 10240 : i32
    %mul3A_101 = arith.muli %add3A_94, %mul3A_100 : i32
    %add3A_102 = arith.addi %mul3A_101, %mul3A_0 : i32
    "tpu.region"() ({
      %run_scoped3A = tpu.sem_alloc : memref<!tpu.dma_semaphore, #tpu.memory_space<semaphore_mem>>
      %dma_start3A_373 = arith.constant 0 : i32
      %dma_start3A_374 = arith.constant 0 : i32
      %dma_start3A_375 = tpu.memref_slice %arg3[%add3A_99, %dma_start3A_373, %dma_start3A_374] : memref<8193x2x40xi32, #tpu.memory_space<hbm>> -> memref<64x2x40xi32, #tpu.memory_space<hbm>>
      %dma_start3A_376 = arith.constant 0 : i32
      %dma_start3A_377 = arith.constant 0 : i32
      %dma_start3A_378 = tpu.memref_slice %arg3[%add3A_99, %dma_start3A_376, %dma_start3A_377] : memref<8193x2x40xi32, #tpu.memory_space<hbm>> -> memref<64x2x40xi32, #tpu.memory_space<hbm>>
      tpu.enqueue_dma source(%dma_start3A_378 : memref<64x2x40xi32, #tpu.memory_space<hbm>>) target(%arg9 : memref<64x2x40xi32, #tpu.memory_space<vmem>>) target_semaphore(%run_scoped3A : memref<!tpu.dma_semaphore, #tpu.memory_space<semaphore_mem>>)
      %dma_wait3A = arith.constant 0 : i32
      %dma_wait3A_379 = arith.constant 0 : i32
      %dma_wait3A_380 = tpu.memref_slice %arg3[%add3A_99, %dma_wait3A, %dma_wait3A_379] : memref<8193x2x40xi32, #tpu.memory_space<hbm>> -> memref<64x2x40xi32, #tpu.memory_space<hbm>>
      %dma_wait3A_381 = arith.constant 0 : i32
      %dma_wait3A_382 = arith.constant 0 : i32
      %dma_wait3A_383 = tpu.memref_slice %arg3[%add3A_99, %dma_wait3A_381, %dma_wait3A_382] : memref<8193x2x40xi32, #tpu.memory_space<hbm>> -> memref<64x2x40xi32, #tpu.memory_space<hbm>>
      tpu.wait_dma2 semaphore(%run_scoped3A : memref<!tpu.dma_semaphore, #tpu.memory_space<semaphore_mem>>) src(%dma_wait3A_383 : memref<64x2x40xi32, #tpu.memory_space<hbm>>) dst(%arg9 : memref<64x2x40xi32, #tpu.memory_space<vmem>>)
      tpu.yield
    }) : () -> ()
    "tpu.region"() ({
      %run_scoped3A = tpu.sem_alloc : memref<!tpu.dma_semaphore, #tpu.memory_space<semaphore_mem>>
      %dma_start3A_373 = arith.constant 0 : i32
      %dma_start3A_374 = tpu.memref_slice %arg8[%mul3A_0, %dma_start3A_373] : memref<10240x128xf32, #tpu.memory_space<vmem_shared>> -> memref<640x128xf32, #tpu.memory_space<vmem_shared>>
      tpu.enqueue_dma source(%arg4 : memref<640x128xf32, #tpu.memory_space<hbm>>) target(%dma_start3A_374 : memref<640x128xf32, #tpu.memory_space<vmem_shared>>) target_semaphore(%run_scoped3A : memref<!tpu.dma_semaphore, #tpu.memory_space<semaphore_mem>>)
      %dma_wait3A = arith.constant 0 : i32
      %dma_wait3A_375 = tpu.memref_slice %arg8[%mul3A_0, %dma_wait3A] : memref<10240x128xf32, #tpu.memory_space<vmem_shared>> -> memref<640x128xf32, #tpu.memory_space<vmem_shared>>
      tpu.wait_dma2 semaphore(%run_scoped3A : memref<!tpu.dma_semaphore, #tpu.memory_space<semaphore_mem>>) src(%arg4 : memref<640x128xf32, #tpu.memory_space<hbm>>) dst(%dma_wait3A_375 : memref<640x128xf32, #tpu.memory_space<vmem_shared>>)
      tpu.yield
    }) : () -> ()
    %barrier3A_103 = arith.constant 0 : index
    tpu.barrier barrier_id(%barrier3A_103)
    %dma_start3A_104 = arith.constant 0 : i32
    %dma_start3A_105 = arith.constant 0 : i32
    %dma_start3A_106 = arith.constant 0 : i32
    %dma_start3A_107 = arith.constant 0 : i32
    %dma_start3A_108 = tpu.memref_slice %arg10[%dma_start3A_106, %dma_start3A_107] : memref<160x128xf32, #tpu.memory_space<vmem>> -> memref<40x128xf32, #tpu.memory_space<vmem>>
    %dma_start3A_109 = arith.constant 0 : i32
    %dma_start3A_110 = tpu.memref_slice %arg9[%dma_start3A_104, %dma_start3A_105, %dma_start3A_109] : memref<64x2x40xi32, #tpu.memory_space<vmem>> -> memref<1x1x40xi32, #tpu.memory_space<vmem>>
    %dma_start3A_111 = tpu.memref_squeeze %dma_start3A_110 : memref<1x1x40xi32, #tpu.memory_space<vmem>> -> memref<40xi32, #tpu.memory_space<vmem>>
    %dma_start3A_112 = arith.constant 0 : i32
    %dma_start3A_113 = arith.constant 0 : i32
    %dma_start3A_114 = tpu.memref_slice %arg2[%dma_start3A_112, %dma_start3A_113] : memref<10008x128xf32, #tpu.memory_space<hbm>> -> memref<10008x128xf32, #tpu.memory_space<hbm>>
    tpu.enqueue_indirect_dma source(%dma_start3A_114 : memref<10008x128xf32, #tpu.memory_space<hbm>>) target(%dma_start3A_108 : memref<40x128xf32, #tpu.memory_space<vmem>>) offsets(%dma_start3A_111 : memref<40xi32, #tpu.memory_space<vmem>>) semaphore(%arg11 : memref<!tpu.dma_semaphore, #tpu.memory_space<semaphore_mem>>)
    %dma_start3A_115 = arith.constant 1 : i32
    %dma_start3A_116 = arith.constant 0 : i32
    %dma_start3A_117 = arith.constant 40 : i32
    %dma_start3A_118 = arith.constant 0 : i32
    %dma_start3A_119 = tpu.memref_slice %arg10[%dma_start3A_117, %dma_start3A_118] : memref<160x128xf32, #tpu.memory_space<vmem>> -> memref<40x128xf32, #tpu.memory_space<vmem>>
    %dma_start3A_120 = arith.constant 0 : i32
    %dma_start3A_121 = tpu.memref_slice %arg9[%dma_start3A_115, %dma_start3A_116, %dma_start3A_120] : memref<64x2x40xi32, #tpu.memory_space<vmem>> -> memref<1x1x40xi32, #tpu.memory_space<vmem>>
    %dma_start3A_122 = tpu.memref_squeeze %dma_start3A_121 : memref<1x1x40xi32, #tpu.memory_space<vmem>> -> memref<40xi32, #tpu.memory_space<vmem>>
    %dma_start3A_123 = arith.constant 0 : i32
    %dma_start3A_124 = arith.constant 0 : i32
    %dma_start3A_125 = tpu.memref_slice %arg2[%dma_start3A_123, %dma_start3A_124] : memref<10008x128xf32, #tpu.memory_space<hbm>> -> memref<10008x128xf32, #tpu.memory_space<hbm>>
    tpu.enqueue_indirect_dma source(%dma_start3A_125 : memref<10008x128xf32, #tpu.memory_space<hbm>>) target(%dma_start3A_119 : memref<40x128xf32, #tpu.memory_space<vmem>>) offsets(%dma_start3A_122 : memref<40xi32, #tpu.memory_space<vmem>>) semaphore(%arg12 : memref<!tpu.dma_semaphore, #tpu.memory_space<semaphore_mem>>)
    %dma_start3A_126 = arith.constant 2 : i32
    %dma_start3A_127 = arith.constant 0 : i32
    %dma_start3A_128 = arith.constant 80 : i32
    %dma_start3A_129 = arith.constant 0 : i32
    %dma_start3A_130 = tpu.memref_slice %arg10[%dma_start3A_128, %dma_start3A_129] : memref<160x128xf32, #tpu.memory_space<vmem>> -> memref<40x128xf32, #tpu.memory_space<vmem>>
    %dma_start3A_131 = arith.constant 0 : i32
    %dma_start3A_132 = tpu.memref_slice %arg9[%dma_start3A_126, %dma_start3A_127, %dma_start3A_131] : memref<64x2x40xi32, #tpu.memory_space<vmem>> -> memref<1x1x40xi32, #tpu.memory_space<vmem>>
    %dma_start3A_133 = tpu.memref_squeeze %dma_start3A_132 : memref<1x1x40xi32, #tpu.memory_space<vmem>> -> memref<40xi32, #tpu.memory_space<vmem>>
    %dma_start3A_134 = arith.constant 0 : i32
    %dma_start3A_135 = arith.constant 0 : i32
    %dma_start3A_136 = tpu.memref_slice %arg2[%dma_start3A_134, %dma_start3A_135] : memref<10008x128xf32, #tpu.memory_space<hbm>> -> memref<10008x128xf32, #tpu.memory_space<hbm>>
    tpu.enqueue_indirect_dma source(%dma_start3A_136 : memref<10008x128xf32, #tpu.memory_space<hbm>>) target(%dma_start3A_130 : memref<40x128xf32, #tpu.memory_space<vmem>>) offsets(%dma_start3A_133 : memref<40xi32, #tpu.memory_space<vmem>>) semaphore(%arg13 : memref<!tpu.dma_semaphore, #tpu.memory_space<semaphore_mem>>)
    %dma_start3A_137 = arith.constant 3 : i32
    %dma_start3A_138 = arith.constant 0 : i32
    %dma_start3A_139 = arith.constant 120 : i32
    %dma_start3A_140 = arith.constant 0 : i32
    %dma_start3A_141 = tpu.memref_slice %arg10[%dma_start3A_139, %dma_start3A_140] : memref<160x128xf32, #tpu.memory_space<vmem>> -> memref<40x128xf32, #tpu.memory_space<vmem>>
    %dma_start3A_142 = arith.constant 0 : i32
    %dma_start3A_143 = tpu.memref_slice %arg9[%dma_start3A_137, %dma_start3A_138, %dma_start3A_142] : memref<64x2x40xi32, #tpu.memory_space<vmem>> -> memref<1x1x40xi32, #tpu.memory_space<vmem>>
    %dma_start3A_144 = tpu.memref_squeeze %dma_start3A_143 : memref<1x1x40xi32, #tpu.memory_space<vmem>> -> memref<40xi32, #tpu.memory_space<vmem>>
    %dma_start3A_145 = arith.constant 0 : i32
    %dma_start3A_146 = arith.constant 0 : i32
    %dma_start3A_147 = tpu.memref_slice %arg2[%dma_start3A_145, %dma_start3A_146] : memref<10008x128xf32, #tpu.memory_space<hbm>> -> memref<10008x128xf32, #tpu.memory_space<hbm>>
    tpu.enqueue_indirect_dma source(%dma_start3A_147 : memref<10008x128xf32, #tpu.memory_space<hbm>>) target(%dma_start3A_141 : memref<40x128xf32, #tpu.memory_space<vmem>>) offsets(%dma_start3A_144 : memref<40xi32, #tpu.memory_space<vmem>>) semaphore(%arg14 : memref<!tpu.dma_semaphore, #tpu.memory_space<semaphore_mem>>)
    %scan3A_148 = arith.constant 0 : i32
    %scan3A_149 = arith.constant 0 : i32
    %scan3A_150 = arith.constant 16 : i32
    %scan3A_151 = arith.addi %scan3A_149, %scan3A_150 : i32
    %scan3A_152 = arith.constant 1 : i32
    scf.for %scan3A_373 = %scan3A_149 to %scan3A_151 step %scan3A_152  : i32 {
      %mul3A_374 = arith.constant 4 : i32
      %mul3A_375 = arith.muli %mul3A_374, %scan3A_373 : i32
      %add3A_376 = arith.constant 0 : i32
      %add3A_377 = arith.addi %mul3A_375, %add3A_376 : i32
      %dma_wait3A = arith.constant 0 : i32
      %dma_wait3A_378 = arith.constant 0 : i32
      %dma_wait3A_379 = arith.constant 0 : i32
      %dma_wait3A_380 = tpu.memref_slice %arg10[%dma_wait3A_378, %dma_wait3A_379] : memref<160x128xf32, #tpu.memory_space<vmem>> -> memref<40x128xf32, #tpu.memory_space<vmem>>
      %dma_wait3A_381 = arith.constant 0 : i32
      %dma_wait3A_382 = tpu.memref_slice %arg9[%add3A_377, %dma_wait3A, %dma_wait3A_381] : memref<64x2x40xi32, #tpu.memory_space<vmem>> -> memref<1x1x40xi32, #tpu.memory_space<vmem>>
      %dma_wait3A_383 = tpu.memref_squeeze %dma_wait3A_382 : memref<1x1x40xi32, #tpu.memory_space<vmem>> -> memref<40xi32, #tpu.memory_space<vmem>>
      %dma_wait3A_384 = arith.constant 0 : i32
      %dma_wait3A_385 = arith.constant 0 : i32
      %dma_wait3A_386 = tpu.memref_slice %arg2[%dma_wait3A_384, %dma_wait3A_385] : memref<10008x128xf32, #tpu.memory_space<hbm>> -> memref<10008x128xf32, #tpu.memory_space<hbm>>
      tpu.wait_indirect_dma semaphore(%arg11 : memref<!tpu.dma_semaphore, #tpu.memory_space<semaphore_mem>>) src(%dma_wait3A_386 : memref<10008x128xf32, #tpu.memory_space<hbm>>) dst(%dma_wait3A_380 : memref<40x128xf32, #tpu.memory_space<vmem>>)
      %add3A_387 = arith.constant 0 : i32
      %add3A_388 = arith.addi %mul3A_375, %add3A_387 : i32
      %dma_start3A_389 = arith.constant 1 : i32
      %dma_start3A_390 = arith.constant 0 : i32
      %dma_start3A_391 = arith.constant 0 : i32
      %dma_start3A_392 = tpu.memref_slice %arg10[%dma_start3A_390, %dma_start3A_391] : memref<160x128xf32, #tpu.memory_space<vmem>> -> memref<40x128xf32, #tpu.memory_space<vmem>>
      %dma_start3A_393 = arith.constant 0 : i32
      %dma_start3A_394 = tpu.memref_slice %arg9[%add3A_388, %dma_start3A_389, %dma_start3A_393] : memref<64x2x40xi32, #tpu.memory_space<vmem>> -> memref<1x1x40xi32, #tpu.memory_space<vmem>>
      %dma_start3A_395 = tpu.memref_squeeze %dma_start3A_394 : memref<1x1x40xi32, #tpu.memory_space<vmem>> -> memref<40xi32, #tpu.memory_space<vmem>>
      %dma_start3A_396 = arith.constant 0 : i32
      %dma_start3A_397 = arith.constant 0 : i32
      %dma_start3A_398 = tpu.memref_slice %arg8[%dma_start3A_396, %dma_start3A_397] : memref<10240x128xf32, #tpu.memory_space<vmem_shared>> -> memref<10240x128xf32, #tpu.memory_space<vmem_shared>>
      tpu.enqueue_indirect_dma source(%dma_start3A_392 : memref<40x128xf32, #tpu.memory_space<vmem>>) target(%dma_start3A_398 : memref<10240x128xf32, #tpu.memory_space<vmem_shared>>) offsets(%dma_start3A_395 : memref<40xi32, #tpu.memory_space<vmem>>) semaphore(%arg15 : memref<!tpu.dma_semaphore, #tpu.memory_space<semaphore_mem>>) {add = true}
      %add3A_399 = arith.constant 1 : i32
      %add3A_400 = arith.addi %mul3A_375, %add3A_399 : i32
      %dma_wait3A_401 = arith.constant 0 : i32
      %dma_wait3A_402 = arith.constant 40 : i32
      %dma_wait3A_403 = arith.constant 0 : i32
      %dma_wait3A_404 = tpu.memref_slice %arg10[%dma_wait3A_402, %dma_wait3A_403] : memref<160x128xf32, #tpu.memory_space<vmem>> -> memref<40x128xf32, #tpu.memory_space<vmem>>
      %dma_wait3A_405 = arith.constant 0 : i32
      %dma_wait3A_406 = tpu.memref_slice %arg9[%add3A_400, %dma_wait3A_401, %dma_wait3A_405] : memref<64x2x40xi32, #tpu.memory_space<vmem>> -> memref<1x1x40xi32, #tpu.memory_space<vmem>>
      %dma_wait3A_407 = tpu.memref_squeeze %dma_wait3A_406 : memref<1x1x40xi32, #tpu.memory_space<vmem>> -> memref<40xi32, #tpu.memory_space<vmem>>
      %dma_wait3A_408 = arith.constant 0 : i32
      %dma_wait3A_409 = arith.constant 0 : i32
      %dma_wait3A_410 = tpu.memref_slice %arg2[%dma_wait3A_408, %dma_wait3A_409] : memref<10008x128xf32, #tpu.memory_space<hbm>> -> memref<10008x128xf32, #tpu.memory_space<hbm>>
      tpu.wait_indirect_dma semaphore(%arg12 : memref<!tpu.dma_semaphore, #tpu.memory_space<semaphore_mem>>) src(%dma_wait3A_410 : memref<10008x128xf32, #tpu.memory_space<hbm>>) dst(%dma_wait3A_404 : memref<40x128xf32, #tpu.memory_space<vmem>>)
      %add3A_411 = arith.constant 1 : i32
      %add3A_412 = arith.addi %mul3A_375, %add3A_411 : i32
      %dma_start3A_413 = arith.constant 1 : i32
      %dma_start3A_414 = arith.constant 40 : i32
      %dma_start3A_415 = arith.constant 0 : i32
      %dma_start3A_416 = tpu.memref_slice %arg10[%dma_start3A_414, %dma_start3A_415] : memref<160x128xf32, #tpu.memory_space<vmem>> -> memref<40x128xf32, #tpu.memory_space<vmem>>
      %dma_start3A_417 = arith.constant 0 : i32
      %dma_start3A_418 = tpu.memref_slice %arg9[%add3A_412, %dma_start3A_413, %dma_start3A_417] : memref<64x2x40xi32, #tpu.memory_space<vmem>> -> memref<1x1x40xi32, #tpu.memory_space<vmem>>
      %dma_start3A_419 = tpu.memref_squeeze %dma_start3A_418 : memref<1x1x40xi32, #tpu.memory_space<vmem>> -> memref<40xi32, #tpu.memory_space<vmem>>
      %dma_start3A_420 = arith.constant 0 : i32
      %dma_start3A_421 = arith.constant 0 : i32
      %dma_start3A_422 = tpu.memref_slice %arg8[%dma_start3A_420, %dma_start3A_421] : memref<10240x128xf32, #tpu.memory_space<vmem_shared>> -> memref<10240x128xf32, #tpu.memory_space<vmem_shared>>
      tpu.enqueue_indirect_dma source(%dma_start3A_416 : memref<40x128xf32, #tpu.memory_space<vmem>>) target(%dma_start3A_422 : memref<10240x128xf32, #tpu.memory_space<vmem_shared>>) offsets(%dma_start3A_419 : memref<40xi32, #tpu.memory_space<vmem>>) semaphore(%arg16 : memref<!tpu.dma_semaphore, #tpu.memory_space<semaphore_mem>>) {add = true}
      %add3A_423 = arith.constant 2 : i32
      %add3A_424 = arith.addi %mul3A_375, %add3A_423 : i32
      %dma_wait3A_425 = arith.constant 0 : i32
      %dma_wait3A_426 = arith.constant 80 : i32
      %dma_wait3A_427 = arith.constant 0 : i32
      %dma_wait3A_428 = tpu.memref_slice %arg10[%dma_wait3A_426, %dma_wait3A_427] : memref<160x128xf32, #tpu.memory_space<vmem>> -> memref<40x128xf32, #tpu.memory_space<vmem>>
      %dma_wait3A_429 = arith.constant 0 : i32
      %dma_wait3A_430 = tpu.memref_slice %arg9[%add3A_424, %dma_wait3A_425, %dma_wait3A_429] : memref<64x2x40xi32, #tpu.memory_space<vmem>> -> memref<1x1x40xi32, #tpu.memory_space<vmem>>
      %dma_wait3A_431 = tpu.memref_squeeze %dma_wait3A_430 : memref<1x1x40xi32, #tpu.memory_space<vmem>> -> memref<40xi32, #tpu.memory_space<vmem>>
      %dma_wait3A_432 = arith.constant 0 : i32
      %dma_wait3A_433 = arith.constant 0 : i32
      %dma_wait3A_434 = tpu.memref_slice %arg2[%dma_wait3A_432, %dma_wait3A_433] : memref<10008x128xf32, #tpu.memory_space<hbm>> -> memref<10008x128xf32, #tpu.memory_space<hbm>>
      tpu.wait_indirect_dma semaphore(%arg13 : memref<!tpu.dma_semaphore, #tpu.memory_space<semaphore_mem>>) src(%dma_wait3A_434 : memref<10008x128xf32, #tpu.memory_space<hbm>>) dst(%dma_wait3A_428 : memref<40x128xf32, #tpu.memory_space<vmem>>)
      %add3A_435 = arith.constant 2 : i32
      %add3A_436 = arith.addi %mul3A_375, %add3A_435 : i32
      %dma_start3A_437 = arith.constant 1 : i32
      %dma_start3A_438 = arith.constant 80 : i32
      %dma_start3A_439 = arith.constant 0 : i32
      %dma_start3A_440 = tpu.memref_slice %arg10[%dma_start3A_438, %dma_start3A_439] : memref<160x128xf32, #tpu.memory_space<vmem>> -> memref<40x128xf32, #tpu.memory_space<vmem>>
      %dma_start3A_441 = arith.constant 0 : i32
      %dma_start3A_442 = tpu.memref_slice %arg9[%add3A_436, %dma_start3A_437, %dma_start3A_441] : memref<64x2x40xi32, #tpu.memory_space<vmem>> -> memref<1x1x40xi32, #tpu.memory_space<vmem>>
      %dma_start3A_443 = tpu.memref_squeeze %dma_start3A_442 : memref<1x1x40xi32, #tpu.memory_space<vmem>> -> memref<40xi32, #tpu.memory_space<vmem>>
      %dma_start3A_444 = arith.constant 0 : i32
      %dma_start3A_445 = arith.constant 0 : i32
      %dma_start3A_446 = tpu.memref_slice %arg8[%dma_start3A_444, %dma_start3A_445] : memref<10240x128xf32, #tpu.memory_space<vmem_shared>> -> memref<10240x128xf32, #tpu.memory_space<vmem_shared>>
      tpu.enqueue_indirect_dma source(%dma_start3A_440 : memref<40x128xf32, #tpu.memory_space<vmem>>) target(%dma_start3A_446 : memref<10240x128xf32, #tpu.memory_space<vmem_shared>>) offsets(%dma_start3A_443 : memref<40xi32, #tpu.memory_space<vmem>>) semaphore(%arg17 : memref<!tpu.dma_semaphore, #tpu.memory_space<semaphore_mem>>) {add = true}
      %add3A_447 = arith.constant 3 : i32
      %add3A_448 = arith.addi %mul3A_375, %add3A_447 : i32
      %dma_wait3A_449 = arith.constant 0 : i32
      %dma_wait3A_450 = arith.constant 120 : i32
      %dma_wait3A_451 = arith.constant 0 : i32
      %dma_wait3A_452 = tpu.memref_slice %arg10[%dma_wait3A_450, %dma_wait3A_451] : memref<160x128xf32, #tpu.memory_space<vmem>> -> memref<40x128xf32, #tpu.memory_space<vmem>>
      %dma_wait3A_453 = arith.constant 0 : i32
      %dma_wait3A_454 = tpu.memref_slice %arg9[%add3A_448, %dma_wait3A_449, %dma_wait3A_453] : memref<64x2x40xi32, #tpu.memory_space<vmem>> -> memref<1x1x40xi32, #tpu.memory_space<vmem>>
      %dma_wait3A_455 = tpu.memref_squeeze %dma_wait3A_454 : memref<1x1x40xi32, #tpu.memory_space<vmem>> -> memref<40xi32, #tpu.memory_space<vmem>>
      %dma_wait3A_456 = arith.constant 0 : i32
      %dma_wait3A_457 = arith.constant 0 : i32
      %dma_wait3A_458 = tpu.memref_slice %arg2[%dma_wait3A_456, %dma_wait3A_457] : memref<10008x128xf32, #tpu.memory_space<hbm>> -> memref<10008x128xf32, #tpu.memory_space<hbm>>
      tpu.wait_indirect_dma semaphore(%arg14 : memref<!tpu.dma_semaphore, #tpu.memory_space<semaphore_mem>>) src(%dma_wait3A_458 : memref<10008x128xf32, #tpu.memory_space<hbm>>) dst(%dma_wait3A_452 : memref<40x128xf32, #tpu.memory_space<vmem>>)
      %add3A_459 = arith.constant 3 : i32
      %add3A_460 = arith.addi %mul3A_375, %add3A_459 : i32
      %dma_start3A_461 = arith.constant 1 : i32
      %dma_start3A_462 = arith.constant 120 : i32
      %dma_start3A_463 = arith.constant 0 : i32
      %dma_start3A_464 = tpu.memref_slice %arg10[%dma_start3A_462, %dma_start3A_463] : memref<160x128xf32, #tpu.memory_space<vmem>> -> memref<40x128xf32, #tpu.memory_space<vmem>>
      %dma_start3A_465 = arith.constant 0 : i32
      %dma_start3A_466 = tpu.memref_slice %arg9[%add3A_460, %dma_start3A_461, %dma_start3A_465] : memref<64x2x40xi32, #tpu.memory_space<vmem>> -> memref<1x1x40xi32, #tpu.memory_space<vmem>>
      %dma_start3A_467 = tpu.memref_squeeze %dma_start3A_466 : memref<1x1x40xi32, #tpu.memory_space<vmem>> -> memref<40xi32, #tpu.memory_space<vmem>>
      %dma_start3A_468 = arith.constant 0 : i32
      %dma_start3A_469 = arith.constant 0 : i32
      %dma_start3A_470 = tpu.memref_slice %arg8[%dma_start3A_468, %dma_start3A_469] : memref<10240x128xf32, #tpu.memory_space<vmem_shared>> -> memref<10240x128xf32, #tpu.memory_space<vmem_shared>>
      tpu.enqueue_indirect_dma source(%dma_start3A_464 : memref<40x128xf32, #tpu.memory_space<vmem>>) target(%dma_start3A_470 : memref<10240x128xf32, #tpu.memory_space<vmem_shared>>) offsets(%dma_start3A_467 : memref<40xi32, #tpu.memory_space<vmem>>) semaphore(%arg18 : memref<!tpu.dma_semaphore, #tpu.memory_space<semaphore_mem>>) {add = true}
      %add3A_471 = arith.constant 0 : i32
      %add3A_472 = arith.addi %mul3A_375, %add3A_471 : i32
      %dma_wait3A_473 = arith.constant 1 : i32
      %dma_wait3A_474 = arith.constant 0 : i32
      %dma_wait3A_475 = arith.constant 0 : i32
      %dma_wait3A_476 = tpu.memref_slice %arg10[%dma_wait3A_474, %dma_wait3A_475] : memref<160x128xf32, #tpu.memory_space<vmem>> -> memref<40x128xf32, #tpu.memory_space<vmem>>
      %dma_wait3A_477 = arith.constant 0 : i32
      %dma_wait3A_478 = tpu.memref_slice %arg9[%add3A_472, %dma_wait3A_473, %dma_wait3A_477] : memref<64x2x40xi32, #tpu.memory_space<vmem>> -> memref<1x1x40xi32, #tpu.memory_space<vmem>>
      %dma_wait3A_479 = tpu.memref_squeeze %dma_wait3A_478 : memref<1x1x40xi32, #tpu.memory_space<vmem>> -> memref<40xi32, #tpu.memory_space<vmem>>
      %dma_wait3A_480 = arith.constant 0 : i32
      %dma_wait3A_481 = arith.constant 0 : i32
      %dma_wait3A_482 = tpu.memref_slice %arg8[%dma_wait3A_480, %dma_wait3A_481] : memref<10240x128xf32, #tpu.memory_space<vmem_shared>> -> memref<10240x128xf32, #tpu.memory_space<vmem_shared>>
      tpu.wait_indirect_dma semaphore(%arg15 : memref<!tpu.dma_semaphore, #tpu.memory_space<semaphore_mem>>) src(%dma_wait3A_476 : memref<40x128xf32, #tpu.memory_space<vmem>>) dst(%dma_wait3A_482 : memref<10240x128xf32, #tpu.memory_space<vmem_shared>>)
      %lt3A = arith.constant 15 : i32
      %lt3A_483 = arith.cmpi slt, %scan3A_373, %lt3A : i32
      %convert_element_type3A = arith.extui %lt3A_483 : i1 to i32
      %cond3A = arith.constant 0 : i32
      %cond3A_484 = arith.cmpi ne, %convert_element_type3A, %cond3A : i32
      scf.if %cond3A_484 {
        %add3A_536 = arith.constant 4 : i32
        %add3A_537 = arith.addi %mul3A_375, %add3A_536 : i32
        %add3A_538 = arith.constant 0 : i32
        %add3A_539 = arith.addi %add3A_537, %add3A_538 : i32
        %dma_start3A_540 = arith.constant 0 : i32
        %dma_start3A_541 = arith.constant 0 : i32
        %dma_start3A_542 = arith.constant 0 : i32
        %dma_start3A_543 = tpu.memref_slice %arg10[%dma_start3A_541, %dma_start3A_542] : memref<160x128xf32, #tpu.memory_space<vmem>> -> memref<40x128xf32, #tpu.memory_space<vmem>>
        %dma_start3A_544 = arith.constant 0 : i32
        %dma_start3A_545 = tpu.memref_slice %arg9[%add3A_539, %dma_start3A_540, %dma_start3A_544] : memref<64x2x40xi32, #tpu.memory_space<vmem>> -> memref<1x1x40xi32, #tpu.memory_space<vmem>>
        %dma_start3A_546 = tpu.memref_squeeze %dma_start3A_545 : memref<1x1x40xi32, #tpu.memory_space<vmem>> -> memref<40xi32, #tpu.memory_space<vmem>>
        %dma_start3A_547 = arith.constant 0 : i32
        %dma_start3A_548 = arith.constant 0 : i32
        %dma_start3A_549 = tpu.memref_slice %arg2[%dma_start3A_547, %dma_start3A_548] : memref<10008x128xf32, #tpu.memory_space<hbm>> -> memref<10008x128xf32, #tpu.memory_space<hbm>>
        tpu.enqueue_indirect_dma source(%dma_start3A_549 : memref<10008x128xf32, #tpu.memory_space<hbm>>) target(%dma_start3A_543 : memref<40x128xf32, #tpu.memory_space<vmem>>) offsets(%dma_start3A_546 : memref<40xi32, #tpu.memory_space<vmem>>) semaphore(%arg11 : memref<!tpu.dma_semaphore, #tpu.memory_space<semaphore_mem>>)
      } else {
      }
      %add3A_485 = arith.constant 1 : i32
      %add3A_486 = arith.addi %mul3A_375, %add3A_485 : i32
      %dma_wait3A_487 = arith.constant 1 : i32
      %dma_wait3A_488 = arith.constant 40 : i32
      %dma_wait3A_489 = arith.constant 0 : i32
      %dma_wait3A_490 = tpu.memref_slice %arg10[%dma_wait3A_488, %dma_wait3A_489] : memref<160x128xf32, #tpu.memory_space<vmem>> -> memref<40x128xf32, #tpu.memory_space<vmem>>
      %dma_wait3A_491 = arith.constant 0 : i32
      %dma_wait3A_492 = tpu.memref_slice %arg9[%add3A_486, %dma_wait3A_487, %dma_wait3A_491] : memref<64x2x40xi32, #tpu.memory_space<vmem>> -> memref<1x1x40xi32, #tpu.memory_space<vmem>>
      %dma_wait3A_493 = tpu.memref_squeeze %dma_wait3A_492 : memref<1x1x40xi32, #tpu.memory_space<vmem>> -> memref<40xi32, #tpu.memory_space<vmem>>
      %dma_wait3A_494 = arith.constant 0 : i32
      %dma_wait3A_495 = arith.constant 0 : i32
      %dma_wait3A_496 = tpu.memref_slice %arg8[%dma_wait3A_494, %dma_wait3A_495] : memref<10240x128xf32, #tpu.memory_space<vmem_shared>> -> memref<10240x128xf32, #tpu.memory_space<vmem_shared>>
      tpu.wait_indirect_dma semaphore(%arg16 : memref<!tpu.dma_semaphore, #tpu.memory_space<semaphore_mem>>) src(%dma_wait3A_490 : memref<40x128xf32, #tpu.memory_space<vmem>>) dst(%dma_wait3A_496 : memref<10240x128xf32, #tpu.memory_space<vmem_shared>>)
      %lt3A_497 = arith.constant 15 : i32
      %lt3A_498 = arith.cmpi slt, %scan3A_373, %lt3A_497 : i32
      %convert_element_type3A_499 = arith.extui %lt3A_498 : i1 to i32
      %cond3A_500 = arith.constant 0 : i32
      %cond3A_501 = arith.cmpi ne, %convert_element_type3A_499, %cond3A_500 : i32
      scf.if %cond3A_501 {
        %add3A_536 = arith.constant 4 : i32
        %add3A_537 = arith.addi %mul3A_375, %add3A_536 : i32
        %add3A_538 = arith.constant 1 : i32
        %add3A_539 = arith.addi %add3A_537, %add3A_538 : i32
        %dma_start3A_540 = arith.constant 0 : i32
        %dma_start3A_541 = arith.constant 40 : i32
        %dma_start3A_542 = arith.constant 0 : i32
        %dma_start3A_543 = tpu.memref_slice %arg10[%dma_start3A_541, %dma_start3A_542] : memref<160x128xf32, #tpu.memory_space<vmem>> -> memref<40x128xf32, #tpu.memory_space<vmem>>
        %dma_start3A_544 = arith.constant 0 : i32
        %dma_start3A_545 = tpu.memref_slice %arg9[%add3A_539, %dma_start3A_540, %dma_start3A_544] : memref<64x2x40xi32, #tpu.memory_space<vmem>> -> memref<1x1x40xi32, #tpu.memory_space<vmem>>
        %dma_start3A_546 = tpu.memref_squeeze %dma_start3A_545 : memref<1x1x40xi32, #tpu.memory_space<vmem>> -> memref<40xi32, #tpu.memory_space<vmem>>
        %dma_start3A_547 = arith.constant 0 : i32
        %dma_start3A_548 = arith.constant 0 : i32
        %dma_start3A_549 = tpu.memref_slice %arg2[%dma_start3A_547, %dma_start3A_548] : memref<10008x128xf32, #tpu.memory_space<hbm>> -> memref<10008x128xf32, #tpu.memory_space<hbm>>
        tpu.enqueue_indirect_dma source(%dma_start3A_549 : memref<10008x128xf32, #tpu.memory_space<hbm>>) target(%dma_start3A_543 : memref<40x128xf32, #tpu.memory_space<vmem>>) offsets(%dma_start3A_546 : memref<40xi32, #tpu.memory_space<vmem>>) semaphore(%arg12 : memref<!tpu.dma_semaphore, #tpu.memory_space<semaphore_mem>>)
      } else {
      }
      %add3A_502 = arith.constant 2 : i32
      %add3A_503 = arith.addi %mul3A_375, %add3A_502 : i32
      %dma_wait3A_504 = arith.constant 1 : i32
      %dma_wait3A_505 = arith.constant 80 : i32
      %dma_wait3A_506 = arith.constant 0 : i32
      %dma_wait3A_507 = tpu.memref_slice %arg10[%dma_wait3A_505, %dma_wait3A_506] : memref<160x128xf32, #tpu.memory_space<vmem>> -> memref<40x128xf32, #tpu.memory_space<vmem>>
      %dma_wait3A_508 = arith.constant 0 : i32
      %dma_wait3A_509 = tpu.memref_slice %arg9[%add3A_503, %dma_wait3A_504, %dma_wait3A_508] : memref<64x2x40xi32, #tpu.memory_space<vmem>> -> memref<1x1x40xi32, #tpu.memory_space<vmem>>
      %dma_wait3A_510 = tpu.memref_squeeze %dma_wait3A_509 : memref<1x1x40xi32, #tpu.memory_space<vmem>> -> memref<40xi32, #tpu.memory_space<vmem>>
      %dma_wait3A_511 = arith.constant 0 : i32
      %dma_wait3A_512 = arith.constant 0 : i32
      %dma_wait3A_513 = tpu.memref_slice %arg8[%dma_wait3A_511, %dma_wait3A_512] : memref<10240x128xf32, #tpu.memory_space<vmem_shared>> -> memref<10240x128xf32, #tpu.memory_space<vmem_shared>>
      tpu.wait_indirect_dma semaphore(%arg17 : memref<!tpu.dma_semaphore, #tpu.memory_space<semaphore_mem>>) src(%dma_wait3A_507 : memref<40x128xf32, #tpu.memory_space<vmem>>) dst(%dma_wait3A_513 : memref<10240x128xf32, #tpu.memory_space<vmem_shared>>)
      %lt3A_514 = arith.constant 15 : i32
      %lt3A_515 = arith.cmpi slt, %scan3A_373, %lt3A_514 : i32
      %convert_element_type3A_516 = arith.extui %lt3A_515 : i1 to i32
      %cond3A_517 = arith.constant 0 : i32
      %cond3A_518 = arith.cmpi ne, %convert_element_type3A_516, %cond3A_517 : i32
      scf.if %cond3A_518 {
        %add3A_536 = arith.constant 4 : i32
        %add3A_537 = arith.addi %mul3A_375, %add3A_536 : i32
        %add3A_538 = arith.constant 2 : i32
        %add3A_539 = arith.addi %add3A_537, %add3A_538 : i32
        %dma_start3A_540 = arith.constant 0 : i32
        %dma_start3A_541 = arith.constant 80 : i32
        %dma_start3A_542 = arith.constant 0 : i32
        %dma_start3A_543 = tpu.memref_slice %arg10[%dma_start3A_541, %dma_start3A_542] : memref<160x128xf32, #tpu.memory_space<vmem>> -> memref<40x128xf32, #tpu.memory_space<vmem>>
        %dma_start3A_544 = arith.constant 0 : i32
        %dma_start3A_545 = tpu.memref_slice %arg9[%add3A_539, %dma_start3A_540, %dma_start3A_544] : memref<64x2x40xi32, #tpu.memory_space<vmem>> -> memref<1x1x40xi32, #tpu.memory_space<vmem>>
        %dma_start3A_546 = tpu.memref_squeeze %dma_start3A_545 : memref<1x1x40xi32, #tpu.memory_space<vmem>> -> memref<40xi32, #tpu.memory_space<vmem>>
        %dma_start3A_547 = arith.constant 0 : i32
        %dma_start3A_548 = arith.constant 0 : i32
        %dma_start3A_549 = tpu.memref_slice %arg2[%dma_start3A_547, %dma_start3A_548] : memref<10008x128xf32, #tpu.memory_space<hbm>> -> memref<10008x128xf32, #tpu.memory_space<hbm>>
        tpu.enqueue_indirect_dma source(%dma_start3A_549 : memref<10008x128xf32, #tpu.memory_space<hbm>>) target(%dma_start3A_543 : memref<40x128xf32, #tpu.memory_space<vmem>>) offsets(%dma_start3A_546 : memref<40xi32, #tpu.memory_space<vmem>>) semaphore(%arg13 : memref<!tpu.dma_semaphore, #tpu.memory_space<semaphore_mem>>)
      } else {
      }
      %add3A_519 = arith.constant 3 : i32
      %add3A_520 = arith.addi %mul3A_375, %add3A_519 : i32
      %dma_wait3A_521 = arith.constant 1 : i32
      %dma_wait3A_522 = arith.constant 120 : i32
      %dma_wait3A_523 = arith.constant 0 : i32
      %dma_wait3A_524 = tpu.memref_slice %arg10[%dma_wait3A_522, %dma_wait3A_523] : memref<160x128xf32, #tpu.memory_space<vmem>> -> memref<40x128xf32, #tpu.memory_space<vmem>>
      %dma_wait3A_525 = arith.constant 0 : i32
      %dma_wait3A_526 = tpu.memref_slice %arg9[%add3A_520, %dma_wait3A_521, %dma_wait3A_525] : memref<64x2x40xi32, #tpu.memory_space<vmem>> -> memref<1x1x40xi32, #tpu.memory_space<vmem>>
      %dma_wait3A_527 = tpu.memref_squeeze %dma_wait3A_526 : memref<1x1x40xi32, #tpu.memory_space<vmem>> -> memref<40xi32, #tpu.memory_space<vmem>>
      %dma_wait3A_528 = arith.constant 0 : i32
      %dma_wait3A_529 = arith.constant 0 : i32
      %dma_wait3A_530 = tpu.memref_slice %arg8[%dma_wait3A_528, %dma_wait3A_529] : memref<10240x128xf32, #tpu.memory_space<vmem_shared>> -> memref<10240x128xf32, #tpu.memory_space<vmem_shared>>
      tpu.wait_indirect_dma semaphore(%arg18 : memref<!tpu.dma_semaphore, #tpu.memory_space<semaphore_mem>>) src(%dma_wait3A_524 : memref<40x128xf32, #tpu.memory_space<vmem>>) dst(%dma_wait3A_530 : memref<10240x128xf32, #tpu.memory_space<vmem_shared>>)
      %lt3A_531 = arith.constant 15 : i32
      %lt3A_532 = arith.cmpi slt, %scan3A_373, %lt3A_531 : i32
      %convert_element_type3A_533 = arith.extui %lt3A_532 : i1 to i32
      %cond3A_534 = arith.constant 0 : i32
      %cond3A_535 = arith.cmpi ne, %convert_element_type3A_533, %cond3A_534 : i32
      scf.if %cond3A_535 {
        %add3A_536 = arith.constant 4 : i32
        %add3A_537 = arith.addi %mul3A_375, %add3A_536 : i32
        %add3A_538 = arith.constant 3 : i32
        %add3A_539 = arith.addi %add3A_537, %add3A_538 : i32
        %dma_start3A_540 = arith.constant 0 : i32
        %dma_start3A_541 = arith.constant 120 : i32
        %dma_start3A_542 = arith.constant 0 : i32
        %dma_start3A_543 = tpu.memref_slice %arg10[%dma_start3A_541, %dma_start3A_542] : memref<160x128xf32, #tpu.memory_space<vmem>> -> memref<40x128xf32, #tpu.memory_space<vmem>>
        %dma_start3A_544 = arith.constant 0 : i32
        %dma_start3A_545 = tpu.memref_slice %arg9[%add3A_539, %dma_start3A_540, %dma_start3A_544] : memref<64x2x40xi32, #tpu.memory_space<vmem>> -> memref<1x1x40xi32, #tpu.memory_space<vmem>>
        %dma_start3A_546 = tpu.memref_squeeze %dma_start3A_545 : memref<1x1x40xi32, #tpu.memory_space<vmem>> -> memref<40xi32, #tpu.memory_space<vmem>>
        %dma_start3A_547 = arith.constant 0 : i32
        %dma_start3A_548 = arith.constant 0 : i32
        %dma_start3A_549 = tpu.memref_slice %arg2[%dma_start3A_547, %dma_start3A_548] : memref<10008x128xf32, #tpu.memory_space<hbm>> -> memref<10008x128xf32, #tpu.memory_space<hbm>>
        tpu.enqueue_indirect_dma source(%dma_start3A_549 : memref<10008x128xf32, #tpu.memory_space<hbm>>) target(%dma_start3A_543 : memref<40x128xf32, #tpu.memory_space<vmem>>) offsets(%dma_start3A_546 : memref<40xi32, #tpu.memory_space<vmem>>) semaphore(%arg14 : memref<!tpu.dma_semaphore, #tpu.memory_space<semaphore_mem>>)
      } else {
      }
    }
    %scan3A_153 = arith.constant 16 : i32
    %barrier3A_154 = arith.constant 0 : index
    tpu.barrier barrier_id(%barrier3A_154)
    "tpu.region"() ({
      %run_scoped3A = tpu.sem_alloc : memref<!tpu.dma_semaphore, #tpu.memory_space<semaphore_mem>>
      %dma_start3A_373 = arith.constant 0 : i32
      %dma_start3A_374 = tpu.memref_slice %arg6[%add3A_102, %dma_start3A_373] : memref<81920x128xf32, #tpu.memory_space<hbm>> -> memref<640x128xf32, #tpu.memory_space<hbm>>
      %dma_start3A_375 = arith.constant 0 : i32
      %dma_start3A_376 = tpu.memref_slice %arg8[%mul3A_0, %dma_start3A_375] : memref<10240x128xf32, #tpu.memory_space<vmem_shared>> -> memref<640x128xf32, #tpu.memory_space<vmem_shared>>
      tpu.enqueue_dma source(%dma_start3A_376 : memref<640x128xf32, #tpu.memory_space<vmem_shared>>) target(%dma_start3A_374 : memref<640x128xf32, #tpu.memory_space<hbm>>) target_semaphore(%run_scoped3A : memref<!tpu.dma_semaphore, #tpu.memory_space<semaphore_mem>>)
      %dma_wait3A = arith.constant 0 : i32
      %dma_wait3A_377 = tpu.memref_slice %arg6[%add3A_102, %dma_wait3A] : memref<81920x128xf32, #tpu.memory_space<hbm>> -> memref<640x128xf32, #tpu.memory_space<hbm>>
      %dma_wait3A_378 = arith.constant 0 : i32
      %dma_wait3A_379 = tpu.memref_slice %arg8[%mul3A_0, %dma_wait3A_378] : memref<10240x128xf32, #tpu.memory_space<vmem_shared>> -> memref<640x128xf32, #tpu.memory_space<vmem_shared>>
      tpu.wait_dma2 semaphore(%run_scoped3A : memref<!tpu.dma_semaphore, #tpu.memory_space<semaphore_mem>>) src(%dma_wait3A_379 : memref<640x128xf32, #tpu.memory_space<vmem_shared>>) dst(%dma_wait3A_377 : memref<640x128xf32, #tpu.memory_space<hbm>>)
      tpu.yield
    }) : () -> ()
    "tpu.region"() ({
      %run_scoped3A = tpu.sem_alloc : memref<!tpu.dma_semaphore, #tpu.memory_space<semaphore_mem>>
      %dma_start3A_373 = arith.constant 0 : i32
      %dma_start3A_374 = tpu.memref_slice %arg8[%mul3A_0, %dma_start3A_373] : memref<10240x128xf32, #tpu.memory_space<vmem_shared>> -> memref<640x128xf32, #tpu.memory_space<vmem_shared>>
      tpu.enqueue_dma source(%arg4 : memref<640x128xf32, #tpu.memory_space<hbm>>) target(%dma_start3A_374 : memref<640x128xf32, #tpu.memory_space<vmem_shared>>) target_semaphore(%run_scoped3A : memref<!tpu.dma_semaphore, #tpu.memory_space<semaphore_mem>>)
      %dma_wait3A = arith.constant 0 : i32
      %dma_wait3A_375 = tpu.memref_slice %arg8[%mul3A_0, %dma_wait3A] : memref<10240x128xf32, #tpu.memory_space<vmem_shared>> -> memref<640x128xf32, #tpu.memory_space<vmem_shared>>
      tpu.wait_dma2 semaphore(%run_scoped3A : memref<!tpu.dma_semaphore, #tpu.memory_space<semaphore_mem>>) src(%arg4 : memref<640x128xf32, #tpu.memory_space<hbm>>) dst(%dma_wait3A_375 : memref<640x128xf32, #tpu.memory_space<vmem_shared>>)
      tpu.yield
    }) : () -> ()
    "tpu.region"() ({
      %run_scoped3A = tpu.sem_alloc : memref<!tpu.dma_semaphore, #tpu.memory_space<semaphore_mem>>
      %dma_start3A_373 = arith.constant 0 : i32
      %dma_start3A_374 = arith.constant 0 : i32
      %dma_start3A_375 = tpu.memref_slice %arg10[%dma_start3A_373, %dma_start3A_374] : memref<160x128xf32, #tpu.memory_space<vmem>> -> memref<40x128xf32, #tpu.memory_space<vmem>>
      %dma_start3A_376 = arith.constant 0 : i32
      %dma_start3A_377 = arith.constant 0 : i32
      %dma_start3A_378 = tpu.memref_slice %arg10[%dma_start3A_376, %dma_start3A_377] : memref<160x128xf32, #tpu.memory_space<vmem>> -> memref<40x128xf32, #tpu.memory_space<vmem>>
      tpu.enqueue_dma source(%arg5 : memref<40x128xf32, #tpu.memory_space<hbm>>) target(%dma_start3A_378 : memref<40x128xf32, #tpu.memory_space<vmem>>) target_semaphore(%run_scoped3A : memref<!tpu.dma_semaphore, #tpu.memory_space<semaphore_mem>>)
      %dma_wait3A = arith.constant 0 : i32
      %dma_wait3A_379 = arith.constant 0 : i32
      %dma_wait3A_380 = tpu.memref_slice %arg10[%dma_wait3A, %dma_wait3A_379] : memref<160x128xf32, #tpu.memory_space<vmem>> -> memref<40x128xf32, #tpu.memory_space<vmem>>
      %dma_wait3A_381 = arith.constant 0 : i32
      %dma_wait3A_382 = arith.constant 0 : i32
      %dma_wait3A_383 = tpu.memref_slice %arg10[%dma_wait3A_381, %dma_wait3A_382] : memref<160x128xf32, #tpu.memory_space<vmem>> -> memref<40x128xf32, #tpu.memory_space<vmem>>
      tpu.wait_dma2 semaphore(%run_scoped3A : memref<!tpu.dma_semaphore, #tpu.memory_space<semaphore_mem>>) src(%arg5 : memref<40x128xf32, #tpu.memory_space<hbm>>) dst(%dma_wait3A_383 : memref<40x128xf32, #tpu.memory_space<vmem>>)
      tpu.yield
    }) : () -> ()
    %barrier3A_155 = arith.constant 0 : index
    tpu.barrier barrier_id(%barrier3A_155)
    %dma_start3A_156 = arith.constant 0 : i32
    %dma_start3A_157 = arith.constant 1 : i32
    %dma_start3A_158 = arith.constant 0 : i32
    %dma_start3A_159 = arith.constant 0 : i32
    %dma_start3A_160 = tpu.memref_slice %arg10[%dma_start3A_158, %dma_start3A_159] : memref<160x128xf32, #tpu.memory_space<vmem>> -> memref<40x128xf32, #tpu.memory_space<vmem>>
    %dma_start3A_161 = arith.constant 0 : i32
    %dma_start3A_162 = tpu.memref_slice %arg9[%dma_start3A_156, %dma_start3A_157, %dma_start3A_161] : memref<64x2x40xi32, #tpu.memory_space<vmem>> -> memref<1x1x40xi32, #tpu.memory_space<vmem>>
    %dma_start3A_163 = tpu.memref_squeeze %dma_start3A_162 : memref<1x1x40xi32, #tpu.memory_space<vmem>> -> memref<40xi32, #tpu.memory_space<vmem>>
    %dma_start3A_164 = arith.constant 0 : i32
    %dma_start3A_165 = arith.constant 0 : i32
    %dma_start3A_166 = tpu.memref_slice %arg8[%dma_start3A_164, %dma_start3A_165] : memref<10240x128xf32, #tpu.memory_space<vmem_shared>> -> memref<10240x128xf32, #tpu.memory_space<vmem_shared>>
    tpu.enqueue_indirect_dma source(%dma_start3A_160 : memref<40x128xf32, #tpu.memory_space<vmem>>) target(%dma_start3A_166 : memref<10240x128xf32, #tpu.memory_space<vmem_shared>>) offsets(%dma_start3A_163 : memref<40xi32, #tpu.memory_space<vmem>>) semaphore(%arg15 : memref<!tpu.dma_semaphore, #tpu.memory_space<semaphore_mem>>) {add = true}
    %dma_start3A_167 = arith.constant 1 : i32
    %dma_start3A_168 = arith.constant 1 : i32
    %dma_start3A_169 = arith.constant 0 : i32
    %dma_start3A_170 = arith.constant 0 : i32
    %dma_start3A_171 = tpu.memref_slice %arg10[%dma_start3A_169, %dma_start3A_170] : memref<160x128xf32, #tpu.memory_space<vmem>> -> memref<40x128xf32, #tpu.memory_space<vmem>>
    %dma_start3A_172 = arith.constant 0 : i32
    %dma_start3A_173 = tpu.memref_slice %arg9[%dma_start3A_167, %dma_start3A_168, %dma_start3A_172] : memref<64x2x40xi32, #tpu.memory_space<vmem>> -> memref<1x1x40xi32, #tpu.memory_space<vmem>>
    %dma_start3A_174 = tpu.memref_squeeze %dma_start3A_173 : memref<1x1x40xi32, #tpu.memory_space<vmem>> -> memref<40xi32, #tpu.memory_space<vmem>>
    %dma_start3A_175 = arith.constant 0 : i32
    %dma_start3A_176 = arith.constant 0 : i32
    %dma_start3A_177 = tpu.memref_slice %arg8[%dma_start3A_175, %dma_start3A_176] : memref<10240x128xf32, #tpu.memory_space<vmem_shared>> -> memref<10240x128xf32, #tpu.memory_space<vmem_shared>>
    tpu.enqueue_indirect_dma source(%dma_start3A_171 : memref<40x128xf32, #tpu.memory_space<vmem>>) target(%dma_start3A_177 : memref<10240x128xf32, #tpu.memory_space<vmem_shared>>) offsets(%dma_start3A_174 : memref<40xi32, #tpu.memory_space<vmem>>) semaphore(%arg16 : memref<!tpu.dma_semaphore, #tpu.memory_space<semaphore_mem>>) {add = true}
    %scan3A_178 = arith.constant 0 : i32
    %scan3A_179 = arith.constant 0 : i32
    %scan3A_180 = arith.constant 32 : i32
    %scan3A_181 = arith.addi %scan3A_179, %scan3A_180 : i32
    %scan3A_182 = arith.constant 1 : i32
    scf.for %scan3A_373 = %scan3A_179 to %scan3A_181 step %scan3A_182  : i32 {
      %mul3A_374 = arith.constant 2 : i32
      %mul3A_375 = arith.muli %mul3A_374, %scan3A_373 : i32
      %dma_wait3A = arith.constant 1 : i32
      %dma_wait3A_376 = arith.constant 0 : i32
      %dma_wait3A_377 = arith.constant 0 : i32
      %dma_wait3A_378 = tpu.memref_slice %arg10[%dma_wait3A_376, %dma_wait3A_377] : memref<160x128xf32, #tpu.memory_space<vmem>> -> memref<40x128xf32, #tpu.memory_space<vmem>>
      %dma_wait3A_379 = arith.constant 0 : i32
      %dma_wait3A_380 = tpu.memref_slice %arg9[%mul3A_375, %dma_wait3A, %dma_wait3A_379] : memref<64x2x40xi32, #tpu.memory_space<vmem>> -> memref<1x1x40xi32, #tpu.memory_space<vmem>>
      %dma_wait3A_381 = tpu.memref_squeeze %dma_wait3A_380 : memref<1x1x40xi32, #tpu.memory_space<vmem>> -> memref<40xi32, #tpu.memory_space<vmem>>
      %dma_wait3A_382 = arith.constant 0 : i32
      %dma_wait3A_383 = arith.constant 0 : i32
      %dma_wait3A_384 = tpu.memref_slice %arg8[%dma_wait3A_382, %dma_wait3A_383] : memref<10240x128xf32, #tpu.memory_space<vmem_shared>> -> memref<10240x128xf32, #tpu.memory_space<vmem_shared>>
      tpu.wait_indirect_dma semaphore(%arg15 : memref<!tpu.dma_semaphore, #tpu.memory_space<semaphore_mem>>) src(%dma_wait3A_378 : memref<40x128xf32, #tpu.memory_space<vmem>>) dst(%dma_wait3A_384 : memref<10240x128xf32, #tpu.memory_space<vmem_shared>>)
      %lt3A = arith.constant 31 : i32
      %lt3A_385 = arith.cmpi slt, %scan3A_373, %lt3A : i32
      %convert_element_type3A = arith.extui %lt3A_385 : i1 to i32
      %cond3A = arith.constant 0 : i32
      %cond3A_386 = arith.cmpi ne, %convert_element_type3A, %cond3A : i32
      scf.if %cond3A_386 {
        %add3A_404 = arith.constant 2 : i32
        %add3A_405 = arith.addi %mul3A_375, %add3A_404 : i32
        %dma_start3A_406 = arith.constant 1 : i32
        %dma_start3A_407 = arith.constant 0 : i32
        %dma_start3A_408 = arith.constant 0 : i32
        %dma_start3A_409 = tpu.memref_slice %arg10[%dma_start3A_407, %dma_start3A_408] : memref<160x128xf32, #tpu.memory_space<vmem>> -> memref<40x128xf32, #tpu.memory_space<vmem>>
        %dma_start3A_410 = arith.constant 0 : i32
        %dma_start3A_411 = tpu.memref_slice %arg9[%add3A_405, %dma_start3A_406, %dma_start3A_410] : memref<64x2x40xi32, #tpu.memory_space<vmem>> -> memref<1x1x40xi32, #tpu.memory_space<vmem>>
        %dma_start3A_412 = tpu.memref_squeeze %dma_start3A_411 : memref<1x1x40xi32, #tpu.memory_space<vmem>> -> memref<40xi32, #tpu.memory_space<vmem>>
        %dma_start3A_413 = arith.constant 0 : i32
        %dma_start3A_414 = arith.constant 0 : i32
        %dma_start3A_415 = tpu.memref_slice %arg8[%dma_start3A_413, %dma_start3A_414] : memref<10240x128xf32, #tpu.memory_space<vmem_shared>> -> memref<10240x128xf32, #tpu.memory_space<vmem_shared>>
        tpu.enqueue_indirect_dma source(%dma_start3A_409 : memref<40x128xf32, #tpu.memory_space<vmem>>) target(%dma_start3A_415 : memref<10240x128xf32, #tpu.memory_space<vmem_shared>>) offsets(%dma_start3A_412 : memref<40xi32, #tpu.memory_space<vmem>>) semaphore(%arg15 : memref<!tpu.dma_semaphore, #tpu.memory_space<semaphore_mem>>) {add = true}
      } else {
      }
      %add3A_387 = arith.constant 1 : i32
      %add3A_388 = arith.addi %mul3A_375, %add3A_387 : i32
      %dma_wait3A_389 = arith.constant 1 : i32
      %dma_wait3A_390 = arith.constant 0 : i32
      %dma_wait3A_391 = arith.constant 0 : i32
      %dma_wait3A_392 = tpu.memref_slice %arg10[%dma_wait3A_390, %dma_wait3A_391] : memref<160x128xf32, #tpu.memory_space<vmem>> -> memref<40x128xf32, #tpu.memory_space<vmem>>
      %dma_wait3A_393 = arith.constant 0 : i32
      %dma_wait3A_394 = tpu.memref_slice %arg9[%add3A_388, %dma_wait3A_389, %dma_wait3A_393] : memref<64x2x40xi32, #tpu.memory_space<vmem>> -> memref<1x1x40xi32, #tpu.memory_space<vmem>>
      %dma_wait3A_395 = tpu.memref_squeeze %dma_wait3A_394 : memref<1x1x40xi32, #tpu.memory_space<vmem>> -> memref<40xi32, #tpu.memory_space<vmem>>
      %dma_wait3A_396 = arith.constant 0 : i32
      %dma_wait3A_397 = arith.constant 0 : i32
      %dma_wait3A_398 = tpu.memref_slice %arg8[%dma_wait3A_396, %dma_wait3A_397] : memref<10240x128xf32, #tpu.memory_space<vmem_shared>> -> memref<10240x128xf32, #tpu.memory_space<vmem_shared>>
      tpu.wait_indirect_dma semaphore(%arg16 : memref<!tpu.dma_semaphore, #tpu.memory_space<semaphore_mem>>) src(%dma_wait3A_392 : memref<40x128xf32, #tpu.memory_space<vmem>>) dst(%dma_wait3A_398 : memref<10240x128xf32, #tpu.memory_space<vmem_shared>>)
      %lt3A_399 = arith.constant 31 : i32
      %lt3A_400 = arith.cmpi slt, %scan3A_373, %lt3A_399 : i32
      %convert_element_type3A_401 = arith.extui %lt3A_400 : i1 to i32
      %cond3A_402 = arith.constant 0 : i32
      %cond3A_403 = arith.cmpi ne, %convert_element_type3A_401, %cond3A_402 : i32
      scf.if %cond3A_403 {
        %add3A_404 = arith.constant 3 : i32
        %add3A_405 = arith.addi %mul3A_375, %add3A_404 : i32
        %dma_start3A_406 = arith.constant 1 : i32
        %dma_start3A_407 = arith.constant 0 : i32
        %dma_start3A_408 = arith.constant 0 : i32
        %dma_start3A_409 = tpu.memref_slice %arg10[%dma_start3A_407, %dma_start3A_408] : memref<160x128xf32, #tpu.memory_space<vmem>> -> memref<40x128xf32, #tpu.memory_space<vmem>>
        %dma_start3A_410 = arith.constant 0 : i32
        %dma_start3A_411 = tpu.memref_slice %arg9[%add3A_405, %dma_start3A_406, %dma_start3A_410] : memref<64x2x40xi32, #tpu.memory_space<vmem>> -> memref<1x1x40xi32, #tpu.memory_space<vmem>>
        %dma_start3A_412 = tpu.memref_squeeze %dma_start3A_411 : memref<1x1x40xi32, #tpu.memory_space<vmem>> -> memref<40xi32, #tpu.memory_space<vmem>>
        %dma_start3A_413 = arith.constant 0 : i32
        %dma_start3A_414 = arith.constant 0 : i32
        %dma_start3A_415 = tpu.memref_slice %arg8[%dma_start3A_413, %dma_start3A_414] : memref<10240x128xf32, #tpu.memory_space<vmem_shared>> -> memref<10240x128xf32, #tpu.memory_space<vmem_shared>>
        tpu.enqueue_indirect_dma source(%dma_start3A_409 : memref<40x128xf32, #tpu.memory_space<vmem>>) target(%dma_start3A_415 : memref<10240x128xf32, #tpu.memory_space<vmem_shared>>) offsets(%dma_start3A_412 : memref<40xi32, #tpu.memory_space<vmem>>) semaphore(%arg16 : memref<!tpu.dma_semaphore, #tpu.memory_space<semaphore_mem>>) {add = true}
      } else {
      }
    }
    %scan3A_183 = arith.constant 32 : i32
    %barrier3A_184 = arith.constant 0 : index
    tpu.barrier barrier_id(%barrier3A_184)
    "tpu.region"() ({
      %run_scoped3A = tpu.sem_alloc : memref<!tpu.dma_semaphore, #tpu.memory_space<semaphore_mem>>
      %dma_start3A_373 = arith.constant 0 : i32
      %dma_start3A_374 = tpu.memref_slice %arg7[%add3A_102, %dma_start3A_373] : memref<81920x128xf32, #tpu.memory_space<hbm>> -> memref<640x128xf32, #tpu.memory_space<hbm>>
      %dma_start3A_375 = arith.constant 0 : i32
      %dma_start3A_376 = tpu.memref_slice %arg8[%mul3A_0, %dma_start3A_375] : memref<10240x128xf32, #tpu.memory_space<vmem_shared>> -> memref<640x128xf32, #tpu.memory_space<vmem_shared>>
      tpu.enqueue_dma source(%dma_start3A_376 : memref<640x128xf32, #tpu.memory_space<vmem_shared>>) target(%dma_start3A_374 : memref<640x128xf32, #tpu.memory_space<hbm>>) target_semaphore(%run_scoped3A : memref<!tpu.dma_semaphore, #tpu.memory_space<semaphore_mem>>)
      %dma_wait3A = arith.constant 0 : i32
      %dma_wait3A_377 = tpu.memref_slice %arg7[%add3A_102, %dma_wait3A] : memref<81920x128xf32, #tpu.memory_space<hbm>> -> memref<640x128xf32, #tpu.memory_space<hbm>>
      %dma_wait3A_378 = arith.constant 0 : i32
      %dma_wait3A_379 = tpu.memref_slice %arg8[%mul3A_0, %dma_wait3A_378] : memref<10240x128xf32, #tpu.memory_space<vmem_shared>> -> memref<640x128xf32, #tpu.memory_space<vmem_shared>>
      tpu.wait_dma2 semaphore(%run_scoped3A : memref<!tpu.dma_semaphore, #tpu.memory_space<semaphore_mem>>) src(%dma_wait3A_379 : memref<640x128xf32, #tpu.memory_space<vmem_shared>>) dst(%dma_wait3A_377 : memref<640x128xf32, #tpu.memory_space<hbm>>)
      tpu.yield
    }) : () -> ()
    %mul3A_185 = arith.constant 4 : i32
    %mul3A_186 = arith.muli %arg0, %mul3A_185 : i32
    %add3A_187 = arith.constant 2 : i32
    %add3A_188 = arith.addi %mul3A_186, %add3A_187 : i32
    %mul3A_189 = arith.constant 1024 : i32
    %mul3A_190 = arith.muli %add3A_188, %mul3A_189 : i32
    %mul3A_191 = arith.constant 64 : i32
    %mul3A_192 = arith.muli %arg1, %mul3A_191 : i32
    %add3A_193 = arith.addi %mul3A_190, %mul3A_192 : i32
    %mul3A_194 = arith.constant 10240 : i32
    %mul3A_195 = arith.muli %add3A_188, %mul3A_194 : i32
    %add3A_196 = arith.addi %mul3A_195, %mul3A_0 : i32
    "tpu.region"() ({
      %run_scoped3A = tpu.sem_alloc : memref<!tpu.dma_semaphore, #tpu.memory_space<semaphore_mem>>
      %dma_start3A_373 = arith.constant 0 : i32
      %dma_start3A_374 = arith.constant 0 : i32
      %dma_start3A_375 = tpu.memref_slice %arg3[%add3A_193, %dma_start3A_373, %dma_start3A_374] : memref<8193x2x40xi32, #tpu.memory_space<hbm>> -> memref<64x2x40xi32, #tpu.memory_space<hbm>>
      %dma_start3A_376 = arith.constant 0 : i32
      %dma_start3A_377 = arith.constant 0 : i32
      %dma_start3A_378 = tpu.memref_slice %arg3[%add3A_193, %dma_start3A_376, %dma_start3A_377] : memref<8193x2x40xi32, #tpu.memory_space<hbm>> -> memref<64x2x40xi32, #tpu.memory_space<hbm>>
      tpu.enqueue_dma source(%dma_start3A_378 : memref<64x2x40xi32, #tpu.memory_space<hbm>>) target(%arg9 : memref<64x2x40xi32, #tpu.memory_space<vmem>>) target_semaphore(%run_scoped3A : memref<!tpu.dma_semaphore, #tpu.memory_space<semaphore_mem>>)
      %dma_wait3A = arith.constant 0 : i32
      %dma_wait3A_379 = arith.constant 0 : i32
      %dma_wait3A_380 = tpu.memref_slice %arg3[%add3A_193, %dma_wait3A, %dma_wait3A_379] : memref<8193x2x40xi32, #tpu.memory_space<hbm>> -> memref<64x2x40xi32, #tpu.memory_space<hbm>>
      %dma_wait3A_381 = arith.constant 0 : i32
      %dma_wait3A_382 = arith.constant 0 : i32
      %dma_wait3A_383 = tpu.memref_slice %arg3[%add3A_193, %dma_wait3A_381, %dma_wait3A_382] : memref<8193x2x40xi32, #tpu.memory_space<hbm>> -> memref<64x2x40xi32, #tpu.memory_space<hbm>>
      tpu.wait_dma2 semaphore(%run_scoped3A : memref<!tpu.dma_semaphore, #tpu.memory_space<semaphore_mem>>) src(%dma_wait3A_383 : memref<64x2x40xi32, #tpu.memory_space<hbm>>) dst(%arg9 : memref<64x2x40xi32, #tpu.memory_space<vmem>>)
      tpu.yield
    }) : () -> ()
    "tpu.region"() ({
      %run_scoped3A = tpu.sem_alloc : memref<!tpu.dma_semaphore, #tpu.memory_space<semaphore_mem>>
      %dma_start3A_373 = arith.constant 0 : i32
      %dma_start3A_374 = tpu.memref_slice %arg8[%mul3A_0, %dma_start3A_373] : memref<10240x128xf32, #tpu.memory_space<vmem_shared>> -> memref<640x128xf32, #tpu.memory_space<vmem_shared>>
      tpu.enqueue_dma source(%arg4 : memref<640x128xf32, #tpu.memory_space<hbm>>) target(%dma_start3A_374 : memref<640x128xf32, #tpu.memory_space<vmem_shared>>) target_semaphore(%run_scoped3A : memref<!tpu.dma_semaphore, #tpu.memory_space<semaphore_mem>>)
      %dma_wait3A = arith.constant 0 : i32
      %dma_wait3A_375 = tpu.memref_slice %arg8[%mul3A_0, %dma_wait3A] : memref<10240x128xf32, #tpu.memory_space<vmem_shared>> -> memref<640x128xf32, #tpu.memory_space<vmem_shared>>
      tpu.wait_dma2 semaphore(%run_scoped3A : memref<!tpu.dma_semaphore, #tpu.memory_space<semaphore_mem>>) src(%arg4 : memref<640x128xf32, #tpu.memory_space<hbm>>) dst(%dma_wait3A_375 : memref<640x128xf32, #tpu.memory_space<vmem_shared>>)
      tpu.yield
    }) : () -> ()
    %barrier3A_197 = arith.constant 0 : index
    tpu.barrier barrier_id(%barrier3A_197)
    %dma_start3A_198 = arith.constant 0 : i32
    %dma_start3A_199 = arith.constant 0 : i32
    %dma_start3A_200 = arith.constant 0 : i32
    %dma_start3A_201 = arith.constant 0 : i32
    %dma_start3A_202 = tpu.memref_slice %arg10[%dma_start3A_200, %dma_start3A_201] : memref<160x128xf32, #tpu.memory_space<vmem>> -> memref<40x128xf32, #tpu.memory_space<vmem>>
    %dma_start3A_203 = arith.constant 0 : i32
    %dma_start3A_204 = tpu.memref_slice %arg9[%dma_start3A_198, %dma_start3A_199, %dma_start3A_203] : memref<64x2x40xi32, #tpu.memory_space<vmem>> -> memref<1x1x40xi32, #tpu.memory_space<vmem>>
    %dma_start3A_205 = tpu.memref_squeeze %dma_start3A_204 : memref<1x1x40xi32, #tpu.memory_space<vmem>> -> memref<40xi32, #tpu.memory_space<vmem>>
    %dma_start3A_206 = arith.constant 0 : i32
    %dma_start3A_207 = arith.constant 0 : i32
    %dma_start3A_208 = tpu.memref_slice %arg2[%dma_start3A_206, %dma_start3A_207] : memref<10008x128xf32, #tpu.memory_space<hbm>> -> memref<10008x128xf32, #tpu.memory_space<hbm>>
    tpu.enqueue_indirect_dma source(%dma_start3A_208 : memref<10008x128xf32, #tpu.memory_space<hbm>>) target(%dma_start3A_202 : memref<40x128xf32, #tpu.memory_space<vmem>>) offsets(%dma_start3A_205 : memref<40xi32, #tpu.memory_space<vmem>>) semaphore(%arg11 : memref<!tpu.dma_semaphore, #tpu.memory_space<semaphore_mem>>)
    %dma_start3A_209 = arith.constant 1 : i32
    %dma_start3A_210 = arith.constant 0 : i32
    %dma_start3A_211 = arith.constant 40 : i32
    %dma_start3A_212 = arith.constant 0 : i32
    %dma_start3A_213 = tpu.memref_slice %arg10[%dma_start3A_211, %dma_start3A_212] : memref<160x128xf32, #tpu.memory_space<vmem>> -> memref<40x128xf32, #tpu.memory_space<vmem>>
    %dma_start3A_214 = arith.constant 0 : i32
    %dma_start3A_215 = tpu.memref_slice %arg9[%dma_start3A_209, %dma_start3A_210, %dma_start3A_214] : memref<64x2x40xi32, #tpu.memory_space<vmem>> -> memref<1x1x40xi32, #tpu.memory_space<vmem>>
    %dma_start3A_216 = tpu.memref_squeeze %dma_start3A_215 : memref<1x1x40xi32, #tpu.memory_space<vmem>> -> memref<40xi32, #tpu.memory_space<vmem>>
    %dma_start3A_217 = arith.constant 0 : i32
    %dma_start3A_218 = arith.constant 0 : i32
    %dma_start3A_219 = tpu.memref_slice %arg2[%dma_start3A_217, %dma_start3A_218] : memref<10008x128xf32, #tpu.memory_space<hbm>> -> memref<10008x128xf32, #tpu.memory_space<hbm>>
    tpu.enqueue_indirect_dma source(%dma_start3A_219 : memref<10008x128xf32, #tpu.memory_space<hbm>>) target(%dma_start3A_213 : memref<40x128xf32, #tpu.memory_space<vmem>>) offsets(%dma_start3A_216 : memref<40xi32, #tpu.memory_space<vmem>>) semaphore(%arg12 : memref<!tpu.dma_semaphore, #tpu.memory_space<semaphore_mem>>)
    %dma_start3A_220 = arith.constant 2 : i32
    %dma_start3A_221 = arith.constant 0 : i32
    %dma_start3A_222 = arith.constant 80 : i32
    %dma_start3A_223 = arith.constant 0 : i32
    %dma_start3A_224 = tpu.memref_slice %arg10[%dma_start3A_222, %dma_start3A_223] : memref<160x128xf32, #tpu.memory_space<vmem>> -> memref<40x128xf32, #tpu.memory_space<vmem>>
    %dma_start3A_225 = arith.constant 0 : i32
    %dma_start3A_226 = tpu.memref_slice %arg9[%dma_start3A_220, %dma_start3A_221, %dma_start3A_225] : memref<64x2x40xi32, #tpu.memory_space<vmem>> -> memref<1x1x40xi32, #tpu.memory_space<vmem>>
    %dma_start3A_227 = tpu.memref_squeeze %dma_start3A_226 : memref<1x1x40xi32, #tpu.memory_space<vmem>> -> memref<40xi32, #tpu.memory_space<vmem>>
    %dma_start3A_228 = arith.constant 0 : i32
    %dma_start3A_229 = arith.constant 0 : i32
    %dma_start3A_230 = tpu.memref_slice %arg2[%dma_start3A_228, %dma_start3A_229] : memref<10008x128xf32, #tpu.memory_space<hbm>> -> memref<10008x128xf32, #tpu.memory_space<hbm>>
    tpu.enqueue_indirect_dma source(%dma_start3A_230 : memref<10008x128xf32, #tpu.memory_space<hbm>>) target(%dma_start3A_224 : memref<40x128xf32, #tpu.memory_space<vmem>>) offsets(%dma_start3A_227 : memref<40xi32, #tpu.memory_space<vmem>>) semaphore(%arg13 : memref<!tpu.dma_semaphore, #tpu.memory_space<semaphore_mem>>)
    %dma_start3A_231 = arith.constant 3 : i32
    %dma_start3A_232 = arith.constant 0 : i32
    %dma_start3A_233 = arith.constant 120 : i32
    %dma_start3A_234 = arith.constant 0 : i32
    %dma_start3A_235 = tpu.memref_slice %arg10[%dma_start3A_233, %dma_start3A_234] : memref<160x128xf32, #tpu.memory_space<vmem>> -> memref<40x128xf32, #tpu.memory_space<vmem>>
    %dma_start3A_236 = arith.constant 0 : i32
    %dma_start3A_237 = tpu.memref_slice %arg9[%dma_start3A_231, %dma_start3A_232, %dma_start3A_236] : memref<64x2x40xi32, #tpu.memory_space<vmem>> -> memref<1x1x40xi32, #tpu.memory_space<vmem>>
    %dma_start3A_238 = tpu.memref_squeeze %dma_start3A_237 : memref<1x1x40xi32, #tpu.memory_space<vmem>> -> memref<40xi32, #tpu.memory_space<vmem>>
    %dma_start3A_239 = arith.constant 0 : i32
    %dma_start3A_240 = arith.constant 0 : i32
    %dma_start3A_241 = tpu.memref_slice %arg2[%dma_start3A_239, %dma_start3A_240] : memref<10008x128xf32, #tpu.memory_space<hbm>> -> memref<10008x128xf32, #tpu.memory_space<hbm>>
    tpu.enqueue_indirect_dma source(%dma_start3A_241 : memref<10008x128xf32, #tpu.memory_space<hbm>>) target(%dma_start3A_235 : memref<40x128xf32, #tpu.memory_space<vmem>>) offsets(%dma_start3A_238 : memref<40xi32, #tpu.memory_space<vmem>>) semaphore(%arg14 : memref<!tpu.dma_semaphore, #tpu.memory_space<semaphore_mem>>)
    %scan3A_242 = arith.constant 0 : i32
    %scan3A_243 = arith.constant 0 : i32
    %scan3A_244 = arith.constant 16 : i32
    %scan3A_245 = arith.addi %scan3A_243, %scan3A_244 : i32
    %scan3A_246 = arith.constant 1 : i32
    scf.for %scan3A_373 = %scan3A_243 to %scan3A_245 step %scan3A_246  : i32 {
      %mul3A_374 = arith.constant 4 : i32
      %mul3A_375 = arith.muli %mul3A_374, %scan3A_373 : i32
      %add3A_376 = arith.constant 0 : i32
      %add3A_377 = arith.addi %mul3A_375, %add3A_376 : i32
      %dma_wait3A = arith.constant 0 : i32
      %dma_wait3A_378 = arith.constant 0 : i32
      %dma_wait3A_379 = arith.constant 0 : i32
      %dma_wait3A_380 = tpu.memref_slice %arg10[%dma_wait3A_378, %dma_wait3A_379] : memref<160x128xf32, #tpu.memory_space<vmem>> -> memref<40x128xf32, #tpu.memory_space<vmem>>
      %dma_wait3A_381 = arith.constant 0 : i32
      %dma_wait3A_382 = tpu.memref_slice %arg9[%add3A_377, %dma_wait3A, %dma_wait3A_381] : memref<64x2x40xi32, #tpu.memory_space<vmem>> -> memref<1x1x40xi32, #tpu.memory_space<vmem>>
      %dma_wait3A_383 = tpu.memref_squeeze %dma_wait3A_382 : memref<1x1x40xi32, #tpu.memory_space<vmem>> -> memref<40xi32, #tpu.memory_space<vmem>>
      %dma_wait3A_384 = arith.constant 0 : i32
      %dma_wait3A_385 = arith.constant 0 : i32
      %dma_wait3A_386 = tpu.memref_slice %arg2[%dma_wait3A_384, %dma_wait3A_385] : memref<10008x128xf32, #tpu.memory_space<hbm>> -> memref<10008x128xf32, #tpu.memory_space<hbm>>
      tpu.wait_indirect_dma semaphore(%arg11 : memref<!tpu.dma_semaphore, #tpu.memory_space<semaphore_mem>>) src(%dma_wait3A_386 : memref<10008x128xf32, #tpu.memory_space<hbm>>) dst(%dma_wait3A_380 : memref<40x128xf32, #tpu.memory_space<vmem>>)
      %add3A_387 = arith.constant 0 : i32
      %add3A_388 = arith.addi %mul3A_375, %add3A_387 : i32
      %dma_start3A_389 = arith.constant 1 : i32
      %dma_start3A_390 = arith.constant 0 : i32
      %dma_start3A_391 = arith.constant 0 : i32
      %dma_start3A_392 = tpu.memref_slice %arg10[%dma_start3A_390, %dma_start3A_391] : memref<160x128xf32, #tpu.memory_space<vmem>> -> memref<40x128xf32, #tpu.memory_space<vmem>>
      %dma_start3A_393 = arith.constant 0 : i32
      %dma_start3A_394 = tpu.memref_slice %arg9[%add3A_388, %dma_start3A_389, %dma_start3A_393] : memref<64x2x40xi32, #tpu.memory_space<vmem>> -> memref<1x1x40xi32, #tpu.memory_space<vmem>>
      %dma_start3A_395 = tpu.memref_squeeze %dma_start3A_394 : memref<1x1x40xi32, #tpu.memory_space<vmem>> -> memref<40xi32, #tpu.memory_space<vmem>>
      %dma_start3A_396 = arith.constant 0 : i32
      %dma_start3A_397 = arith.constant 0 : i32
      %dma_start3A_398 = tpu.memref_slice %arg8[%dma_start3A_396, %dma_start3A_397] : memref<10240x128xf32, #tpu.memory_space<vmem_shared>> -> memref<10240x128xf32, #tpu.memory_space<vmem_shared>>
      tpu.enqueue_indirect_dma source(%dma_start3A_392 : memref<40x128xf32, #tpu.memory_space<vmem>>) target(%dma_start3A_398 : memref<10240x128xf32, #tpu.memory_space<vmem_shared>>) offsets(%dma_start3A_395 : memref<40xi32, #tpu.memory_space<vmem>>) semaphore(%arg15 : memref<!tpu.dma_semaphore, #tpu.memory_space<semaphore_mem>>) {add = true}
      %add3A_399 = arith.constant 1 : i32
      %add3A_400 = arith.addi %mul3A_375, %add3A_399 : i32
      %dma_wait3A_401 = arith.constant 0 : i32
      %dma_wait3A_402 = arith.constant 40 : i32
      %dma_wait3A_403 = arith.constant 0 : i32
      %dma_wait3A_404 = tpu.memref_slice %arg10[%dma_wait3A_402, %dma_wait3A_403] : memref<160x128xf32, #tpu.memory_space<vmem>> -> memref<40x128xf32, #tpu.memory_space<vmem>>
      %dma_wait3A_405 = arith.constant 0 : i32
      %dma_wait3A_406 = tpu.memref_slice %arg9[%add3A_400, %dma_wait3A_401, %dma_wait3A_405] : memref<64x2x40xi32, #tpu.memory_space<vmem>> -> memref<1x1x40xi32, #tpu.memory_space<vmem>>
      %dma_wait3A_407 = tpu.memref_squeeze %dma_wait3A_406 : memref<1x1x40xi32, #tpu.memory_space<vmem>> -> memref<40xi32, #tpu.memory_space<vmem>>
      %dma_wait3A_408 = arith.constant 0 : i32
      %dma_wait3A_409 = arith.constant 0 : i32
      %dma_wait3A_410 = tpu.memref_slice %arg2[%dma_wait3A_408, %dma_wait3A_409] : memref<10008x128xf32, #tpu.memory_space<hbm>> -> memref<10008x128xf32, #tpu.memory_space<hbm>>
      tpu.wait_indirect_dma semaphore(%arg12 : memref<!tpu.dma_semaphore, #tpu.memory_space<semaphore_mem>>) src(%dma_wait3A_410 : memref<10008x128xf32, #tpu.memory_space<hbm>>) dst(%dma_wait3A_404 : memref<40x128xf32, #tpu.memory_space<vmem>>)
      %add3A_411 = arith.constant 1 : i32
      %add3A_412 = arith.addi %mul3A_375, %add3A_411 : i32
      %dma_start3A_413 = arith.constant 1 : i32
      %dma_start3A_414 = arith.constant 40 : i32
      %dma_start3A_415 = arith.constant 0 : i32
      %dma_start3A_416 = tpu.memref_slice %arg10[%dma_start3A_414, %dma_start3A_415] : memref<160x128xf32, #tpu.memory_space<vmem>> -> memref<40x128xf32, #tpu.memory_space<vmem>>
      %dma_start3A_417 = arith.constant 0 : i32
      %dma_start3A_418 = tpu.memref_slice %arg9[%add3A_412, %dma_start3A_413, %dma_start3A_417] : memref<64x2x40xi32, #tpu.memory_space<vmem>> -> memref<1x1x40xi32, #tpu.memory_space<vmem>>
      %dma_start3A_419 = tpu.memref_squeeze %dma_start3A_418 : memref<1x1x40xi32, #tpu.memory_space<vmem>> -> memref<40xi32, #tpu.memory_space<vmem>>
      %dma_start3A_420 = arith.constant 0 : i32
      %dma_start3A_421 = arith.constant 0 : i32
      %dma_start3A_422 = tpu.memref_slice %arg8[%dma_start3A_420, %dma_start3A_421] : memref<10240x128xf32, #tpu.memory_space<vmem_shared>> -> memref<10240x128xf32, #tpu.memory_space<vmem_shared>>
      tpu.enqueue_indirect_dma source(%dma_start3A_416 : memref<40x128xf32, #tpu.memory_space<vmem>>) target(%dma_start3A_422 : memref<10240x128xf32, #tpu.memory_space<vmem_shared>>) offsets(%dma_start3A_419 : memref<40xi32, #tpu.memory_space<vmem>>) semaphore(%arg16 : memref<!tpu.dma_semaphore, #tpu.memory_space<semaphore_mem>>) {add = true}
      %add3A_423 = arith.constant 2 : i32
      %add3A_424 = arith.addi %mul3A_375, %add3A_423 : i32
      %dma_wait3A_425 = arith.constant 0 : i32
      %dma_wait3A_426 = arith.constant 80 : i32
      %dma_wait3A_427 = arith.constant 0 : i32
      %dma_wait3A_428 = tpu.memref_slice %arg10[%dma_wait3A_426, %dma_wait3A_427] : memref<160x128xf32, #tpu.memory_space<vmem>> -> memref<40x128xf32, #tpu.memory_space<vmem>>
      %dma_wait3A_429 = arith.constant 0 : i32
      %dma_wait3A_430 = tpu.memref_slice %arg9[%add3A_424, %dma_wait3A_425, %dma_wait3A_429] : memref<64x2x40xi32, #tpu.memory_space<vmem>> -> memref<1x1x40xi32, #tpu.memory_space<vmem>>
      %dma_wait3A_431 = tpu.memref_squeeze %dma_wait3A_430 : memref<1x1x40xi32, #tpu.memory_space<vmem>> -> memref<40xi32, #tpu.memory_space<vmem>>
      %dma_wait3A_432 = arith.constant 0 : i32
      %dma_wait3A_433 = arith.constant 0 : i32
      %dma_wait3A_434 = tpu.memref_slice %arg2[%dma_wait3A_432, %dma_wait3A_433] : memref<10008x128xf32, #tpu.memory_space<hbm>> -> memref<10008x128xf32, #tpu.memory_space<hbm>>
      tpu.wait_indirect_dma semaphore(%arg13 : memref<!tpu.dma_semaphore, #tpu.memory_space<semaphore_mem>>) src(%dma_wait3A_434 : memref<10008x128xf32, #tpu.memory_space<hbm>>) dst(%dma_wait3A_428 : memref<40x128xf32, #tpu.memory_space<vmem>>)
      %add3A_435 = arith.constant 2 : i32
      %add3A_436 = arith.addi %mul3A_375, %add3A_435 : i32
      %dma_start3A_437 = arith.constant 1 : i32
      %dma_start3A_438 = arith.constant 80 : i32
      %dma_start3A_439 = arith.constant 0 : i32
      %dma_start3A_440 = tpu.memref_slice %arg10[%dma_start3A_438, %dma_start3A_439] : memref<160x128xf32, #tpu.memory_space<vmem>> -> memref<40x128xf32, #tpu.memory_space<vmem>>
      %dma_start3A_441 = arith.constant 0 : i32
      %dma_start3A_442 = tpu.memref_slice %arg9[%add3A_436, %dma_start3A_437, %dma_start3A_441] : memref<64x2x40xi32, #tpu.memory_space<vmem>> -> memref<1x1x40xi32, #tpu.memory_space<vmem>>
      %dma_start3A_443 = tpu.memref_squeeze %dma_start3A_442 : memref<1x1x40xi32, #tpu.memory_space<vmem>> -> memref<40xi32, #tpu.memory_space<vmem>>
      %dma_start3A_444 = arith.constant 0 : i32
      %dma_start3A_445 = arith.constant 0 : i32
      %dma_start3A_446 = tpu.memref_slice %arg8[%dma_start3A_444, %dma_start3A_445] : memref<10240x128xf32, #tpu.memory_space<vmem_shared>> -> memref<10240x128xf32, #tpu.memory_space<vmem_shared>>
      tpu.enqueue_indirect_dma source(%dma_start3A_440 : memref<40x128xf32, #tpu.memory_space<vmem>>) target(%dma_start3A_446 : memref<10240x128xf32, #tpu.memory_space<vmem_shared>>) offsets(%dma_start3A_443 : memref<40xi32, #tpu.memory_space<vmem>>) semaphore(%arg17 : memref<!tpu.dma_semaphore, #tpu.memory_space<semaphore_mem>>) {add = true}
      %add3A_447 = arith.constant 3 : i32
      %add3A_448 = arith.addi %mul3A_375, %add3A_447 : i32
      %dma_wait3A_449 = arith.constant 0 : i32
      %dma_wait3A_450 = arith.constant 120 : i32
      %dma_wait3A_451 = arith.constant 0 : i32
      %dma_wait3A_452 = tpu.memref_slice %arg10[%dma_wait3A_450, %dma_wait3A_451] : memref<160x128xf32, #tpu.memory_space<vmem>> -> memref<40x128xf32, #tpu.memory_space<vmem>>
      %dma_wait3A_453 = arith.constant 0 : i32
      %dma_wait3A_454 = tpu.memref_slice %arg9[%add3A_448, %dma_wait3A_449, %dma_wait3A_453] : memref<64x2x40xi32, #tpu.memory_space<vmem>> -> memref<1x1x40xi32, #tpu.memory_space<vmem>>
      %dma_wait3A_455 = tpu.memref_squeeze %dma_wait3A_454 : memref<1x1x40xi32, #tpu.memory_space<vmem>> -> memref<40xi32, #tpu.memory_space<vmem>>
      %dma_wait3A_456 = arith.constant 0 : i32
      %dma_wait3A_457 = arith.constant 0 : i32
      %dma_wait3A_458 = tpu.memref_slice %arg2[%dma_wait3A_456, %dma_wait3A_457] : memref<10008x128xf32, #tpu.memory_space<hbm>> -> memref<10008x128xf32, #tpu.memory_space<hbm>>
      tpu.wait_indirect_dma semaphore(%arg14 : memref<!tpu.dma_semaphore, #tpu.memory_space<semaphore_mem>>) src(%dma_wait3A_458 : memref<10008x128xf32, #tpu.memory_space<hbm>>) dst(%dma_wait3A_452 : memref<40x128xf32, #tpu.memory_space<vmem>>)
      %add3A_459 = arith.constant 3 : i32
      %add3A_460 = arith.addi %mul3A_375, %add3A_459 : i32
      %dma_start3A_461 = arith.constant 1 : i32
      %dma_start3A_462 = arith.constant 120 : i32
      %dma_start3A_463 = arith.constant 0 : i32
      %dma_start3A_464 = tpu.memref_slice %arg10[%dma_start3A_462, %dma_start3A_463] : memref<160x128xf32, #tpu.memory_space<vmem>> -> memref<40x128xf32, #tpu.memory_space<vmem>>
      %dma_start3A_465 = arith.constant 0 : i32
      %dma_start3A_466 = tpu.memref_slice %arg9[%add3A_460, %dma_start3A_461, %dma_start3A_465] : memref<64x2x40xi32, #tpu.memory_space<vmem>> -> memref<1x1x40xi32, #tpu.memory_space<vmem>>
      %dma_start3A_467 = tpu.memref_squeeze %dma_start3A_466 : memref<1x1x40xi32, #tpu.memory_space<vmem>> -> memref<40xi32, #tpu.memory_space<vmem>>
      %dma_start3A_468 = arith.constant 0 : i32
      %dma_start3A_469 = arith.constant 0 : i32
      %dma_start3A_470 = tpu.memref_slice %arg8[%dma_start3A_468, %dma_start3A_469] : memref<10240x128xf32, #tpu.memory_space<vmem_shared>> -> memref<10240x128xf32, #tpu.memory_space<vmem_shared>>
      tpu.enqueue_indirect_dma source(%dma_start3A_464 : memref<40x128xf32, #tpu.memory_space<vmem>>) target(%dma_start3A_470 : memref<10240x128xf32, #tpu.memory_space<vmem_shared>>) offsets(%dma_start3A_467 : memref<40xi32, #tpu.memory_space<vmem>>) semaphore(%arg18 : memref<!tpu.dma_semaphore, #tpu.memory_space<semaphore_mem>>) {add = true}
      %add3A_471 = arith.constant 0 : i32
      %add3A_472 = arith.addi %mul3A_375, %add3A_471 : i32
      %dma_wait3A_473 = arith.constant 1 : i32
      %dma_wait3A_474 = arith.constant 0 : i32
      %dma_wait3A_475 = arith.constant 0 : i32
      %dma_wait3A_476 = tpu.memref_slice %arg10[%dma_wait3A_474, %dma_wait3A_475] : memref<160x128xf32, #tpu.memory_space<vmem>> -> memref<40x128xf32, #tpu.memory_space<vmem>>
      %dma_wait3A_477 = arith.constant 0 : i32
      %dma_wait3A_478 = tpu.memref_slice %arg9[%add3A_472, %dma_wait3A_473, %dma_wait3A_477] : memref<64x2x40xi32, #tpu.memory_space<vmem>> -> memref<1x1x40xi32, #tpu.memory_space<vmem>>
      %dma_wait3A_479 = tpu.memref_squeeze %dma_wait3A_478 : memref<1x1x40xi32, #tpu.memory_space<vmem>> -> memref<40xi32, #tpu.memory_space<vmem>>
      %dma_wait3A_480 = arith.constant 0 : i32
      %dma_wait3A_481 = arith.constant 0 : i32
      %dma_wait3A_482 = tpu.memref_slice %arg8[%dma_wait3A_480, %dma_wait3A_481] : memref<10240x128xf32, #tpu.memory_space<vmem_shared>> -> memref<10240x128xf32, #tpu.memory_space<vmem_shared>>
      tpu.wait_indirect_dma semaphore(%arg15 : memref<!tpu.dma_semaphore, #tpu.memory_space<semaphore_mem>>) src(%dma_wait3A_476 : memref<40x128xf32, #tpu.memory_space<vmem>>) dst(%dma_wait3A_482 : memref<10240x128xf32, #tpu.memory_space<vmem_shared>>)
      %lt3A = arith.constant 15 : i32
      %lt3A_483 = arith.cmpi slt, %scan3A_373, %lt3A : i32
      %convert_element_type3A = arith.extui %lt3A_483 : i1 to i32
      %cond3A = arith.constant 0 : i32
      %cond3A_484 = arith.cmpi ne, %convert_element_type3A, %cond3A : i32
      scf.if %cond3A_484 {
        %add3A_536 = arith.constant 4 : i32
        %add3A_537 = arith.addi %mul3A_375, %add3A_536 : i32
        %add3A_538 = arith.constant 0 : i32
        %add3A_539 = arith.addi %add3A_537, %add3A_538 : i32
        %dma_start3A_540 = arith.constant 0 : i32
        %dma_start3A_541 = arith.constant 0 : i32
        %dma_start3A_542 = arith.constant 0 : i32
        %dma_start3A_543 = tpu.memref_slice %arg10[%dma_start3A_541, %dma_start3A_542] : memref<160x128xf32, #tpu.memory_space<vmem>> -> memref<40x128xf32, #tpu.memory_space<vmem>>
        %dma_start3A_544 = arith.constant 0 : i32
        %dma_start3A_545 = tpu.memref_slice %arg9[%add3A_539, %dma_start3A_540, %dma_start3A_544] : memref<64x2x40xi32, #tpu.memory_space<vmem>> -> memref<1x1x40xi32, #tpu.memory_space<vmem>>
        %dma_start3A_546 = tpu.memref_squeeze %dma_start3A_545 : memref<1x1x40xi32, #tpu.memory_space<vmem>> -> memref<40xi32, #tpu.memory_space<vmem>>
        %dma_start3A_547 = arith.constant 0 : i32
        %dma_start3A_548 = arith.constant 0 : i32
        %dma_start3A_549 = tpu.memref_slice %arg2[%dma_start3A_547, %dma_start3A_548] : memref<10008x128xf32, #tpu.memory_space<hbm>> -> memref<10008x128xf32, #tpu.memory_space<hbm>>
        tpu.enqueue_indirect_dma source(%dma_start3A_549 : memref<10008x128xf32, #tpu.memory_space<hbm>>) target(%dma_start3A_543 : memref<40x128xf32, #tpu.memory_space<vmem>>) offsets(%dma_start3A_546 : memref<40xi32, #tpu.memory_space<vmem>>) semaphore(%arg11 : memref<!tpu.dma_semaphore, #tpu.memory_space<semaphore_mem>>)
      } else {
      }
      %add3A_485 = arith.constant 1 : i32
      %add3A_486 = arith.addi %mul3A_375, %add3A_485 : i32
      %dma_wait3A_487 = arith.constant 1 : i32
      %dma_wait3A_488 = arith.constant 40 : i32
      %dma_wait3A_489 = arith.constant 0 : i32
      %dma_wait3A_490 = tpu.memref_slice %arg10[%dma_wait3A_488, %dma_wait3A_489] : memref<160x128xf32, #tpu.memory_space<vmem>> -> memref<40x128xf32, #tpu.memory_space<vmem>>
      %dma_wait3A_491 = arith.constant 0 : i32
      %dma_wait3A_492 = tpu.memref_slice %arg9[%add3A_486, %dma_wait3A_487, %dma_wait3A_491] : memref<64x2x40xi32, #tpu.memory_space<vmem>> -> memref<1x1x40xi32, #tpu.memory_space<vmem>>
      %dma_wait3A_493 = tpu.memref_squeeze %dma_wait3A_492 : memref<1x1x40xi32, #tpu.memory_space<vmem>> -> memref<40xi32, #tpu.memory_space<vmem>>
      %dma_wait3A_494 = arith.constant 0 : i32
      %dma_wait3A_495 = arith.constant 0 : i32
      %dma_wait3A_496 = tpu.memref_slice %arg8[%dma_wait3A_494, %dma_wait3A_495] : memref<10240x128xf32, #tpu.memory_space<vmem_shared>> -> memref<10240x128xf32, #tpu.memory_space<vmem_shared>>
      tpu.wait_indirect_dma semaphore(%arg16 : memref<!tpu.dma_semaphore, #tpu.memory_space<semaphore_mem>>) src(%dma_wait3A_490 : memref<40x128xf32, #tpu.memory_space<vmem>>) dst(%dma_wait3A_496 : memref<10240x128xf32, #tpu.memory_space<vmem_shared>>)
      %lt3A_497 = arith.constant 15 : i32
      %lt3A_498 = arith.cmpi slt, %scan3A_373, %lt3A_497 : i32
      %convert_element_type3A_499 = arith.extui %lt3A_498 : i1 to i32
      %cond3A_500 = arith.constant 0 : i32
      %cond3A_501 = arith.cmpi ne, %convert_element_type3A_499, %cond3A_500 : i32
      scf.if %cond3A_501 {
        %add3A_536 = arith.constant 4 : i32
        %add3A_537 = arith.addi %mul3A_375, %add3A_536 : i32
        %add3A_538 = arith.constant 1 : i32
        %add3A_539 = arith.addi %add3A_537, %add3A_538 : i32
        %dma_start3A_540 = arith.constant 0 : i32
        %dma_start3A_541 = arith.constant 40 : i32
        %dma_start3A_542 = arith.constant 0 : i32
        %dma_start3A_543 = tpu.memref_slice %arg10[%dma_start3A_541, %dma_start3A_542] : memref<160x128xf32, #tpu.memory_space<vmem>> -> memref<40x128xf32, #tpu.memory_space<vmem>>
        %dma_start3A_544 = arith.constant 0 : i32
        %dma_start3A_545 = tpu.memref_slice %arg9[%add3A_539, %dma_start3A_540, %dma_start3A_544] : memref<64x2x40xi32, #tpu.memory_space<vmem>> -> memref<1x1x40xi32, #tpu.memory_space<vmem>>
        %dma_start3A_546 = tpu.memref_squeeze %dma_start3A_545 : memref<1x1x40xi32, #tpu.memory_space<vmem>> -> memref<40xi32, #tpu.memory_space<vmem>>
        %dma_start3A_547 = arith.constant 0 : i32
        %dma_start3A_548 = arith.constant 0 : i32
        %dma_start3A_549 = tpu.memref_slice %arg2[%dma_start3A_547, %dma_start3A_548] : memref<10008x128xf32, #tpu.memory_space<hbm>> -> memref<10008x128xf32, #tpu.memory_space<hbm>>
        tpu.enqueue_indirect_dma source(%dma_start3A_549 : memref<10008x128xf32, #tpu.memory_space<hbm>>) target(%dma_start3A_543 : memref<40x128xf32, #tpu.memory_space<vmem>>) offsets(%dma_start3A_546 : memref<40xi32, #tpu.memory_space<vmem>>) semaphore(%arg12 : memref<!tpu.dma_semaphore, #tpu.memory_space<semaphore_mem>>)
      } else {
      }
      %add3A_502 = arith.constant 2 : i32
      %add3A_503 = arith.addi %mul3A_375, %add3A_502 : i32
      %dma_wait3A_504 = arith.constant 1 : i32
      %dma_wait3A_505 = arith.constant 80 : i32
      %dma_wait3A_506 = arith.constant 0 : i32
      %dma_wait3A_507 = tpu.memref_slice %arg10[%dma_wait3A_505, %dma_wait3A_506] : memref<160x128xf32, #tpu.memory_space<vmem>> -> memref<40x128xf32, #tpu.memory_space<vmem>>
      %dma_wait3A_508 = arith.constant 0 : i32
      %dma_wait3A_509 = tpu.memref_slice %arg9[%add3A_503, %dma_wait3A_504, %dma_wait3A_508] : memref<64x2x40xi32, #tpu.memory_space<vmem>> -> memref<1x1x40xi32, #tpu.memory_space<vmem>>
      %dma_wait3A_510 = tpu.memref_squeeze %dma_wait3A_509 : memref<1x1x40xi32, #tpu.memory_space<vmem>> -> memref<40xi32, #tpu.memory_space<vmem>>
      %dma_wait3A_511 = arith.constant 0 : i32
      %dma_wait3A_512 = arith.constant 0 : i32
      %dma_wait3A_513 = tpu.memref_slice %arg8[%dma_wait3A_511, %dma_wait3A_512] : memref<10240x128xf32, #tpu.memory_space<vmem_shared>> -> memref<10240x128xf32, #tpu.memory_space<vmem_shared>>
      tpu.wait_indirect_dma semaphore(%arg17 : memref<!tpu.dma_semaphore, #tpu.memory_space<semaphore_mem>>) src(%dma_wait3A_507 : memref<40x128xf32, #tpu.memory_space<vmem>>) dst(%dma_wait3A_513 : memref<10240x128xf32, #tpu.memory_space<vmem_shared>>)
      %lt3A_514 = arith.constant 15 : i32
      %lt3A_515 = arith.cmpi slt, %scan3A_373, %lt3A_514 : i32
      %convert_element_type3A_516 = arith.extui %lt3A_515 : i1 to i32
      %cond3A_517 = arith.constant 0 : i32
      %cond3A_518 = arith.cmpi ne, %convert_element_type3A_516, %cond3A_517 : i32
      scf.if %cond3A_518 {
        %add3A_536 = arith.constant 4 : i32
        %add3A_537 = arith.addi %mul3A_375, %add3A_536 : i32
        %add3A_538 = arith.constant 2 : i32
        %add3A_539 = arith.addi %add3A_537, %add3A_538 : i32
        %dma_start3A_540 = arith.constant 0 : i32
        %dma_start3A_541 = arith.constant 80 : i32
        %dma_start3A_542 = arith.constant 0 : i32
        %dma_start3A_543 = tpu.memref_slice %arg10[%dma_start3A_541, %dma_start3A_542] : memref<160x128xf32, #tpu.memory_space<vmem>> -> memref<40x128xf32, #tpu.memory_space<vmem>>
        %dma_start3A_544 = arith.constant 0 : i32
        %dma_start3A_545 = tpu.memref_slice %arg9[%add3A_539, %dma_start3A_540, %dma_start3A_544] : memref<64x2x40xi32, #tpu.memory_space<vmem>> -> memref<1x1x40xi32, #tpu.memory_space<vmem>>
        %dma_start3A_546 = tpu.memref_squeeze %dma_start3A_545 : memref<1x1x40xi32, #tpu.memory_space<vmem>> -> memref<40xi32, #tpu.memory_space<vmem>>
        %dma_start3A_547 = arith.constant 0 : i32
        %dma_start3A_548 = arith.constant 0 : i32
        %dma_start3A_549 = tpu.memref_slice %arg2[%dma_start3A_547, %dma_start3A_548] : memref<10008x128xf32, #tpu.memory_space<hbm>> -> memref<10008x128xf32, #tpu.memory_space<hbm>>
        tpu.enqueue_indirect_dma source(%dma_start3A_549 : memref<10008x128xf32, #tpu.memory_space<hbm>>) target(%dma_start3A_543 : memref<40x128xf32, #tpu.memory_space<vmem>>) offsets(%dma_start3A_546 : memref<40xi32, #tpu.memory_space<vmem>>) semaphore(%arg13 : memref<!tpu.dma_semaphore, #tpu.memory_space<semaphore_mem>>)
      } else {
      }
      %add3A_519 = arith.constant 3 : i32
      %add3A_520 = arith.addi %mul3A_375, %add3A_519 : i32
      %dma_wait3A_521 = arith.constant 1 : i32
      %dma_wait3A_522 = arith.constant 120 : i32
      %dma_wait3A_523 = arith.constant 0 : i32
      %dma_wait3A_524 = tpu.memref_slice %arg10[%dma_wait3A_522, %dma_wait3A_523] : memref<160x128xf32, #tpu.memory_space<vmem>> -> memref<40x128xf32, #tpu.memory_space<vmem>>
      %dma_wait3A_525 = arith.constant 0 : i32
      %dma_wait3A_526 = tpu.memref_slice %arg9[%add3A_520, %dma_wait3A_521, %dma_wait3A_525] : memref<64x2x40xi32, #tpu.memory_space<vmem>> -> memref<1x1x40xi32, #tpu.memory_space<vmem>>
      %dma_wait3A_527 = tpu.memref_squeeze %dma_wait3A_526 : memref<1x1x40xi32, #tpu.memory_space<vmem>> -> memref<40xi32, #tpu.memory_space<vmem>>
      %dma_wait3A_528 = arith.constant 0 : i32
      %dma_wait3A_529 = arith.constant 0 : i32
      %dma_wait3A_530 = tpu.memref_slice %arg8[%dma_wait3A_528, %dma_wait3A_529] : memref<10240x128xf32, #tpu.memory_space<vmem_shared>> -> memref<10240x128xf32, #tpu.memory_space<vmem_shared>>
      tpu.wait_indirect_dma semaphore(%arg18 : memref<!tpu.dma_semaphore, #tpu.memory_space<semaphore_mem>>) src(%dma_wait3A_524 : memref<40x128xf32, #tpu.memory_space<vmem>>) dst(%dma_wait3A_530 : memref<10240x128xf32, #tpu.memory_space<vmem_shared>>)
      %lt3A_531 = arith.constant 15 : i32
      %lt3A_532 = arith.cmpi slt, %scan3A_373, %lt3A_531 : i32
      %convert_element_type3A_533 = arith.extui %lt3A_532 : i1 to i32
      %cond3A_534 = arith.constant 0 : i32
      %cond3A_535 = arith.cmpi ne, %convert_element_type3A_533, %cond3A_534 : i32
      scf.if %cond3A_535 {
        %add3A_536 = arith.constant 4 : i32
        %add3A_537 = arith.addi %mul3A_375, %add3A_536 : i32
        %add3A_538 = arith.constant 3 : i32
        %add3A_539 = arith.addi %add3A_537, %add3A_538 : i32
        %dma_start3A_540 = arith.constant 0 : i32
        %dma_start3A_541 = arith.constant 120 : i32
        %dma_start3A_542 = arith.constant 0 : i32
        %dma_start3A_543 = tpu.memref_slice %arg10[%dma_start3A_541, %dma_start3A_542] : memref<160x128xf32, #tpu.memory_space<vmem>> -> memref<40x128xf32, #tpu.memory_space<vmem>>
        %dma_start3A_544 = arith.constant 0 : i32
        %dma_start3A_545 = tpu.memref_slice %arg9[%add3A_539, %dma_start3A_540, %dma_start3A_544] : memref<64x2x40xi32, #tpu.memory_space<vmem>> -> memref<1x1x40xi32, #tpu.memory_space<vmem>>
        %dma_start3A_546 = tpu.memref_squeeze %dma_start3A_545 : memref<1x1x40xi32, #tpu.memory_space<vmem>> -> memref<40xi32, #tpu.memory_space<vmem>>
        %dma_start3A_547 = arith.constant 0 : i32
        %dma_start3A_548 = arith.constant 0 : i32
        %dma_start3A_549 = tpu.memref_slice %arg2[%dma_start3A_547, %dma_start3A_548] : memref<10008x128xf32, #tpu.memory_space<hbm>> -> memref<10008x128xf32, #tpu.memory_space<hbm>>
        tpu.enqueue_indirect_dma source(%dma_start3A_549 : memref<10008x128xf32, #tpu.memory_space<hbm>>) target(%dma_start3A_543 : memref<40x128xf32, #tpu.memory_space<vmem>>) offsets(%dma_start3A_546 : memref<40xi32, #tpu.memory_space<vmem>>) semaphore(%arg14 : memref<!tpu.dma_semaphore, #tpu.memory_space<semaphore_mem>>)
      } else {
      }
    }
    %scan3A_247 = arith.constant 16 : i32
    %barrier3A_248 = arith.constant 0 : index
    tpu.barrier barrier_id(%barrier3A_248)
    "tpu.region"() ({
      %run_scoped3A = tpu.sem_alloc : memref<!tpu.dma_semaphore, #tpu.memory_space<semaphore_mem>>
      %dma_start3A_373 = arith.constant 0 : i32
      %dma_start3A_374 = tpu.memref_slice %arg6[%add3A_196, %dma_start3A_373] : memref<81920x128xf32, #tpu.memory_space<hbm>> -> memref<640x128xf32, #tpu.memory_space<hbm>>
      %dma_start3A_375 = arith.constant 0 : i32
      %dma_start3A_376 = tpu.memref_slice %arg8[%mul3A_0, %dma_start3A_375] : memref<10240x128xf32, #tpu.memory_space<vmem_shared>> -> memref<640x128xf32, #tpu.memory_space<vmem_shared>>
      tpu.enqueue_dma source(%dma_start3A_376 : memref<640x128xf32, #tpu.memory_space<vmem_shared>>) target(%dma_start3A_374 : memref<640x128xf32, #tpu.memory_space<hbm>>) target_semaphore(%run_scoped3A : memref<!tpu.dma_semaphore, #tpu.memory_space<semaphore_mem>>)
      %dma_wait3A = arith.constant 0 : i32
      %dma_wait3A_377 = tpu.memref_slice %arg6[%add3A_196, %dma_wait3A] : memref<81920x128xf32, #tpu.memory_space<hbm>> -> memref<640x128xf32, #tpu.memory_space<hbm>>
      %dma_wait3A_378 = arith.constant 0 : i32
      %dma_wait3A_379 = tpu.memref_slice %arg8[%mul3A_0, %dma_wait3A_378] : memref<10240x128xf32, #tpu.memory_space<vmem_shared>> -> memref<640x128xf32, #tpu.memory_space<vmem_shared>>
      tpu.wait_dma2 semaphore(%run_scoped3A : memref<!tpu.dma_semaphore, #tpu.memory_space<semaphore_mem>>) src(%dma_wait3A_379 : memref<640x128xf32, #tpu.memory_space<vmem_shared>>) dst(%dma_wait3A_377 : memref<640x128xf32, #tpu.memory_space<hbm>>)
      tpu.yield
    }) : () -> ()
    "tpu.region"() ({
      %run_scoped3A = tpu.sem_alloc : memref<!tpu.dma_semaphore, #tpu.memory_space<semaphore_mem>>
      %dma_start3A_373 = arith.constant 0 : i32
      %dma_start3A_374 = tpu.memref_slice %arg8[%mul3A_0, %dma_start3A_373] : memref<10240x128xf32, #tpu.memory_space<vmem_shared>> -> memref<640x128xf32, #tpu.memory_space<vmem_shared>>
      tpu.enqueue_dma source(%arg4 : memref<640x128xf32, #tpu.memory_space<hbm>>) target(%dma_start3A_374 : memref<640x128xf32, #tpu.memory_space<vmem_shared>>) target_semaphore(%run_scoped3A : memref<!tpu.dma_semaphore, #tpu.memory_space<semaphore_mem>>)
      %dma_wait3A = arith.constant 0 : i32
      %dma_wait3A_375 = tpu.memref_slice %arg8[%mul3A_0, %dma_wait3A] : memref<10240x128xf32, #tpu.memory_space<vmem_shared>> -> memref<640x128xf32, #tpu.memory_space<vmem_shared>>
      tpu.wait_dma2 semaphore(%run_scoped3A : memref<!tpu.dma_semaphore, #tpu.memory_space<semaphore_mem>>) src(%arg4 : memref<640x128xf32, #tpu.memory_space<hbm>>) dst(%dma_wait3A_375 : memref<640x128xf32, #tpu.memory_space<vmem_shared>>)
      tpu.yield
    }) : () -> ()
    "tpu.region"() ({
      %run_scoped3A = tpu.sem_alloc : memref<!tpu.dma_semaphore, #tpu.memory_space<semaphore_mem>>
      %dma_start3A_373 = arith.constant 0 : i32
      %dma_start3A_374 = arith.constant 0 : i32
      %dma_start3A_375 = tpu.memref_slice %arg10[%dma_start3A_373, %dma_start3A_374] : memref<160x128xf32, #tpu.memory_space<vmem>> -> memref<40x128xf32, #tpu.memory_space<vmem>>
      %dma_start3A_376 = arith.constant 0 : i32
      %dma_start3A_377 = arith.constant 0 : i32
      %dma_start3A_378 = tpu.memref_slice %arg10[%dma_start3A_376, %dma_start3A_377] : memref<160x128xf32, #tpu.memory_space<vmem>> -> memref<40x128xf32, #tpu.memory_space<vmem>>
      tpu.enqueue_dma source(%arg5 : memref<40x128xf32, #tpu.memory_space<hbm>>) target(%dma_start3A_378 : memref<40x128xf32, #tpu.memory_space<vmem>>) target_semaphore(%run_scoped3A : memref<!tpu.dma_semaphore, #tpu.memory_space<semaphore_mem>>)
      %dma_wait3A = arith.constant 0 : i32
      %dma_wait3A_379 = arith.constant 0 : i32
      %dma_wait3A_380 = tpu.memref_slice %arg10[%dma_wait3A, %dma_wait3A_379] : memref<160x128xf32, #tpu.memory_space<vmem>> -> memref<40x128xf32, #tpu.memory_space<vmem>>
      %dma_wait3A_381 = arith.constant 0 : i32
      %dma_wait3A_382 = arith.constant 0 : i32
      %dma_wait3A_383 = tpu.memref_slice %arg10[%dma_wait3A_381, %dma_wait3A_382] : memref<160x128xf32, #tpu.memory_space<vmem>> -> memref<40x128xf32, #tpu.memory_space<vmem>>
      tpu.wait_dma2 semaphore(%run_scoped3A : memref<!tpu.dma_semaphore, #tpu.memory_space<semaphore_mem>>) src(%arg5 : memref<40x128xf32, #tpu.memory_space<hbm>>) dst(%dma_wait3A_383 : memref<40x128xf32, #tpu.memory_space<vmem>>)
      tpu.yield
    }) : () -> ()
    %barrier3A_249 = arith.constant 0 : index
    tpu.barrier barrier_id(%barrier3A_249)
    %dma_start3A_250 = arith.constant 0 : i32
    %dma_start3A_251 = arith.constant 1 : i32
    %dma_start3A_252 = arith.constant 0 : i32
    %dma_start3A_253 = arith.constant 0 : i32
    %dma_start3A_254 = tpu.memref_slice %arg10[%dma_start3A_252, %dma_start3A_253] : memref<160x128xf32, #tpu.memory_space<vmem>> -> memref<40x128xf32, #tpu.memory_space<vmem>>
    %dma_start3A_255 = arith.constant 0 : i32
    %dma_start3A_256 = tpu.memref_slice %arg9[%dma_start3A_250, %dma_start3A_251, %dma_start3A_255] : memref<64x2x40xi32, #tpu.memory_space<vmem>> -> memref<1x1x40xi32, #tpu.memory_space<vmem>>
    %dma_start3A_257 = tpu.memref_squeeze %dma_start3A_256 : memref<1x1x40xi32, #tpu.memory_space<vmem>> -> memref<40xi32, #tpu.memory_space<vmem>>
    %dma_start3A_258 = arith.constant 0 : i32
    %dma_start3A_259 = arith.constant 0 : i32
    %dma_start3A_260 = tpu.memref_slice %arg8[%dma_start3A_258, %dma_start3A_259] : memref<10240x128xf32, #tpu.memory_space<vmem_shared>> -> memref<10240x128xf32, #tpu.memory_space<vmem_shared>>
    tpu.enqueue_indirect_dma source(%dma_start3A_254 : memref<40x128xf32, #tpu.memory_space<vmem>>) target(%dma_start3A_260 : memref<10240x128xf32, #tpu.memory_space<vmem_shared>>) offsets(%dma_start3A_257 : memref<40xi32, #tpu.memory_space<vmem>>) semaphore(%arg15 : memref<!tpu.dma_semaphore, #tpu.memory_space<semaphore_mem>>) {add = true}
    %dma_start3A_261 = arith.constant 1 : i32
    %dma_start3A_262 = arith.constant 1 : i32
    %dma_start3A_263 = arith.constant 0 : i32
    %dma_start3A_264 = arith.constant 0 : i32
    %dma_start3A_265 = tpu.memref_slice %arg10[%dma_start3A_263, %dma_start3A_264] : memref<160x128xf32, #tpu.memory_space<vmem>> -> memref<40x128xf32, #tpu.memory_space<vmem>>
    %dma_start3A_266 = arith.constant 0 : i32
    %dma_start3A_267 = tpu.memref_slice %arg9[%dma_start3A_261, %dma_start3A_262, %dma_start3A_266] : memref<64x2x40xi32, #tpu.memory_space<vmem>> -> memref<1x1x40xi32, #tpu.memory_space<vmem>>
    %dma_start3A_268 = tpu.memref_squeeze %dma_start3A_267 : memref<1x1x40xi32, #tpu.memory_space<vmem>> -> memref<40xi32, #tpu.memory_space<vmem>>
    %dma_start3A_269 = arith.constant 0 : i32
    %dma_start3A_270 = arith.constant 0 : i32
    %dma_start3A_271 = tpu.memref_slice %arg8[%dma_start3A_269, %dma_start3A_270] : memref<10240x128xf32, #tpu.memory_space<vmem_shared>> -> memref<10240x128xf32, #tpu.memory_space<vmem_shared>>
    tpu.enqueue_indirect_dma source(%dma_start3A_265 : memref<40x128xf32, #tpu.memory_space<vmem>>) target(%dma_start3A_271 : memref<10240x128xf32, #tpu.memory_space<vmem_shared>>) offsets(%dma_start3A_268 : memref<40xi32, #tpu.memory_space<vmem>>) semaphore(%arg16 : memref<!tpu.dma_semaphore, #tpu.memory_space<semaphore_mem>>) {add = true}
    %scan3A_272 = arith.constant 0 : i32
    %scan3A_273 = arith.constant 0 : i32
    %scan3A_274 = arith.constant 32 : i32
    %scan3A_275 = arith.addi %scan3A_273, %scan3A_274 : i32
    %scan3A_276 = arith.constant 1 : i32
    scf.for %scan3A_373 = %scan3A_273 to %scan3A_275 step %scan3A_276  : i32 {
      %mul3A_374 = arith.constant 2 : i32
      %mul3A_375 = arith.muli %mul3A_374, %scan3A_373 : i32
      %dma_wait3A = arith.constant 1 : i32
      %dma_wait3A_376 = arith.constant 0 : i32
      %dma_wait3A_377 = arith.constant 0 : i32
      %dma_wait3A_378 = tpu.memref_slice %arg10[%dma_wait3A_376, %dma_wait3A_377] : memref<160x128xf32, #tpu.memory_space<vmem>> -> memref<40x128xf32, #tpu.memory_space<vmem>>
      %dma_wait3A_379 = arith.constant 0 : i32
      %dma_wait3A_380 = tpu.memref_slice %arg9[%mul3A_375, %dma_wait3A, %dma_wait3A_379] : memref<64x2x40xi32, #tpu.memory_space<vmem>> -> memref<1x1x40xi32, #tpu.memory_space<vmem>>
      %dma_wait3A_381 = tpu.memref_squeeze %dma_wait3A_380 : memref<1x1x40xi32, #tpu.memory_space<vmem>> -> memref<40xi32, #tpu.memory_space<vmem>>
      %dma_wait3A_382 = arith.constant 0 : i32
      %dma_wait3A_383 = arith.constant 0 : i32
      %dma_wait3A_384 = tpu.memref_slice %arg8[%dma_wait3A_382, %dma_wait3A_383] : memref<10240x128xf32, #tpu.memory_space<vmem_shared>> -> memref<10240x128xf32, #tpu.memory_space<vmem_shared>>
      tpu.wait_indirect_dma semaphore(%arg15 : memref<!tpu.dma_semaphore, #tpu.memory_space<semaphore_mem>>) src(%dma_wait3A_378 : memref<40x128xf32, #tpu.memory_space<vmem>>) dst(%dma_wait3A_384 : memref<10240x128xf32, #tpu.memory_space<vmem_shared>>)
      %lt3A = arith.constant 31 : i32
      %lt3A_385 = arith.cmpi slt, %scan3A_373, %lt3A : i32
      %convert_element_type3A = arith.extui %lt3A_385 : i1 to i32
      %cond3A = arith.constant 0 : i32
      %cond3A_386 = arith.cmpi ne, %convert_element_type3A, %cond3A : i32
      scf.if %cond3A_386 {
        %add3A_404 = arith.constant 2 : i32
        %add3A_405 = arith.addi %mul3A_375, %add3A_404 : i32
        %dma_start3A_406 = arith.constant 1 : i32
        %dma_start3A_407 = arith.constant 0 : i32
        %dma_start3A_408 = arith.constant 0 : i32
        %dma_start3A_409 = tpu.memref_slice %arg10[%dma_start3A_407, %dma_start3A_408] : memref<160x128xf32, #tpu.memory_space<vmem>> -> memref<40x128xf32, #tpu.memory_space<vmem>>
        %dma_start3A_410 = arith.constant 0 : i32
        %dma_start3A_411 = tpu.memref_slice %arg9[%add3A_405, %dma_start3A_406, %dma_start3A_410] : memref<64x2x40xi32, #tpu.memory_space<vmem>> -> memref<1x1x40xi32, #tpu.memory_space<vmem>>
        %dma_start3A_412 = tpu.memref_squeeze %dma_start3A_411 : memref<1x1x40xi32, #tpu.memory_space<vmem>> -> memref<40xi32, #tpu.memory_space<vmem>>
        %dma_start3A_413 = arith.constant 0 : i32
        %dma_start3A_414 = arith.constant 0 : i32
        %dma_start3A_415 = tpu.memref_slice %arg8[%dma_start3A_413, %dma_start3A_414] : memref<10240x128xf32, #tpu.memory_space<vmem_shared>> -> memref<10240x128xf32, #tpu.memory_space<vmem_shared>>
        tpu.enqueue_indirect_dma source(%dma_start3A_409 : memref<40x128xf32, #tpu.memory_space<vmem>>) target(%dma_start3A_415 : memref<10240x128xf32, #tpu.memory_space<vmem_shared>>) offsets(%dma_start3A_412 : memref<40xi32, #tpu.memory_space<vmem>>) semaphore(%arg15 : memref<!tpu.dma_semaphore, #tpu.memory_space<semaphore_mem>>) {add = true}
      } else {
      }
      %add3A_387 = arith.constant 1 : i32
      %add3A_388 = arith.addi %mul3A_375, %add3A_387 : i32
      %dma_wait3A_389 = arith.constant 1 : i32
      %dma_wait3A_390 = arith.constant 0 : i32
      %dma_wait3A_391 = arith.constant 0 : i32
      %dma_wait3A_392 = tpu.memref_slice %arg10[%dma_wait3A_390, %dma_wait3A_391] : memref<160x128xf32, #tpu.memory_space<vmem>> -> memref<40x128xf32, #tpu.memory_space<vmem>>
      %dma_wait3A_393 = arith.constant 0 : i32
      %dma_wait3A_394 = tpu.memref_slice %arg9[%add3A_388, %dma_wait3A_389, %dma_wait3A_393] : memref<64x2x40xi32, #tpu.memory_space<vmem>> -> memref<1x1x40xi32, #tpu.memory_space<vmem>>
      %dma_wait3A_395 = tpu.memref_squeeze %dma_wait3A_394 : memref<1x1x40xi32, #tpu.memory_space<vmem>> -> memref<40xi32, #tpu.memory_space<vmem>>
      %dma_wait3A_396 = arith.constant 0 : i32
      %dma_wait3A_397 = arith.constant 0 : i32
      %dma_wait3A_398 = tpu.memref_slice %arg8[%dma_wait3A_396, %dma_wait3A_397] : memref<10240x128xf32, #tpu.memory_space<vmem_shared>> -> memref<10240x128xf32, #tpu.memory_space<vmem_shared>>
      tpu.wait_indirect_dma semaphore(%arg16 : memref<!tpu.dma_semaphore, #tpu.memory_space<semaphore_mem>>) src(%dma_wait3A_392 : memref<40x128xf32, #tpu.memory_space<vmem>>) dst(%dma_wait3A_398 : memref<10240x128xf32, #tpu.memory_space<vmem_shared>>)
      %lt3A_399 = arith.constant 31 : i32
      %lt3A_400 = arith.cmpi slt, %scan3A_373, %lt3A_399 : i32
      %convert_element_type3A_401 = arith.extui %lt3A_400 : i1 to i32
      %cond3A_402 = arith.constant 0 : i32
      %cond3A_403 = arith.cmpi ne, %convert_element_type3A_401, %cond3A_402 : i32
      scf.if %cond3A_403 {
        %add3A_404 = arith.constant 3 : i32
        %add3A_405 = arith.addi %mul3A_375, %add3A_404 : i32
        %dma_start3A_406 = arith.constant 1 : i32
        %dma_start3A_407 = arith.constant 0 : i32
        %dma_start3A_408 = arith.constant 0 : i32
        %dma_start3A_409 = tpu.memref_slice %arg10[%dma_start3A_407, %dma_start3A_408] : memref<160x128xf32, #tpu.memory_space<vmem>> -> memref<40x128xf32, #tpu.memory_space<vmem>>
        %dma_start3A_410 = arith.constant 0 : i32
        %dma_start3A_411 = tpu.memref_slice %arg9[%add3A_405, %dma_start3A_406, %dma_start3A_410] : memref<64x2x40xi32, #tpu.memory_space<vmem>> -> memref<1x1x40xi32, #tpu.memory_space<vmem>>
        %dma_start3A_412 = tpu.memref_squeeze %dma_start3A_411 : memref<1x1x40xi32, #tpu.memory_space<vmem>> -> memref<40xi32, #tpu.memory_space<vmem>>
        %dma_start3A_413 = arith.constant 0 : i32
        %dma_start3A_414 = arith.constant 0 : i32
        %dma_start3A_415 = tpu.memref_slice %arg8[%dma_start3A_413, %dma_start3A_414] : memref<10240x128xf32, #tpu.memory_space<vmem_shared>> -> memref<10240x128xf32, #tpu.memory_space<vmem_shared>>
        tpu.enqueue_indirect_dma source(%dma_start3A_409 : memref<40x128xf32, #tpu.memory_space<vmem>>) target(%dma_start3A_415 : memref<10240x128xf32, #tpu.memory_space<vmem_shared>>) offsets(%dma_start3A_412 : memref<40xi32, #tpu.memory_space<vmem>>) semaphore(%arg16 : memref<!tpu.dma_semaphore, #tpu.memory_space<semaphore_mem>>) {add = true}
      } else {
      }
    }
    %scan3A_277 = arith.constant 32 : i32
    %barrier3A_278 = arith.constant 0 : index
    tpu.barrier barrier_id(%barrier3A_278)
    "tpu.region"() ({
      %run_scoped3A = tpu.sem_alloc : memref<!tpu.dma_semaphore, #tpu.memory_space<semaphore_mem>>
      %dma_start3A_373 = arith.constant 0 : i32
      %dma_start3A_374 = tpu.memref_slice %arg7[%add3A_196, %dma_start3A_373] : memref<81920x128xf32, #tpu.memory_space<hbm>> -> memref<640x128xf32, #tpu.memory_space<hbm>>
      %dma_start3A_375 = arith.constant 0 : i32
      %dma_start3A_376 = tpu.memref_slice %arg8[%mul3A_0, %dma_start3A_375] : memref<10240x128xf32, #tpu.memory_space<vmem_shared>> -> memref<640x128xf32, #tpu.memory_space<vmem_shared>>
      tpu.enqueue_dma source(%dma_start3A_376 : memref<640x128xf32, #tpu.memory_space<vmem_shared>>) target(%dma_start3A_374 : memref<640x128xf32, #tpu.memory_space<hbm>>) target_semaphore(%run_scoped3A : memref<!tpu.dma_semaphore, #tpu.memory_space<semaphore_mem>>)
      %dma_wait3A = arith.constant 0 : i32
      %dma_wait3A_377 = tpu.memref_slice %arg7[%add3A_196, %dma_wait3A] : memref<81920x128xf32, #tpu.memory_space<hbm>> -> memref<640x128xf32, #tpu.memory_space<hbm>>
      %dma_wait3A_378 = arith.constant 0 : i32
      %dma_wait3A_379 = tpu.memref_slice %arg8[%mul3A_0, %dma_wait3A_378] : memref<10240x128xf32, #tpu.memory_space<vmem_shared>> -> memref<640x128xf32, #tpu.memory_space<vmem_shared>>
      tpu.wait_dma2 semaphore(%run_scoped3A : memref<!tpu.dma_semaphore, #tpu.memory_space<semaphore_mem>>) src(%dma_wait3A_379 : memref<640x128xf32, #tpu.memory_space<vmem_shared>>) dst(%dma_wait3A_377 : memref<640x128xf32, #tpu.memory_space<hbm>>)
      tpu.yield
    }) : () -> ()
    %mul3A_279 = arith.constant 4 : i32
    %mul3A_280 = arith.muli %arg0, %mul3A_279 : i32
    %add3A_281 = arith.constant 3 : i32
    %add3A_282 = arith.addi %mul3A_280, %add3A_281 : i32
    %mul3A_283 = arith.constant 1024 : i32
    %mul3A_284 = arith.muli %add3A_282, %mul3A_283 : i32
    %mul3A_285 = arith.constant 64 : i32
    %mul3A_286 = arith.muli %arg1, %mul3A_285 : i32
    %add3A_287 = arith.addi %mul3A_284, %mul3A_286 : i32
    %mul3A_288 = arith.constant 10240 : i32
    %mul3A_289 = arith.muli %add3A_282, %mul3A_288 : i32
    %add3A_290 = arith.addi %mul3A_289, %mul3A_0 : i32
    "tpu.region"() ({
      %run_scoped3A = tpu.sem_alloc : memref<!tpu.dma_semaphore, #tpu.memory_space<semaphore_mem>>
      %dma_start3A_373 = arith.constant 0 : i32
      %dma_start3A_374 = arith.constant 0 : i32
      %dma_start3A_375 = tpu.memref_slice %arg3[%add3A_287, %dma_start3A_373, %dma_start3A_374] : memref<8193x2x40xi32, #tpu.memory_space<hbm>> -> memref<64x2x40xi32, #tpu.memory_space<hbm>>
      %dma_start3A_376 = arith.constant 0 : i32
      %dma_start3A_377 = arith.constant 0 : i32
      %dma_start3A_378 = tpu.memref_slice %arg3[%add3A_287, %dma_start3A_376, %dma_start3A_377] : memref<8193x2x40xi32, #tpu.memory_space<hbm>> -> memref<64x2x40xi32, #tpu.memory_space<hbm>>
      tpu.enqueue_dma source(%dma_start3A_378 : memref<64x2x40xi32, #tpu.memory_space<hbm>>) target(%arg9 : memref<64x2x40xi32, #tpu.memory_space<vmem>>) target_semaphore(%run_scoped3A : memref<!tpu.dma_semaphore, #tpu.memory_space<semaphore_mem>>)
      %dma_wait3A = arith.constant 0 : i32
      %dma_wait3A_379 = arith.constant 0 : i32
      %dma_wait3A_380 = tpu.memref_slice %arg3[%add3A_287, %dma_wait3A, %dma_wait3A_379] : memref<8193x2x40xi32, #tpu.memory_space<hbm>> -> memref<64x2x40xi32, #tpu.memory_space<hbm>>
      %dma_wait3A_381 = arith.constant 0 : i32
      %dma_wait3A_382 = arith.constant 0 : i32
      %dma_wait3A_383 = tpu.memref_slice %arg3[%add3A_287, %dma_wait3A_381, %dma_wait3A_382] : memref<8193x2x40xi32, #tpu.memory_space<hbm>> -> memref<64x2x40xi32, #tpu.memory_space<hbm>>
      tpu.wait_dma2 semaphore(%run_scoped3A : memref<!tpu.dma_semaphore, #tpu.memory_space<semaphore_mem>>) src(%dma_wait3A_383 : memref<64x2x40xi32, #tpu.memory_space<hbm>>) dst(%arg9 : memref<64x2x40xi32, #tpu.memory_space<vmem>>)
      tpu.yield
    }) : () -> ()
    "tpu.region"() ({
      %run_scoped3A = tpu.sem_alloc : memref<!tpu.dma_semaphore, #tpu.memory_space<semaphore_mem>>
      %dma_start3A_373 = arith.constant 0 : i32
      %dma_start3A_374 = tpu.memref_slice %arg8[%mul3A_0, %dma_start3A_373] : memref<10240x128xf32, #tpu.memory_space<vmem_shared>> -> memref<640x128xf32, #tpu.memory_space<vmem_shared>>
      tpu.enqueue_dma source(%arg4 : memref<640x128xf32, #tpu.memory_space<hbm>>) target(%dma_start3A_374 : memref<640x128xf32, #tpu.memory_space<vmem_shared>>) target_semaphore(%run_scoped3A : memref<!tpu.dma_semaphore, #tpu.memory_space<semaphore_mem>>)
      %dma_wait3A = arith.constant 0 : i32
      %dma_wait3A_375 = tpu.memref_slice %arg8[%mul3A_0, %dma_wait3A] : memref<10240x128xf32, #tpu.memory_space<vmem_shared>> -> memref<640x128xf32, #tpu.memory_space<vmem_shared>>
      tpu.wait_dma2 semaphore(%run_scoped3A : memref<!tpu.dma_semaphore, #tpu.memory_space<semaphore_mem>>) src(%arg4 : memref<640x128xf32, #tpu.memory_space<hbm>>) dst(%dma_wait3A_375 : memref<640x128xf32, #tpu.memory_space<vmem_shared>>)
      tpu.yield
    }) : () -> ()
    %barrier3A_291 = arith.constant 0 : index
    tpu.barrier barrier_id(%barrier3A_291)
    %dma_start3A_292 = arith.constant 0 : i32
    %dma_start3A_293 = arith.constant 0 : i32
    %dma_start3A_294 = arith.constant 0 : i32
    %dma_start3A_295 = arith.constant 0 : i32
    %dma_start3A_296 = tpu.memref_slice %arg10[%dma_start3A_294, %dma_start3A_295] : memref<160x128xf32, #tpu.memory_space<vmem>> -> memref<40x128xf32, #tpu.memory_space<vmem>>
    %dma_start3A_297 = arith.constant 0 : i32
    %dma_start3A_298 = tpu.memref_slice %arg9[%dma_start3A_292, %dma_start3A_293, %dma_start3A_297] : memref<64x2x40xi32, #tpu.memory_space<vmem>> -> memref<1x1x40xi32, #tpu.memory_space<vmem>>
    %dma_start3A_299 = tpu.memref_squeeze %dma_start3A_298 : memref<1x1x40xi32, #tpu.memory_space<vmem>> -> memref<40xi32, #tpu.memory_space<vmem>>
    %dma_start3A_300 = arith.constant 0 : i32
    %dma_start3A_301 = arith.constant 0 : i32
    %dma_start3A_302 = tpu.memref_slice %arg2[%dma_start3A_300, %dma_start3A_301] : memref<10008x128xf32, #tpu.memory_space<hbm>> -> memref<10008x128xf32, #tpu.memory_space<hbm>>
    tpu.enqueue_indirect_dma source(%dma_start3A_302 : memref<10008x128xf32, #tpu.memory_space<hbm>>) target(%dma_start3A_296 : memref<40x128xf32, #tpu.memory_space<vmem>>) offsets(%dma_start3A_299 : memref<40xi32, #tpu.memory_space<vmem>>) semaphore(%arg11 : memref<!tpu.dma_semaphore, #tpu.memory_space<semaphore_mem>>)
    %dma_start3A_303 = arith.constant 1 : i32
    %dma_start3A_304 = arith.constant 0 : i32
    %dma_start3A_305 = arith.constant 40 : i32
    %dma_start3A_306 = arith.constant 0 : i32
    %dma_start3A_307 = tpu.memref_slice %arg10[%dma_start3A_305, %dma_start3A_306] : memref<160x128xf32, #tpu.memory_space<vmem>> -> memref<40x128xf32, #tpu.memory_space<vmem>>
    %dma_start3A_308 = arith.constant 0 : i32
    %dma_start3A_309 = tpu.memref_slice %arg9[%dma_start3A_303, %dma_start3A_304, %dma_start3A_308] : memref<64x2x40xi32, #tpu.memory_space<vmem>> -> memref<1x1x40xi32, #tpu.memory_space<vmem>>
    %dma_start3A_310 = tpu.memref_squeeze %dma_start3A_309 : memref<1x1x40xi32, #tpu.memory_space<vmem>> -> memref<40xi32, #tpu.memory_space<vmem>>
    %dma_start3A_311 = arith.constant 0 : i32
    %dma_start3A_312 = arith.constant 0 : i32
    %dma_start3A_313 = tpu.memref_slice %arg2[%dma_start3A_311, %dma_start3A_312] : memref<10008x128xf32, #tpu.memory_space<hbm>> -> memref<10008x128xf32, #tpu.memory_space<hbm>>
    tpu.enqueue_indirect_dma source(%dma_start3A_313 : memref<10008x128xf32, #tpu.memory_space<hbm>>) target(%dma_start3A_307 : memref<40x128xf32, #tpu.memory_space<vmem>>) offsets(%dma_start3A_310 : memref<40xi32, #tpu.memory_space<vmem>>) semaphore(%arg12 : memref<!tpu.dma_semaphore, #tpu.memory_space<semaphore_mem>>)
    %dma_start3A_314 = arith.constant 2 : i32
    %dma_start3A_315 = arith.constant 0 : i32
    %dma_start3A_316 = arith.constant 80 : i32
    %dma_start3A_317 = arith.constant 0 : i32
    %dma_start3A_318 = tpu.memref_slice %arg10[%dma_start3A_316, %dma_start3A_317] : memref<160x128xf32, #tpu.memory_space<vmem>> -> memref<40x128xf32, #tpu.memory_space<vmem>>
    %dma_start3A_319 = arith.constant 0 : i32
    %dma_start3A_320 = tpu.memref_slice %arg9[%dma_start3A_314, %dma_start3A_315, %dma_start3A_319] : memref<64x2x40xi32, #tpu.memory_space<vmem>> -> memref<1x1x40xi32, #tpu.memory_space<vmem>>
    %dma_start3A_321 = tpu.memref_squeeze %dma_start3A_320 : memref<1x1x40xi32, #tpu.memory_space<vmem>> -> memref<40xi32, #tpu.memory_space<vmem>>
    %dma_start3A_322 = arith.constant 0 : i32
    %dma_start3A_323 = arith.constant 0 : i32
    %dma_start3A_324 = tpu.memref_slice %arg2[%dma_start3A_322, %dma_start3A_323] : memref<10008x128xf32, #tpu.memory_space<hbm>> -> memref<10008x128xf32, #tpu.memory_space<hbm>>
    tpu.enqueue_indirect_dma source(%dma_start3A_324 : memref<10008x128xf32, #tpu.memory_space<hbm>>) target(%dma_start3A_318 : memref<40x128xf32, #tpu.memory_space<vmem>>) offsets(%dma_start3A_321 : memref<40xi32, #tpu.memory_space<vmem>>) semaphore(%arg13 : memref<!tpu.dma_semaphore, #tpu.memory_space<semaphore_mem>>)
    %dma_start3A_325 = arith.constant 3 : i32
    %dma_start3A_326 = arith.constant 0 : i32
    %dma_start3A_327 = arith.constant 120 : i32
    %dma_start3A_328 = arith.constant 0 : i32
    %dma_start3A_329 = tpu.memref_slice %arg10[%dma_start3A_327, %dma_start3A_328] : memref<160x128xf32, #tpu.memory_space<vmem>> -> memref<40x128xf32, #tpu.memory_space<vmem>>
    %dma_start3A_330 = arith.constant 0 : i32
    %dma_start3A_331 = tpu.memref_slice %arg9[%dma_start3A_325, %dma_start3A_326, %dma_start3A_330] : memref<64x2x40xi32, #tpu.memory_space<vmem>> -> memref<1x1x40xi32, #tpu.memory_space<vmem>>
    %dma_start3A_332 = tpu.memref_squeeze %dma_start3A_331 : memref<1x1x40xi32, #tpu.memory_space<vmem>> -> memref<40xi32, #tpu.memory_space<vmem>>
    %dma_start3A_333 = arith.constant 0 : i32
    %dma_start3A_334 = arith.constant 0 : i32
    %dma_start3A_335 = tpu.memref_slice %arg2[%dma_start3A_333, %dma_start3A_334] : memref<10008x128xf32, #tpu.memory_space<hbm>> -> memref<10008x128xf32, #tpu.memory_space<hbm>>
    tpu.enqueue_indirect_dma source(%dma_start3A_335 : memref<10008x128xf32, #tpu.memory_space<hbm>>) target(%dma_start3A_329 : memref<40x128xf32, #tpu.memory_space<vmem>>) offsets(%dma_start3A_332 : memref<40xi32, #tpu.memory_space<vmem>>) semaphore(%arg14 : memref<!tpu.dma_semaphore, #tpu.memory_space<semaphore_mem>>)
    %scan3A_336 = arith.constant 0 : i32
    %scan3A_337 = arith.constant 0 : i32
    %scan3A_338 = arith.constant 16 : i32
    %scan3A_339 = arith.addi %scan3A_337, %scan3A_338 : i32
    %scan3A_340 = arith.constant 1 : i32
    scf.for %scan3A_373 = %scan3A_337 to %scan3A_339 step %scan3A_340  : i32 {
      %mul3A_374 = arith.constant 4 : i32
      %mul3A_375 = arith.muli %mul3A_374, %scan3A_373 : i32
      %add3A_376 = arith.constant 0 : i32
      %add3A_377 = arith.addi %mul3A_375, %add3A_376 : i32
      %dma_wait3A = arith.constant 0 : i32
      %dma_wait3A_378 = arith.constant 0 : i32
      %dma_wait3A_379 = arith.constant 0 : i32
      %dma_wait3A_380 = tpu.memref_slice %arg10[%dma_wait3A_378, %dma_wait3A_379] : memref<160x128xf32, #tpu.memory_space<vmem>> -> memref<40x128xf32, #tpu.memory_space<vmem>>
      %dma_wait3A_381 = arith.constant 0 : i32
      %dma_wait3A_382 = tpu.memref_slice %arg9[%add3A_377, %dma_wait3A, %dma_wait3A_381] : memref<64x2x40xi32, #tpu.memory_space<vmem>> -> memref<1x1x40xi32, #tpu.memory_space<vmem>>
      %dma_wait3A_383 = tpu.memref_squeeze %dma_wait3A_382 : memref<1x1x40xi32, #tpu.memory_space<vmem>> -> memref<40xi32, #tpu.memory_space<vmem>>
      %dma_wait3A_384 = arith.constant 0 : i32
      %dma_wait3A_385 = arith.constant 0 : i32
      %dma_wait3A_386 = tpu.memref_slice %arg2[%dma_wait3A_384, %dma_wait3A_385] : memref<10008x128xf32, #tpu.memory_space<hbm>> -> memref<10008x128xf32, #tpu.memory_space<hbm>>
      tpu.wait_indirect_dma semaphore(%arg11 : memref<!tpu.dma_semaphore, #tpu.memory_space<semaphore_mem>>) src(%dma_wait3A_386 : memref<10008x128xf32, #tpu.memory_space<hbm>>) dst(%dma_wait3A_380 : memref<40x128xf32, #tpu.memory_space<vmem>>)
      %add3A_387 = arith.constant 0 : i32
      %add3A_388 = arith.addi %mul3A_375, %add3A_387 : i32
      %dma_start3A_389 = arith.constant 1 : i32
      %dma_start3A_390 = arith.constant 0 : i32
      %dma_start3A_391 = arith.constant 0 : i32
      %dma_start3A_392 = tpu.memref_slice %arg10[%dma_start3A_390, %dma_start3A_391] : memref<160x128xf32, #tpu.memory_space<vmem>> -> memref<40x128xf32, #tpu.memory_space<vmem>>
      %dma_start3A_393 = arith.constant 0 : i32
      %dma_start3A_394 = tpu.memref_slice %arg9[%add3A_388, %dma_start3A_389, %dma_start3A_393] : memref<64x2x40xi32, #tpu.memory_space<vmem>> -> memref<1x1x40xi32, #tpu.memory_space<vmem>>
      %dma_start3A_395 = tpu.memref_squeeze %dma_start3A_394 : memref<1x1x40xi32, #tpu.memory_space<vmem>> -> memref<40xi32, #tpu.memory_space<vmem>>
      %dma_start3A_396 = arith.constant 0 : i32
      %dma_start3A_397 = arith.constant 0 : i32
      %dma_start3A_398 = tpu.memref_slice %arg8[%dma_start3A_396, %dma_start3A_397] : memref<10240x128xf32, #tpu.memory_space<vmem_shared>> -> memref<10240x128xf32, #tpu.memory_space<vmem_shared>>
      tpu.enqueue_indirect_dma source(%dma_start3A_392 : memref<40x128xf32, #tpu.memory_space<vmem>>) target(%dma_start3A_398 : memref<10240x128xf32, #tpu.memory_space<vmem_shared>>) offsets(%dma_start3A_395 : memref<40xi32, #tpu.memory_space<vmem>>) semaphore(%arg15 : memref<!tpu.dma_semaphore, #tpu.memory_space<semaphore_mem>>) {add = true}
      %add3A_399 = arith.constant 1 : i32
      %add3A_400 = arith.addi %mul3A_375, %add3A_399 : i32
      %dma_wait3A_401 = arith.constant 0 : i32
      %dma_wait3A_402 = arith.constant 40 : i32
      %dma_wait3A_403 = arith.constant 0 : i32
      %dma_wait3A_404 = tpu.memref_slice %arg10[%dma_wait3A_402, %dma_wait3A_403] : memref<160x128xf32, #tpu.memory_space<vmem>> -> memref<40x128xf32, #tpu.memory_space<vmem>>
      %dma_wait3A_405 = arith.constant 0 : i32
      %dma_wait3A_406 = tpu.memref_slice %arg9[%add3A_400, %dma_wait3A_401, %dma_wait3A_405] : memref<64x2x40xi32, #tpu.memory_space<vmem>> -> memref<1x1x40xi32, #tpu.memory_space<vmem>>
      %dma_wait3A_407 = tpu.memref_squeeze %dma_wait3A_406 : memref<1x1x40xi32, #tpu.memory_space<vmem>> -> memref<40xi32, #tpu.memory_space<vmem>>
      %dma_wait3A_408 = arith.constant 0 : i32
      %dma_wait3A_409 = arith.constant 0 : i32
      %dma_wait3A_410 = tpu.memref_slice %arg2[%dma_wait3A_408, %dma_wait3A_409] : memref<10008x128xf32, #tpu.memory_space<hbm>> -> memref<10008x128xf32, #tpu.memory_space<hbm>>
      tpu.wait_indirect_dma semaphore(%arg12 : memref<!tpu.dma_semaphore, #tpu.memory_space<semaphore_mem>>) src(%dma_wait3A_410 : memref<10008x128xf32, #tpu.memory_space<hbm>>) dst(%dma_wait3A_404 : memref<40x128xf32, #tpu.memory_space<vmem>>)
      %add3A_411 = arith.constant 1 : i32
      %add3A_412 = arith.addi %mul3A_375, %add3A_411 : i32
      %dma_start3A_413 = arith.constant 1 : i32
      %dma_start3A_414 = arith.constant 40 : i32
      %dma_start3A_415 = arith.constant 0 : i32
      %dma_start3A_416 = tpu.memref_slice %arg10[%dma_start3A_414, %dma_start3A_415] : memref<160x128xf32, #tpu.memory_space<vmem>> -> memref<40x128xf32, #tpu.memory_space<vmem>>
      %dma_start3A_417 = arith.constant 0 : i32
      %dma_start3A_418 = tpu.memref_slice %arg9[%add3A_412, %dma_start3A_413, %dma_start3A_417] : memref<64x2x40xi32, #tpu.memory_space<vmem>> -> memref<1x1x40xi32, #tpu.memory_space<vmem>>
      %dma_start3A_419 = tpu.memref_squeeze %dma_start3A_418 : memref<1x1x40xi32, #tpu.memory_space<vmem>> -> memref<40xi32, #tpu.memory_space<vmem>>
      %dma_start3A_420 = arith.constant 0 : i32
      %dma_start3A_421 = arith.constant 0 : i32
      %dma_start3A_422 = tpu.memref_slice %arg8[%dma_start3A_420, %dma_start3A_421] : memref<10240x128xf32, #tpu.memory_space<vmem_shared>> -> memref<10240x128xf32, #tpu.memory_space<vmem_shared>>
      tpu.enqueue_indirect_dma source(%dma_start3A_416 : memref<40x128xf32, #tpu.memory_space<vmem>>) target(%dma_start3A_422 : memref<10240x128xf32, #tpu.memory_space<vmem_shared>>) offsets(%dma_start3A_419 : memref<40xi32, #tpu.memory_space<vmem>>) semaphore(%arg16 : memref<!tpu.dma_semaphore, #tpu.memory_space<semaphore_mem>>) {add = true}
      %add3A_423 = arith.constant 2 : i32
      %add3A_424 = arith.addi %mul3A_375, %add3A_423 : i32
      %dma_wait3A_425 = arith.constant 0 : i32
      %dma_wait3A_426 = arith.constant 80 : i32
      %dma_wait3A_427 = arith.constant 0 : i32
      %dma_wait3A_428 = tpu.memref_slice %arg10[%dma_wait3A_426, %dma_wait3A_427] : memref<160x128xf32, #tpu.memory_space<vmem>> -> memref<40x128xf32, #tpu.memory_space<vmem>>
      %dma_wait3A_429 = arith.constant 0 : i32
      %dma_wait3A_430 = tpu.memref_slice %arg9[%add3A_424, %dma_wait3A_425, %dma_wait3A_429] : memref<64x2x40xi32, #tpu.memory_space<vmem>> -> memref<1x1x40xi32, #tpu.memory_space<vmem>>
      %dma_wait3A_431 = tpu.memref_squeeze %dma_wait3A_430 : memref<1x1x40xi32, #tpu.memory_space<vmem>> -> memref<40xi32, #tpu.memory_space<vmem>>
      %dma_wait3A_432 = arith.constant 0 : i32
      %dma_wait3A_433 = arith.constant 0 : i32
      %dma_wait3A_434 = tpu.memref_slice %arg2[%dma_wait3A_432, %dma_wait3A_433] : memref<10008x128xf32, #tpu.memory_space<hbm>> -> memref<10008x128xf32, #tpu.memory_space<hbm>>
      tpu.wait_indirect_dma semaphore(%arg13 : memref<!tpu.dma_semaphore, #tpu.memory_space<semaphore_mem>>) src(%dma_wait3A_434 : memref<10008x128xf32, #tpu.memory_space<hbm>>) dst(%dma_wait3A_428 : memref<40x128xf32, #tpu.memory_space<vmem>>)
      %add3A_435 = arith.constant 2 : i32
      %add3A_436 = arith.addi %mul3A_375, %add3A_435 : i32
      %dma_start3A_437 = arith.constant 1 : i32
      %dma_start3A_438 = arith.constant 80 : i32
      %dma_start3A_439 = arith.constant 0 : i32
      %dma_start3A_440 = tpu.memref_slice %arg10[%dma_start3A_438, %dma_start3A_439] : memref<160x128xf32, #tpu.memory_space<vmem>> -> memref<40x128xf32, #tpu.memory_space<vmem>>
      %dma_start3A_441 = arith.constant 0 : i32
      %dma_start3A_442 = tpu.memref_slice %arg9[%add3A_436, %dma_start3A_437, %dma_start3A_441] : memref<64x2x40xi32, #tpu.memory_space<vmem>> -> memref<1x1x40xi32, #tpu.memory_space<vmem>>
      %dma_start3A_443 = tpu.memref_squeeze %dma_start3A_442 : memref<1x1x40xi32, #tpu.memory_space<vmem>> -> memref<40xi32, #tpu.memory_space<vmem>>
      %dma_start3A_444 = arith.constant 0 : i32
      %dma_start3A_445 = arith.constant 0 : i32
      %dma_start3A_446 = tpu.memref_slice %arg8[%dma_start3A_444, %dma_start3A_445] : memref<10240x128xf32, #tpu.memory_space<vmem_shared>> -> memref<10240x128xf32, #tpu.memory_space<vmem_shared>>
      tpu.enqueue_indirect_dma source(%dma_start3A_440 : memref<40x128xf32, #tpu.memory_space<vmem>>) target(%dma_start3A_446 : memref<10240x128xf32, #tpu.memory_space<vmem_shared>>) offsets(%dma_start3A_443 : memref<40xi32, #tpu.memory_space<vmem>>) semaphore(%arg17 : memref<!tpu.dma_semaphore, #tpu.memory_space<semaphore_mem>>) {add = true}
      %add3A_447 = arith.constant 3 : i32
      %add3A_448 = arith.addi %mul3A_375, %add3A_447 : i32
      %dma_wait3A_449 = arith.constant 0 : i32
      %dma_wait3A_450 = arith.constant 120 : i32
      %dma_wait3A_451 = arith.constant 0 : i32
      %dma_wait3A_452 = tpu.memref_slice %arg10[%dma_wait3A_450, %dma_wait3A_451] : memref<160x128xf32, #tpu.memory_space<vmem>> -> memref<40x128xf32, #tpu.memory_space<vmem>>
      %dma_wait3A_453 = arith.constant 0 : i32
      %dma_wait3A_454 = tpu.memref_slice %arg9[%add3A_448, %dma_wait3A_449, %dma_wait3A_453] : memref<64x2x40xi32, #tpu.memory_space<vmem>> -> memref<1x1x40xi32, #tpu.memory_space<vmem>>
      %dma_wait3A_455 = tpu.memref_squeeze %dma_wait3A_454 : memref<1x1x40xi32, #tpu.memory_space<vmem>> -> memref<40xi32, #tpu.memory_space<vmem>>
      %dma_wait3A_456 = arith.constant 0 : i32
      %dma_wait3A_457 = arith.constant 0 : i32
      %dma_wait3A_458 = tpu.memref_slice %arg2[%dma_wait3A_456, %dma_wait3A_457] : memref<10008x128xf32, #tpu.memory_space<hbm>> -> memref<10008x128xf32, #tpu.memory_space<hbm>>
      tpu.wait_indirect_dma semaphore(%arg14 : memref<!tpu.dma_semaphore, #tpu.memory_space<semaphore_mem>>) src(%dma_wait3A_458 : memref<10008x128xf32, #tpu.memory_space<hbm>>) dst(%dma_wait3A_452 : memref<40x128xf32, #tpu.memory_space<vmem>>)
      %add3A_459 = arith.constant 3 : i32
      %add3A_460 = arith.addi %mul3A_375, %add3A_459 : i32
      %dma_start3A_461 = arith.constant 1 : i32
      %dma_start3A_462 = arith.constant 120 : i32
      %dma_start3A_463 = arith.constant 0 : i32
      %dma_start3A_464 = tpu.memref_slice %arg10[%dma_start3A_462, %dma_start3A_463] : memref<160x128xf32, #tpu.memory_space<vmem>> -> memref<40x128xf32, #tpu.memory_space<vmem>>
      %dma_start3A_465 = arith.constant 0 : i32
      %dma_start3A_466 = tpu.memref_slice %arg9[%add3A_460, %dma_start3A_461, %dma_start3A_465] : memref<64x2x40xi32, #tpu.memory_space<vmem>> -> memref<1x1x40xi32, #tpu.memory_space<vmem>>
      %dma_start3A_467 = tpu.memref_squeeze %dma_start3A_466 : memref<1x1x40xi32, #tpu.memory_space<vmem>> -> memref<40xi32, #tpu.memory_space<vmem>>
      %dma_start3A_468 = arith.constant 0 : i32
      %dma_start3A_469 = arith.constant 0 : i32
      %dma_start3A_470 = tpu.memref_slice %arg8[%dma_start3A_468, %dma_start3A_469] : memref<10240x128xf32, #tpu.memory_space<vmem_shared>> -> memref<10240x128xf32, #tpu.memory_space<vmem_shared>>
      tpu.enqueue_indirect_dma source(%dma_start3A_464 : memref<40x128xf32, #tpu.memory_space<vmem>>) target(%dma_start3A_470 : memref<10240x128xf32, #tpu.memory_space<vmem_shared>>) offsets(%dma_start3A_467 : memref<40xi32, #tpu.memory_space<vmem>>) semaphore(%arg18 : memref<!tpu.dma_semaphore, #tpu.memory_space<semaphore_mem>>) {add = true}
      %add3A_471 = arith.constant 0 : i32
      %add3A_472 = arith.addi %mul3A_375, %add3A_471 : i32
      %dma_wait3A_473 = arith.constant 1 : i32
      %dma_wait3A_474 = arith.constant 0 : i32
      %dma_wait3A_475 = arith.constant 0 : i32
      %dma_wait3A_476 = tpu.memref_slice %arg10[%dma_wait3A_474, %dma_wait3A_475] : memref<160x128xf32, #tpu.memory_space<vmem>> -> memref<40x128xf32, #tpu.memory_space<vmem>>
      %dma_wait3A_477 = arith.constant 0 : i32
      %dma_wait3A_478 = tpu.memref_slice %arg9[%add3A_472, %dma_wait3A_473, %dma_wait3A_477] : memref<64x2x40xi32, #tpu.memory_space<vmem>> -> memref<1x1x40xi32, #tpu.memory_space<vmem>>
      %dma_wait3A_479 = tpu.memref_squeeze %dma_wait3A_478 : memref<1x1x40xi32, #tpu.memory_space<vmem>> -> memref<40xi32, #tpu.memory_space<vmem>>
      %dma_wait3A_480 = arith.constant 0 : i32
      %dma_wait3A_481 = arith.constant 0 : i32
      %dma_wait3A_482 = tpu.memref_slice %arg8[%dma_wait3A_480, %dma_wait3A_481] : memref<10240x128xf32, #tpu.memory_space<vmem_shared>> -> memref<10240x128xf32, #tpu.memory_space<vmem_shared>>
      tpu.wait_indirect_dma semaphore(%arg15 : memref<!tpu.dma_semaphore, #tpu.memory_space<semaphore_mem>>) src(%dma_wait3A_476 : memref<40x128xf32, #tpu.memory_space<vmem>>) dst(%dma_wait3A_482 : memref<10240x128xf32, #tpu.memory_space<vmem_shared>>)
      %lt3A = arith.constant 15 : i32
      %lt3A_483 = arith.cmpi slt, %scan3A_373, %lt3A : i32
      %convert_element_type3A = arith.extui %lt3A_483 : i1 to i32
      %cond3A = arith.constant 0 : i32
      %cond3A_484 = arith.cmpi ne, %convert_element_type3A, %cond3A : i32
      scf.if %cond3A_484 {
        %add3A_536 = arith.constant 4 : i32
        %add3A_537 = arith.addi %mul3A_375, %add3A_536 : i32
        %add3A_538 = arith.constant 0 : i32
        %add3A_539 = arith.addi %add3A_537, %add3A_538 : i32
        %dma_start3A_540 = arith.constant 0 : i32
        %dma_start3A_541 = arith.constant 0 : i32
        %dma_start3A_542 = arith.constant 0 : i32
        %dma_start3A_543 = tpu.memref_slice %arg10[%dma_start3A_541, %dma_start3A_542] : memref<160x128xf32, #tpu.memory_space<vmem>> -> memref<40x128xf32, #tpu.memory_space<vmem>>
        %dma_start3A_544 = arith.constant 0 : i32
        %dma_start3A_545 = tpu.memref_slice %arg9[%add3A_539, %dma_start3A_540, %dma_start3A_544] : memref<64x2x40xi32, #tpu.memory_space<vmem>> -> memref<1x1x40xi32, #tpu.memory_space<vmem>>
        %dma_start3A_546 = tpu.memref_squeeze %dma_start3A_545 : memref<1x1x40xi32, #tpu.memory_space<vmem>> -> memref<40xi32, #tpu.memory_space<vmem>>
        %dma_start3A_547 = arith.constant 0 : i32
        %dma_start3A_548 = arith.constant 0 : i32
        %dma_start3A_549 = tpu.memref_slice %arg2[%dma_start3A_547, %dma_start3A_548] : memref<10008x128xf32, #tpu.memory_space<hbm>> -> memref<10008x128xf32, #tpu.memory_space<hbm>>
        tpu.enqueue_indirect_dma source(%dma_start3A_549 : memref<10008x128xf32, #tpu.memory_space<hbm>>) target(%dma_start3A_543 : memref<40x128xf32, #tpu.memory_space<vmem>>) offsets(%dma_start3A_546 : memref<40xi32, #tpu.memory_space<vmem>>) semaphore(%arg11 : memref<!tpu.dma_semaphore, #tpu.memory_space<semaphore_mem>>)
      } else {
      }
      %add3A_485 = arith.constant 1 : i32
      %add3A_486 = arith.addi %mul3A_375, %add3A_485 : i32
      %dma_wait3A_487 = arith.constant 1 : i32
      %dma_wait3A_488 = arith.constant 40 : i32
      %dma_wait3A_489 = arith.constant 0 : i32
      %dma_wait3A_490 = tpu.memref_slice %arg10[%dma_wait3A_488, %dma_wait3A_489] : memref<160x128xf32, #tpu.memory_space<vmem>> -> memref<40x128xf32, #tpu.memory_space<vmem>>
      %dma_wait3A_491 = arith.constant 0 : i32
      %dma_wait3A_492 = tpu.memref_slice %arg9[%add3A_486, %dma_wait3A_487, %dma_wait3A_491] : memref<64x2x40xi32, #tpu.memory_space<vmem>> -> memref<1x1x40xi32, #tpu.memory_space<vmem>>
      %dma_wait3A_493 = tpu.memref_squeeze %dma_wait3A_492 : memref<1x1x40xi32, #tpu.memory_space<vmem>> -> memref<40xi32, #tpu.memory_space<vmem>>
      %dma_wait3A_494 = arith.constant 0 : i32
      %dma_wait3A_495 = arith.constant 0 : i32
      %dma_wait3A_496 = tpu.memref_slice %arg8[%dma_wait3A_494, %dma_wait3A_495] : memref<10240x128xf32, #tpu.memory_space<vmem_shared>> -> memref<10240x128xf32, #tpu.memory_space<vmem_shared>>
      tpu.wait_indirect_dma semaphore(%arg16 : memref<!tpu.dma_semaphore, #tpu.memory_space<semaphore_mem>>) src(%dma_wait3A_490 : memref<40x128xf32, #tpu.memory_space<vmem>>) dst(%dma_wait3A_496 : memref<10240x128xf32, #tpu.memory_space<vmem_shared>>)
      %lt3A_497 = arith.constant 15 : i32
      %lt3A_498 = arith.cmpi slt, %scan3A_373, %lt3A_497 : i32
      %convert_element_type3A_499 = arith.extui %lt3A_498 : i1 to i32
      %cond3A_500 = arith.constant 0 : i32
      %cond3A_501 = arith.cmpi ne, %convert_element_type3A_499, %cond3A_500 : i32
      scf.if %cond3A_501 {
        %add3A_536 = arith.constant 4 : i32
        %add3A_537 = arith.addi %mul3A_375, %add3A_536 : i32
        %add3A_538 = arith.constant 1 : i32
        %add3A_539 = arith.addi %add3A_537, %add3A_538 : i32
        %dma_start3A_540 = arith.constant 0 : i32
        %dma_start3A_541 = arith.constant 40 : i32
        %dma_start3A_542 = arith.constant 0 : i32
        %dma_start3A_543 = tpu.memref_slice %arg10[%dma_start3A_541, %dma_start3A_542] : memref<160x128xf32, #tpu.memory_space<vmem>> -> memref<40x128xf32, #tpu.memory_space<vmem>>
        %dma_start3A_544 = arith.constant 0 : i32
        %dma_start3A_545 = tpu.memref_slice %arg9[%add3A_539, %dma_start3A_540, %dma_start3A_544] : memref<64x2x40xi32, #tpu.memory_space<vmem>> -> memref<1x1x40xi32, #tpu.memory_space<vmem>>
        %dma_start3A_546 = tpu.memref_squeeze %dma_start3A_545 : memref<1x1x40xi32, #tpu.memory_space<vmem>> -> memref<40xi32, #tpu.memory_space<vmem>>
        %dma_start3A_547 = arith.constant 0 : i32
        %dma_start3A_548 = arith.constant 0 : i32
        %dma_start3A_549 = tpu.memref_slice %arg2[%dma_start3A_547, %dma_start3A_548] : memref<10008x128xf32, #tpu.memory_space<hbm>> -> memref<10008x128xf32, #tpu.memory_space<hbm>>
        tpu.enqueue_indirect_dma source(%dma_start3A_549 : memref<10008x128xf32, #tpu.memory_space<hbm>>) target(%dma_start3A_543 : memref<40x128xf32, #tpu.memory_space<vmem>>) offsets(%dma_start3A_546 : memref<40xi32, #tpu.memory_space<vmem>>) semaphore(%arg12 : memref<!tpu.dma_semaphore, #tpu.memory_space<semaphore_mem>>)
      } else {
      }
      %add3A_502 = arith.constant 2 : i32
      %add3A_503 = arith.addi %mul3A_375, %add3A_502 : i32
      %dma_wait3A_504 = arith.constant 1 : i32
      %dma_wait3A_505 = arith.constant 80 : i32
      %dma_wait3A_506 = arith.constant 0 : i32
      %dma_wait3A_507 = tpu.memref_slice %arg10[%dma_wait3A_505, %dma_wait3A_506] : memref<160x128xf32, #tpu.memory_space<vmem>> -> memref<40x128xf32, #tpu.memory_space<vmem>>
      %dma_wait3A_508 = arith.constant 0 : i32
      %dma_wait3A_509 = tpu.memref_slice %arg9[%add3A_503, %dma_wait3A_504, %dma_wait3A_508] : memref<64x2x40xi32, #tpu.memory_space<vmem>> -> memref<1x1x40xi32, #tpu.memory_space<vmem>>
      %dma_wait3A_510 = tpu.memref_squeeze %dma_wait3A_509 : memref<1x1x40xi32, #tpu.memory_space<vmem>> -> memref<40xi32, #tpu.memory_space<vmem>>
      %dma_wait3A_511 = arith.constant 0 : i32
      %dma_wait3A_512 = arith.constant 0 : i32
      %dma_wait3A_513 = tpu.memref_slice %arg8[%dma_wait3A_511, %dma_wait3A_512] : memref<10240x128xf32, #tpu.memory_space<vmem_shared>> -> memref<10240x128xf32, #tpu.memory_space<vmem_shared>>
      tpu.wait_indirect_dma semaphore(%arg17 : memref<!tpu.dma_semaphore, #tpu.memory_space<semaphore_mem>>) src(%dma_wait3A_507 : memref<40x128xf32, #tpu.memory_space<vmem>>) dst(%dma_wait3A_513 : memref<10240x128xf32, #tpu.memory_space<vmem_shared>>)
      %lt3A_514 = arith.constant 15 : i32
      %lt3A_515 = arith.cmpi slt, %scan3A_373, %lt3A_514 : i32
      %convert_element_type3A_516 = arith.extui %lt3A_515 : i1 to i32
      %cond3A_517 = arith.constant 0 : i32
      %cond3A_518 = arith.cmpi ne, %convert_element_type3A_516, %cond3A_517 : i32
      scf.if %cond3A_518 {
        %add3A_536 = arith.constant 4 : i32
        %add3A_537 = arith.addi %mul3A_375, %add3A_536 : i32
        %add3A_538 = arith.constant 2 : i32
        %add3A_539 = arith.addi %add3A_537, %add3A_538 : i32
        %dma_start3A_540 = arith.constant 0 : i32
        %dma_start3A_541 = arith.constant 80 : i32
        %dma_start3A_542 = arith.constant 0 : i32
        %dma_start3A_543 = tpu.memref_slice %arg10[%dma_start3A_541, %dma_start3A_542] : memref<160x128xf32, #tpu.memory_space<vmem>> -> memref<40x128xf32, #tpu.memory_space<vmem>>
        %dma_start3A_544 = arith.constant 0 : i32
        %dma_start3A_545 = tpu.memref_slice %arg9[%add3A_539, %dma_start3A_540, %dma_start3A_544] : memref<64x2x40xi32, #tpu.memory_space<vmem>> -> memref<1x1x40xi32, #tpu.memory_space<vmem>>
        %dma_start3A_546 = tpu.memref_squeeze %dma_start3A_545 : memref<1x1x40xi32, #tpu.memory_space<vmem>> -> memref<40xi32, #tpu.memory_space<vmem>>
        %dma_start3A_547 = arith.constant 0 : i32
        %dma_start3A_548 = arith.constant 0 : i32
        %dma_start3A_549 = tpu.memref_slice %arg2[%dma_start3A_547, %dma_start3A_548] : memref<10008x128xf32, #tpu.memory_space<hbm>> -> memref<10008x128xf32, #tpu.memory_space<hbm>>
        tpu.enqueue_indirect_dma source(%dma_start3A_549 : memref<10008x128xf32, #tpu.memory_space<hbm>>) target(%dma_start3A_543 : memref<40x128xf32, #tpu.memory_space<vmem>>) offsets(%dma_start3A_546 : memref<40xi32, #tpu.memory_space<vmem>>) semaphore(%arg13 : memref<!tpu.dma_semaphore, #tpu.memory_space<semaphore_mem>>)
      } else {
      }
      %add3A_519 = arith.constant 3 : i32
      %add3A_520 = arith.addi %mul3A_375, %add3A_519 : i32
      %dma_wait3A_521 = arith.constant 1 : i32
      %dma_wait3A_522 = arith.constant 120 : i32
      %dma_wait3A_523 = arith.constant 0 : i32
      %dma_wait3A_524 = tpu.memref_slice %arg10[%dma_wait3A_522, %dma_wait3A_523] : memref<160x128xf32, #tpu.memory_space<vmem>> -> memref<40x128xf32, #tpu.memory_space<vmem>>
      %dma_wait3A_525 = arith.constant 0 : i32
      %dma_wait3A_526 = tpu.memref_slice %arg9[%add3A_520, %dma_wait3A_521, %dma_wait3A_525] : memref<64x2x40xi32, #tpu.memory_space<vmem>> -> memref<1x1x40xi32, #tpu.memory_space<vmem>>
      %dma_wait3A_527 = tpu.memref_squeeze %dma_wait3A_526 : memref<1x1x40xi32, #tpu.memory_space<vmem>> -> memref<40xi32, #tpu.memory_space<vmem>>
      %dma_wait3A_528 = arith.constant 0 : i32
      %dma_wait3A_529 = arith.constant 0 : i32
      %dma_wait3A_530 = tpu.memref_slice %arg8[%dma_wait3A_528, %dma_wait3A_529] : memref<10240x128xf32, #tpu.memory_space<vmem_shared>> -> memref<10240x128xf32, #tpu.memory_space<vmem_shared>>
      tpu.wait_indirect_dma semaphore(%arg18 : memref<!tpu.dma_semaphore, #tpu.memory_space<semaphore_mem>>) src(%dma_wait3A_524 : memref<40x128xf32, #tpu.memory_space<vmem>>) dst(%dma_wait3A_530 : memref<10240x128xf32, #tpu.memory_space<vmem_shared>>)
      %lt3A_531 = arith.constant 15 : i32
      %lt3A_532 = arith.cmpi slt, %scan3A_373, %lt3A_531 : i32
      %convert_element_type3A_533 = arith.extui %lt3A_532 : i1 to i32
      %cond3A_534 = arith.constant 0 : i32
      %cond3A_535 = arith.cmpi ne, %convert_element_type3A_533, %cond3A_534 : i32
      scf.if %cond3A_535 {
        %add3A_536 = arith.constant 4 : i32
        %add3A_537 = arith.addi %mul3A_375, %add3A_536 : i32
        %add3A_538 = arith.constant 3 : i32
        %add3A_539 = arith.addi %add3A_537, %add3A_538 : i32
        %dma_start3A_540 = arith.constant 0 : i32
        %dma_start3A_541 = arith.constant 120 : i32
        %dma_start3A_542 = arith.constant 0 : i32
        %dma_start3A_543 = tpu.memref_slice %arg10[%dma_start3A_541, %dma_start3A_542] : memref<160x128xf32, #tpu.memory_space<vmem>> -> memref<40x128xf32, #tpu.memory_space<vmem>>
        %dma_start3A_544 = arith.constant 0 : i32
        %dma_start3A_545 = tpu.memref_slice %arg9[%add3A_539, %dma_start3A_540, %dma_start3A_544] : memref<64x2x40xi32, #tpu.memory_space<vmem>> -> memref<1x1x40xi32, #tpu.memory_space<vmem>>
        %dma_start3A_546 = tpu.memref_squeeze %dma_start3A_545 : memref<1x1x40xi32, #tpu.memory_space<vmem>> -> memref<40xi32, #tpu.memory_space<vmem>>
        %dma_start3A_547 = arith.constant 0 : i32
        %dma_start3A_548 = arith.constant 0 : i32
        %dma_start3A_549 = tpu.memref_slice %arg2[%dma_start3A_547, %dma_start3A_548] : memref<10008x128xf32, #tpu.memory_space<hbm>> -> memref<10008x128xf32, #tpu.memory_space<hbm>>
        tpu.enqueue_indirect_dma source(%dma_start3A_549 : memref<10008x128xf32, #tpu.memory_space<hbm>>) target(%dma_start3A_543 : memref<40x128xf32, #tpu.memory_space<vmem>>) offsets(%dma_start3A_546 : memref<40xi32, #tpu.memory_space<vmem>>) semaphore(%arg14 : memref<!tpu.dma_semaphore, #tpu.memory_space<semaphore_mem>>)
      } else {
      }
    }
    %scan3A_341 = arith.constant 16 : i32
    %barrier3A_342 = arith.constant 0 : index
    tpu.barrier barrier_id(%barrier3A_342)
    "tpu.region"() ({
      %run_scoped3A = tpu.sem_alloc : memref<!tpu.dma_semaphore, #tpu.memory_space<semaphore_mem>>
      %dma_start3A_373 = arith.constant 0 : i32
      %dma_start3A_374 = tpu.memref_slice %arg6[%add3A_290, %dma_start3A_373] : memref<81920x128xf32, #tpu.memory_space<hbm>> -> memref<640x128xf32, #tpu.memory_space<hbm>>
      %dma_start3A_375 = arith.constant 0 : i32
      %dma_start3A_376 = tpu.memref_slice %arg8[%mul3A_0, %dma_start3A_375] : memref<10240x128xf32, #tpu.memory_space<vmem_shared>> -> memref<640x128xf32, #tpu.memory_space<vmem_shared>>
      tpu.enqueue_dma source(%dma_start3A_376 : memref<640x128xf32, #tpu.memory_space<vmem_shared>>) target(%dma_start3A_374 : memref<640x128xf32, #tpu.memory_space<hbm>>) target_semaphore(%run_scoped3A : memref<!tpu.dma_semaphore, #tpu.memory_space<semaphore_mem>>)
      %dma_wait3A = arith.constant 0 : i32
      %dma_wait3A_377 = tpu.memref_slice %arg6[%add3A_290, %dma_wait3A] : memref<81920x128xf32, #tpu.memory_space<hbm>> -> memref<640x128xf32, #tpu.memory_space<hbm>>
      %dma_wait3A_378 = arith.constant 0 : i32
      %dma_wait3A_379 = tpu.memref_slice %arg8[%mul3A_0, %dma_wait3A_378] : memref<10240x128xf32, #tpu.memory_space<vmem_shared>> -> memref<640x128xf32, #tpu.memory_space<vmem_shared>>
      tpu.wait_dma2 semaphore(%run_scoped3A : memref<!tpu.dma_semaphore, #tpu.memory_space<semaphore_mem>>) src(%dma_wait3A_379 : memref<640x128xf32, #tpu.memory_space<vmem_shared>>) dst(%dma_wait3A_377 : memref<640x128xf32, #tpu.memory_space<hbm>>)
      tpu.yield
    }) : () -> ()
    "tpu.region"() ({
      %run_scoped3A = tpu.sem_alloc : memref<!tpu.dma_semaphore, #tpu.memory_space<semaphore_mem>>
      %dma_start3A_373 = arith.constant 0 : i32
      %dma_start3A_374 = tpu.memref_slice %arg8[%mul3A_0, %dma_start3A_373] : memref<10240x128xf32, #tpu.memory_space<vmem_shared>> -> memref<640x128xf32, #tpu.memory_space<vmem_shared>>
      tpu.enqueue_dma source(%arg4 : memref<640x128xf32, #tpu.memory_space<hbm>>) target(%dma_start3A_374 : memref<640x128xf32, #tpu.memory_space<vmem_shared>>) target_semaphore(%run_scoped3A : memref<!tpu.dma_semaphore, #tpu.memory_space<semaphore_mem>>)
      %dma_wait3A = arith.constant 0 : i32
      %dma_wait3A_375 = tpu.memref_slice %arg8[%mul3A_0, %dma_wait3A] : memref<10240x128xf32, #tpu.memory_space<vmem_shared>> -> memref<640x128xf32, #tpu.memory_space<vmem_shared>>
      tpu.wait_dma2 semaphore(%run_scoped3A : memref<!tpu.dma_semaphore, #tpu.memory_space<semaphore_mem>>) src(%arg4 : memref<640x128xf32, #tpu.memory_space<hbm>>) dst(%dma_wait3A_375 : memref<640x128xf32, #tpu.memory_space<vmem_shared>>)
      tpu.yield
    }) : () -> ()
    "tpu.region"() ({
      %run_scoped3A = tpu.sem_alloc : memref<!tpu.dma_semaphore, #tpu.memory_space<semaphore_mem>>
      %dma_start3A_373 = arith.constant 0 : i32
      %dma_start3A_374 = arith.constant 0 : i32
      %dma_start3A_375 = tpu.memref_slice %arg10[%dma_start3A_373, %dma_start3A_374] : memref<160x128xf32, #tpu.memory_space<vmem>> -> memref<40x128xf32, #tpu.memory_space<vmem>>
      %dma_start3A_376 = arith.constant 0 : i32
      %dma_start3A_377 = arith.constant 0 : i32
      %dma_start3A_378 = tpu.memref_slice %arg10[%dma_start3A_376, %dma_start3A_377] : memref<160x128xf32, #tpu.memory_space<vmem>> -> memref<40x128xf32, #tpu.memory_space<vmem>>
      tpu.enqueue_dma source(%arg5 : memref<40x128xf32, #tpu.memory_space<hbm>>) target(%dma_start3A_378 : memref<40x128xf32, #tpu.memory_space<vmem>>) target_semaphore(%run_scoped3A : memref<!tpu.dma_semaphore, #tpu.memory_space<semaphore_mem>>)
      %dma_wait3A = arith.constant 0 : i32
      %dma_wait3A_379 = arith.constant 0 : i32
      %dma_wait3A_380 = tpu.memref_slice %arg10[%dma_wait3A, %dma_wait3A_379] : memref<160x128xf32, #tpu.memory_space<vmem>> -> memref<40x128xf32, #tpu.memory_space<vmem>>
      %dma_wait3A_381 = arith.constant 0 : i32
      %dma_wait3A_382 = arith.constant 0 : i32
      %dma_wait3A_383 = tpu.memref_slice %arg10[%dma_wait3A_381, %dma_wait3A_382] : memref<160x128xf32, #tpu.memory_space<vmem>> -> memref<40x128xf32, #tpu.memory_space<vmem>>
      tpu.wait_dma2 semaphore(%run_scoped3A : memref<!tpu.dma_semaphore, #tpu.memory_space<semaphore_mem>>) src(%arg5 : memref<40x128xf32, #tpu.memory_space<hbm>>) dst(%dma_wait3A_383 : memref<40x128xf32, #tpu.memory_space<vmem>>)
      tpu.yield
    }) : () -> ()
    %barrier3A_343 = arith.constant 0 : index
    tpu.barrier barrier_id(%barrier3A_343)
    %dma_start3A_344 = arith.constant 0 : i32
    %dma_start3A_345 = arith.constant 1 : i32
    %dma_start3A_346 = arith.constant 0 : i32
    %dma_start3A_347 = arith.constant 0 : i32
    %dma_start3A_348 = tpu.memref_slice %arg10[%dma_start3A_346, %dma_start3A_347] : memref<160x128xf32, #tpu.memory_space<vmem>> -> memref<40x128xf32, #tpu.memory_space<vmem>>
    %dma_start3A_349 = arith.constant 0 : i32
    %dma_start3A_350 = tpu.memref_slice %arg9[%dma_start3A_344, %dma_start3A_345, %dma_start3A_349] : memref<64x2x40xi32, #tpu.memory_space<vmem>> -> memref<1x1x40xi32, #tpu.memory_space<vmem>>
    %dma_start3A_351 = tpu.memref_squeeze %dma_start3A_350 : memref<1x1x40xi32, #tpu.memory_space<vmem>> -> memref<40xi32, #tpu.memory_space<vmem>>
    %dma_start3A_352 = arith.constant 0 : i32
    %dma_start3A_353 = arith.constant 0 : i32
    %dma_start3A_354 = tpu.memref_slice %arg8[%dma_start3A_352, %dma_start3A_353] : memref<10240x128xf32, #tpu.memory_space<vmem_shared>> -> memref<10240x128xf32, #tpu.memory_space<vmem_shared>>
    tpu.enqueue_indirect_dma source(%dma_start3A_348 : memref<40x128xf32, #tpu.memory_space<vmem>>) target(%dma_start3A_354 : memref<10240x128xf32, #tpu.memory_space<vmem_shared>>) offsets(%dma_start3A_351 : memref<40xi32, #tpu.memory_space<vmem>>) semaphore(%arg15 : memref<!tpu.dma_semaphore, #tpu.memory_space<semaphore_mem>>) {add = true}
    %dma_start3A_355 = arith.constant 1 : i32
    %dma_start3A_356 = arith.constant 1 : i32
    %dma_start3A_357 = arith.constant 0 : i32
    %dma_start3A_358 = arith.constant 0 : i32
    %dma_start3A_359 = tpu.memref_slice %arg10[%dma_start3A_357, %dma_start3A_358] : memref<160x128xf32, #tpu.memory_space<vmem>> -> memref<40x128xf32, #tpu.memory_space<vmem>>
    %dma_start3A_360 = arith.constant 0 : i32
    %dma_start3A_361 = tpu.memref_slice %arg9[%dma_start3A_355, %dma_start3A_356, %dma_start3A_360] : memref<64x2x40xi32, #tpu.memory_space<vmem>> -> memref<1x1x40xi32, #tpu.memory_space<vmem>>
    %dma_start3A_362 = tpu.memref_squeeze %dma_start3A_361 : memref<1x1x40xi32, #tpu.memory_space<vmem>> -> memref<40xi32, #tpu.memory_space<vmem>>
    %dma_start3A_363 = arith.constant 0 : i32
    %dma_start3A_364 = arith.constant 0 : i32
    %dma_start3A_365 = tpu.memref_slice %arg8[%dma_start3A_363, %dma_start3A_364] : memref<10240x128xf32, #tpu.memory_space<vmem_shared>> -> memref<10240x128xf32, #tpu.memory_space<vmem_shared>>
    tpu.enqueue_indirect_dma source(%dma_start3A_359 : memref<40x128xf32, #tpu.memory_space<vmem>>) target(%dma_start3A_365 : memref<10240x128xf32, #tpu.memory_space<vmem_shared>>) offsets(%dma_start3A_362 : memref<40xi32, #tpu.memory_space<vmem>>) semaphore(%arg16 : memref<!tpu.dma_semaphore, #tpu.memory_space<semaphore_mem>>) {add = true}
    %scan3A_366 = arith.constant 0 : i32
    %scan3A_367 = arith.constant 0 : i32
    %scan3A_368 = arith.constant 32 : i32
    %scan3A_369 = arith.addi %scan3A_367, %scan3A_368 : i32
    %scan3A_370 = arith.constant 1 : i32
    scf.for %scan3A_373 = %scan3A_367 to %scan3A_369 step %scan3A_370  : i32 {
      %mul3A_374 = arith.constant 2 : i32
      %mul3A_375 = arith.muli %mul3A_374, %scan3A_373 : i32
      %dma_wait3A = arith.constant 1 : i32
      %dma_wait3A_376 = arith.constant 0 : i32
      %dma_wait3A_377 = arith.constant 0 : i32
      %dma_wait3A_378 = tpu.memref_slice %arg10[%dma_wait3A_376, %dma_wait3A_377] : memref<160x128xf32, #tpu.memory_space<vmem>> -> memref<40x128xf32, #tpu.memory_space<vmem>>
      %dma_wait3A_379 = arith.constant 0 : i32
      %dma_wait3A_380 = tpu.memref_slice %arg9[%mul3A_375, %dma_wait3A, %dma_wait3A_379] : memref<64x2x40xi32, #tpu.memory_space<vmem>> -> memref<1x1x40xi32, #tpu.memory_space<vmem>>
      %dma_wait3A_381 = tpu.memref_squeeze %dma_wait3A_380 : memref<1x1x40xi32, #tpu.memory_space<vmem>> -> memref<40xi32, #tpu.memory_space<vmem>>
      %dma_wait3A_382 = arith.constant 0 : i32
      %dma_wait3A_383 = arith.constant 0 : i32
      %dma_wait3A_384 = tpu.memref_slice %arg8[%dma_wait3A_382, %dma_wait3A_383] : memref<10240x128xf32, #tpu.memory_space<vmem_shared>> -> memref<10240x128xf32, #tpu.memory_space<vmem_shared>>
      tpu.wait_indirect_dma semaphore(%arg15 : memref<!tpu.dma_semaphore, #tpu.memory_space<semaphore_mem>>) src(%dma_wait3A_378 : memref<40x128xf32, #tpu.memory_space<vmem>>) dst(%dma_wait3A_384 : memref<10240x128xf32, #tpu.memory_space<vmem_shared>>)
      %lt3A = arith.constant 31 : i32
      %lt3A_385 = arith.cmpi slt, %scan3A_373, %lt3A : i32
      %convert_element_type3A = arith.extui %lt3A_385 : i1 to i32
      %cond3A = arith.constant 0 : i32
      %cond3A_386 = arith.cmpi ne, %convert_element_type3A, %cond3A : i32
      scf.if %cond3A_386 {
        %add3A_404 = arith.constant 2 : i32
        %add3A_405 = arith.addi %mul3A_375, %add3A_404 : i32
        %dma_start3A_406 = arith.constant 1 : i32
        %dma_start3A_407 = arith.constant 0 : i32
        %dma_start3A_408 = arith.constant 0 : i32
        %dma_start3A_409 = tpu.memref_slice %arg10[%dma_start3A_407, %dma_start3A_408] : memref<160x128xf32, #tpu.memory_space<vmem>> -> memref<40x128xf32, #tpu.memory_space<vmem>>
        %dma_start3A_410 = arith.constant 0 : i32
        %dma_start3A_411 = tpu.memref_slice %arg9[%add3A_405, %dma_start3A_406, %dma_start3A_410] : memref<64x2x40xi32, #tpu.memory_space<vmem>> -> memref<1x1x40xi32, #tpu.memory_space<vmem>>
        %dma_start3A_412 = tpu.memref_squeeze %dma_start3A_411 : memref<1x1x40xi32, #tpu.memory_space<vmem>> -> memref<40xi32, #tpu.memory_space<vmem>>
        %dma_start3A_413 = arith.constant 0 : i32
        %dma_start3A_414 = arith.constant 0 : i32
        %dma_start3A_415 = tpu.memref_slice %arg8[%dma_start3A_413, %dma_start3A_414] : memref<10240x128xf32, #tpu.memory_space<vmem_shared>> -> memref<10240x128xf32, #tpu.memory_space<vmem_shared>>
        tpu.enqueue_indirect_dma source(%dma_start3A_409 : memref<40x128xf32, #tpu.memory_space<vmem>>) target(%dma_start3A_415 : memref<10240x128xf32, #tpu.memory_space<vmem_shared>>) offsets(%dma_start3A_412 : memref<40xi32, #tpu.memory_space<vmem>>) semaphore(%arg15 : memref<!tpu.dma_semaphore, #tpu.memory_space<semaphore_mem>>) {add = true}
      } else {
      }
      %add3A_387 = arith.constant 1 : i32
      %add3A_388 = arith.addi %mul3A_375, %add3A_387 : i32
      %dma_wait3A_389 = arith.constant 1 : i32
      %dma_wait3A_390 = arith.constant 0 : i32
      %dma_wait3A_391 = arith.constant 0 : i32
      %dma_wait3A_392 = tpu.memref_slice %arg10[%dma_wait3A_390, %dma_wait3A_391] : memref<160x128xf32, #tpu.memory_space<vmem>> -> memref<40x128xf32, #tpu.memory_space<vmem>>
      %dma_wait3A_393 = arith.constant 0 : i32
      %dma_wait3A_394 = tpu.memref_slice %arg9[%add3A_388, %dma_wait3A_389, %dma_wait3A_393] : memref<64x2x40xi32, #tpu.memory_space<vmem>> -> memref<1x1x40xi32, #tpu.memory_space<vmem>>
      %dma_wait3A_395 = tpu.memref_squeeze %dma_wait3A_394 : memref<1x1x40xi32, #tpu.memory_space<vmem>> -> memref<40xi32, #tpu.memory_space<vmem>>
      %dma_wait3A_396 = arith.constant 0 : i32
      %dma_wait3A_397 = arith.constant 0 : i32
      %dma_wait3A_398 = tpu.memref_slice %arg8[%dma_wait3A_396, %dma_wait3A_397] : memref<10240x128xf32, #tpu.memory_space<vmem_shared>> -> memref<10240x128xf32, #tpu.memory_space<vmem_shared>>
      tpu.wait_indirect_dma semaphore(%arg16 : memref<!tpu.dma_semaphore, #tpu.memory_space<semaphore_mem>>) src(%dma_wait3A_392 : memref<40x128xf32, #tpu.memory_space<vmem>>) dst(%dma_wait3A_398 : memref<10240x128xf32, #tpu.memory_space<vmem_shared>>)
      %lt3A_399 = arith.constant 31 : i32
      %lt3A_400 = arith.cmpi slt, %scan3A_373, %lt3A_399 : i32
      %convert_element_type3A_401 = arith.extui %lt3A_400 : i1 to i32
      %cond3A_402 = arith.constant 0 : i32
      %cond3A_403 = arith.cmpi ne, %convert_element_type3A_401, %cond3A_402 : i32
      scf.if %cond3A_403 {
        %add3A_404 = arith.constant 3 : i32
        %add3A_405 = arith.addi %mul3A_375, %add3A_404 : i32
        %dma_start3A_406 = arith.constant 1 : i32
        %dma_start3A_407 = arith.constant 0 : i32
        %dma_start3A_408 = arith.constant 0 : i32
        %dma_start3A_409 = tpu.memref_slice %arg10[%dma_start3A_407, %dma_start3A_408] : memref<160x128xf32, #tpu.memory_space<vmem>> -> memref<40x128xf32, #tpu.memory_space<vmem>>
        %dma_start3A_410 = arith.constant 0 : i32
        %dma_start3A_411 = tpu.memref_slice %arg9[%add3A_405, %dma_start3A_406, %dma_start3A_410] : memref<64x2x40xi32, #tpu.memory_space<vmem>> -> memref<1x1x40xi32, #tpu.memory_space<vmem>>
        %dma_start3A_412 = tpu.memref_squeeze %dma_start3A_411 : memref<1x1x40xi32, #tpu.memory_space<vmem>> -> memref<40xi32, #tpu.memory_space<vmem>>
        %dma_start3A_413 = arith.constant 0 : i32
        %dma_start3A_414 = arith.constant 0 : i32
        %dma_start3A_415 = tpu.memref_slice %arg8[%dma_start3A_413, %dma_start3A_414] : memref<10240x128xf32, #tpu.memory_space<vmem_shared>> -> memref<10240x128xf32, #tpu.memory_space<vmem_shared>>
        tpu.enqueue_indirect_dma source(%dma_start3A_409 : memref<40x128xf32, #tpu.memory_space<vmem>>) target(%dma_start3A_415 : memref<10240x128xf32, #tpu.memory_space<vmem_shared>>) offsets(%dma_start3A_412 : memref<40xi32, #tpu.memory_space<vmem>>) semaphore(%arg16 : memref<!tpu.dma_semaphore, #tpu.memory_space<semaphore_mem>>) {add = true}
      } else {
      }
    }
    %scan3A_371 = arith.constant 32 : i32
    %barrier3A_372 = arith.constant 0 : index
    tpu.barrier barrier_id(%barrier3A_372)
    "tpu.region"() ({
      %run_scoped3A = tpu.sem_alloc : memref<!tpu.dma_semaphore, #tpu.memory_space<semaphore_mem>>
      %dma_start3A_373 = arith.constant 0 : i32
      %dma_start3A_374 = tpu.memref_slice %arg7[%add3A_290, %dma_start3A_373] : memref<81920x128xf32, #tpu.memory_space<hbm>> -> memref<640x128xf32, #tpu.memory_space<hbm>>
      %dma_start3A_375 = arith.constant 0 : i32
      %dma_start3A_376 = tpu.memref_slice %arg8[%mul3A_0, %dma_start3A_375] : memref<10240x128xf32, #tpu.memory_space<vmem_shared>> -> memref<640x128xf32, #tpu.memory_space<vmem_shared>>
      tpu.enqueue_dma source(%dma_start3A_376 : memref<640x128xf32, #tpu.memory_space<vmem_shared>>) target(%dma_start3A_374 : memref<640x128xf32, #tpu.memory_space<hbm>>) target_semaphore(%run_scoped3A : memref<!tpu.dma_semaphore, #tpu.memory_space<semaphore_mem>>)
      %dma_wait3A = arith.constant 0 : i32
      %dma_wait3A_377 = tpu.memref_slice %arg7[%add3A_290, %dma_wait3A] : memref<81920x128xf32, #tpu.memory_space<hbm>> -> memref<640x128xf32, #tpu.memory_space<hbm>>
      %dma_wait3A_378 = arith.constant 0 : i32
      %dma_wait3A_379 = tpu.memref_slice %arg8[%mul3A_0, %dma_wait3A_378] : memref<10240x128xf32, #tpu.memory_space<vmem_shared>> -> memref<640x128xf32, #tpu.memory_space<vmem_shared>>
      tpu.wait_dma2 semaphore(%run_scoped3A : memref<!tpu.dma_semaphore, #tpu.memory_space<semaphore_mem>>) src(%dma_wait3A_379 : memref<640x128xf32, #tpu.memory_space<vmem_shared>>) dst(%dma_wait3A_377 : memref<640x128xf32, #tpu.memory_space<hbm>>)
      tpu.yield
    }) : () -> ()
    return
  }
}

module attributes {stable_mosaic.version = 14 : i64} {
  func.func @_tc_body(%arg0: i32, %arg1: memref<1000x128xf32, #tpu.memory_space<vmem>>, %arg2: memref<8x1000x128xf32, #tpu.memory_space<vmem>>, %arg3: memref<8x1000x128xf32, #tpu.memory_space<vmem>>, %arg4: memref<4x128x128xf32, #tpu.memory_space<vmem>>, %arg5: memref<8x4xf32, #tpu.memory_space<vmem>>, %arg6: memref<128x128xf32, #tpu.memory_space<vmem>>, %arg7: memref<1x128xf32, #tpu.memory_space<vmem>>, %arg8: memref<1x128xf32, #tpu.memory_space<vmem>>, %arg9: memref<1x128xf32, #tpu.memory_space<vmem>>, %arg10: memref<1000x128xf32, #tpu.memory_space<vmem>>) attributes {dimension_semantics = [#tpu.dimension_semantics<arbitrary>], iteration_bounds = array<i64: 10>, scalar_prefetch = 0 : i64, scratch_operands = 0 : i64, tpu.core_type = #tpu.core_type<tc>, window_params = [{transform_indices = @transform_0, window_bounds = array<i64: 1000, 128>}, {transform_indices = @transform_1, window_bounds = array<i64: 8, 1000, 128>}, {transform_indices = @transform_2, window_bounds = array<i64: 8, 1000, 128>}, {pipeline_mode = #tpu.pipeline_mode<synchronous>, transform_indices = @transform_3, window_bounds = array<i64: 4, 128, 128>}, {pipeline_mode = #tpu.pipeline_mode<synchronous>, transform_indices = @transform_4, window_bounds = array<i64: 8, 4>}, {pipeline_mode = #tpu.pipeline_mode<synchronous>, transform_indices = @transform_5, window_bounds = array<i64: 128, 128>}, {pipeline_mode = #tpu.pipeline_mode<synchronous>, transform_indices = @transform_6, window_bounds = array<i64: 1, 128>}, {pipeline_mode = #tpu.pipeline_mode<synchronous>, transform_indices = @transform_7, window_bounds = array<i64: 1, 128>}, {pipeline_mode = #tpu.pipeline_mode<synchronous>, transform_indices = @transform_8, window_bounds = array<i64: 1, 128>}, {transform_indices = @transform_9, window_bounds = array<i64: 1000, 128>}]} {
    %get3A = arith.constant 0 : index
    %get3A_0 = arith.constant 0 : index
    %get3A_1 = vector.load %arg1[%get3A, %get3A_0] : memref<1000x128xf32, #tpu.memory_space<vmem>>, vector<1000x128xf32>
    %get3A_2 = arith.constant 0 : index
    %get3A_3 = arith.constant 0 : index
    %get3A_4 = vector.load %arg6[%get3A_2, %get3A_3] : memref<128x128xf32, #tpu.memory_space<vmem>>, vector<128x128xf32>
    %dot_general3A = arith.constant dense<0.000000e+00> : vector<1000x128xf32>
    %dot_general3A_5 = tpu.matmul %get3A_1, %get3A_4, %dot_general3A {dimension_numbers = #tpu.dot_dimension_numbers<[1], [0], [0], [1], [0, 0, 1, 1], [], []>, transpose_lhs_hint = false} : vector<1000x128xf32>, vector<128x128xf32>, vector<1000x128xf32> -> vector<1000x128xf32>
    %get3A_6 = arith.constant 0 : index
    %get3A_7 = arith.constant 0 : index
    %get3A_8 = vector.load %arg7[%get3A_6, %get3A_7] : memref<1x128xf32, #tpu.memory_space<vmem>>, vector<1x128xf32>
    %add3A = vector.broadcast %get3A_8 : vector<1x128xf32> to vector<1000x128xf32>
    %add3A_9 = arith.addf %dot_general3A_5, %add3A : vector<1000x128xf32>
    %get3A_10 = arith.constant 0 : index
    %get3A_11 = arith.constant 0 : index
    %get3A_12 = arith.constant 0 : index
    %get3A_13 = vector.load %arg3[%get3A_10, %get3A_11, %get3A_12] : memref<8x1000x128xf32, #tpu.memory_space<vmem>>, vector<1x1000x1xf32>
    %get3A_14 = vector.shape_cast %get3A_13 : vector<1x1000x1xf32> to vector<1000x1xf32>
    %max3A = arith.constant 1.000000e+00 : f32
    %max3A_15 = vector.broadcast %max3A : f32 to vector<1000x1xf32>
    %max3A_16 = arith.maximumf %get3A_14, %max3A_15 : vector<1000x1xf32>
    %div3A = arith.constant 1.000000e+00 : f32
    %div3A_17 = vector.broadcast %div3A : f32 to vector<1000x1xf32>
    %div3A_18 = arith.divf %div3A_17, %max3A_16 : vector<1000x1xf32>
    %get3A_19 = arith.constant 0 : index
    %get3A_20 = arith.constant 0 : index
    %get3A_21 = arith.constant 0 : index
    %get3A_22 = vector.load %arg2[%get3A_19, %get3A_20, %get3A_21] : memref<8x1000x128xf32, #tpu.memory_space<vmem>>, vector<1x1000x128xf32>
    %get3A_23 = vector.shape_cast %get3A_22 : vector<1x1000x128xf32> to vector<1000x128xf32>
    %mul3A = vector.broadcast %div3A_18 : vector<1000x1xf32> to vector<1000x128xf32>
    %mul3A_24 = arith.mulf %get3A_23, %mul3A : vector<1000x128xf32>
    %get3A_25 = arith.constant 0 : index
    %get3A_26 = arith.constant 0 : index
    %get3A_27 = vector.load %arg5[%get3A_25, %get3A_26] : memref<8x4xf32, #tpu.memory_space<vmem>>, vector<1x1xf32>
    %get3A_28 = vector.extract %get3A_27[0, 0] : f32 from vector<1x1xf32>
    %get3A_29 = arith.constant 0 : index
    %get3A_30 = arith.constant 0 : index
    %get3A_31 = arith.constant 0 : index
    %get3A_32 = vector.load %arg4[%get3A_29, %get3A_30, %get3A_31] : memref<4x128x128xf32, #tpu.memory_space<vmem>>, vector<1x128x128xf32>
    %get3A_33 = vector.shape_cast %get3A_32 : vector<1x128x128xf32> to vector<128x128xf32>
    %mul3A_34 = vector.broadcast %get3A_28 : f32 to vector<128x128xf32>
    %mul3A_35 = arith.mulf %mul3A_34, %get3A_33 : vector<128x128xf32>
    %get3A_36 = arith.constant 0 : index
    %get3A_37 = arith.constant 1 : index
    %get3A_38 = vector.load %arg5[%get3A_36, %get3A_37] : memref<8x4xf32, #tpu.memory_space<vmem>>, vector<1x1xf32>
    %get3A_39 = vector.extract %get3A_38[0, 0] : f32 from vector<1x1xf32>
    %get3A_40 = arith.constant 1 : index
    %get3A_41 = arith.constant 0 : index
    %get3A_42 = arith.constant 0 : index
    %get3A_43 = vector.load %arg4[%get3A_40, %get3A_41, %get3A_42] : memref<4x128x128xf32, #tpu.memory_space<vmem>>, vector<1x128x128xf32>
    %get3A_44 = vector.shape_cast %get3A_43 : vector<1x128x128xf32> to vector<128x128xf32>
    %mul3A_45 = vector.broadcast %get3A_39 : f32 to vector<128x128xf32>
    %mul3A_46 = arith.mulf %mul3A_45, %get3A_44 : vector<128x128xf32>
    %add3A_47 = arith.addf %mul3A_35, %mul3A_46 : vector<128x128xf32>
    %get3A_48 = arith.constant 0 : index
    %get3A_49 = arith.constant 2 : index
    %get3A_50 = vector.load %arg5[%get3A_48, %get3A_49] : memref<8x4xf32, #tpu.memory_space<vmem>>, vector<1x1xf32>
    %get3A_51 = vector.extract %get3A_50[0, 0] : f32 from vector<1x1xf32>
    %get3A_52 = arith.constant 2 : index
    %get3A_53 = arith.constant 0 : index
    %get3A_54 = arith.constant 0 : index
    %get3A_55 = vector.load %arg4[%get3A_52, %get3A_53, %get3A_54] : memref<4x128x128xf32, #tpu.memory_space<vmem>>, vector<1x128x128xf32>
    %get3A_56 = vector.shape_cast %get3A_55 : vector<1x128x128xf32> to vector<128x128xf32>
    %mul3A_57 = vector.broadcast %get3A_51 : f32 to vector<128x128xf32>
    %mul3A_58 = arith.mulf %mul3A_57, %get3A_56 : vector<128x128xf32>
    %add3A_59 = arith.addf %add3A_47, %mul3A_58 : vector<128x128xf32>
    %get3A_60 = arith.constant 0 : index
    %get3A_61 = arith.constant 3 : index
    %get3A_62 = vector.load %arg5[%get3A_60, %get3A_61] : memref<8x4xf32, #tpu.memory_space<vmem>>, vector<1x1xf32>
    %get3A_63 = vector.extract %get3A_62[0, 0] : f32 from vector<1x1xf32>
    %get3A_64 = arith.constant 3 : index
    %get3A_65 = arith.constant 0 : index
    %get3A_66 = arith.constant 0 : index
    %get3A_67 = vector.load %arg4[%get3A_64, %get3A_65, %get3A_66] : memref<4x128x128xf32, #tpu.memory_space<vmem>>, vector<1x128x128xf32>
    %get3A_68 = vector.shape_cast %get3A_67 : vector<1x128x128xf32> to vector<128x128xf32>
    %mul3A_69 = vector.broadcast %get3A_63 : f32 to vector<128x128xf32>
    %mul3A_70 = arith.mulf %mul3A_69, %get3A_68 : vector<128x128xf32>
    %add3A_71 = arith.addf %add3A_59, %mul3A_70 : vector<128x128xf32>
    %dot_general3A_72 = arith.constant dense<0.000000e+00> : vector<1000x128xf32>
    %dot_general3A_73 = tpu.matmul %mul3A_24, %add3A_71, %dot_general3A_72 {dimension_numbers = #tpu.dot_dimension_numbers<[1], [0], [0], [1], [0, 0, 1, 1], [], []>, transpose_lhs_hint = false} : vector<1000x128xf32>, vector<128x128xf32>, vector<1000x128xf32> -> vector<1000x128xf32>
    %add3A_74 = arith.addf %add3A_9, %dot_general3A_73 : vector<1000x128xf32>
    %get3A_75 = arith.constant 1 : index
    %get3A_76 = arith.constant 0 : index
    %get3A_77 = arith.constant 0 : index
    %get3A_78 = vector.load %arg3[%get3A_75, %get3A_76, %get3A_77] : memref<8x1000x128xf32, #tpu.memory_space<vmem>>, vector<1x1000x1xf32>
    %get3A_79 = vector.shape_cast %get3A_78 : vector<1x1000x1xf32> to vector<1000x1xf32>
    %max3A_80 = arith.constant 1.000000e+00 : f32
    %max3A_81 = vector.broadcast %max3A_80 : f32 to vector<1000x1xf32>
    %max3A_82 = arith.maximumf %get3A_79, %max3A_81 : vector<1000x1xf32>
    %div3A_83 = arith.constant 1.000000e+00 : f32
    %div3A_84 = vector.broadcast %div3A_83 : f32 to vector<1000x1xf32>
    %div3A_85 = arith.divf %div3A_84, %max3A_82 : vector<1000x1xf32>
    %get3A_86 = arith.constant 1 : index
    %get3A_87 = arith.constant 0 : index
    %get3A_88 = arith.constant 0 : index
    %get3A_89 = vector.load %arg2[%get3A_86, %get3A_87, %get3A_88] : memref<8x1000x128xf32, #tpu.memory_space<vmem>>, vector<1x1000x128xf32>
    %get3A_90 = vector.shape_cast %get3A_89 : vector<1x1000x128xf32> to vector<1000x128xf32>
    %mul3A_91 = vector.broadcast %div3A_85 : vector<1000x1xf32> to vector<1000x128xf32>
    %mul3A_92 = arith.mulf %get3A_90, %mul3A_91 : vector<1000x128xf32>
    %get3A_93 = arith.constant 1 : index
    %get3A_94 = arith.constant 0 : index
    %get3A_95 = vector.load %arg5[%get3A_93, %get3A_94] : memref<8x4xf32, #tpu.memory_space<vmem>>, vector<1x1xf32>
    %get3A_96 = vector.extract %get3A_95[0, 0] : f32 from vector<1x1xf32>
    %get3A_97 = arith.constant 0 : index
    %get3A_98 = arith.constant 0 : index
    %get3A_99 = arith.constant 0 : index
    %get3A_100 = vector.load %arg4[%get3A_97, %get3A_98, %get3A_99] : memref<4x128x128xf32, #tpu.memory_space<vmem>>, vector<1x128x128xf32>
    %get3A_101 = vector.shape_cast %get3A_100 : vector<1x128x128xf32> to vector<128x128xf32>
    %mul3A_102 = vector.broadcast %get3A_96 : f32 to vector<128x128xf32>
    %mul3A_103 = arith.mulf %mul3A_102, %get3A_101 : vector<128x128xf32>
    %get3A_104 = arith.constant 1 : index
    %get3A_105 = arith.constant 1 : index
    %get3A_106 = vector.load %arg5[%get3A_104, %get3A_105] : memref<8x4xf32, #tpu.memory_space<vmem>>, vector<1x1xf32>
    %get3A_107 = vector.extract %get3A_106[0, 0] : f32 from vector<1x1xf32>
    %get3A_108 = arith.constant 1 : index
    %get3A_109 = arith.constant 0 : index
    %get3A_110 = arith.constant 0 : index
    %get3A_111 = vector.load %arg4[%get3A_108, %get3A_109, %get3A_110] : memref<4x128x128xf32, #tpu.memory_space<vmem>>, vector<1x128x128xf32>
    %get3A_112 = vector.shape_cast %get3A_111 : vector<1x128x128xf32> to vector<128x128xf32>
    %mul3A_113 = vector.broadcast %get3A_107 : f32 to vector<128x128xf32>
    %mul3A_114 = arith.mulf %mul3A_113, %get3A_112 : vector<128x128xf32>
    %add3A_115 = arith.addf %mul3A_103, %mul3A_114 : vector<128x128xf32>
    %get3A_116 = arith.constant 1 : index
    %get3A_117 = arith.constant 2 : index
    %get3A_118 = vector.load %arg5[%get3A_116, %get3A_117] : memref<8x4xf32, #tpu.memory_space<vmem>>, vector<1x1xf32>
    %get3A_119 = vector.extract %get3A_118[0, 0] : f32 from vector<1x1xf32>
    %get3A_120 = arith.constant 2 : index
    %get3A_121 = arith.constant 0 : index
    %get3A_122 = arith.constant 0 : index
    %get3A_123 = vector.load %arg4[%get3A_120, %get3A_121, %get3A_122] : memref<4x128x128xf32, #tpu.memory_space<vmem>>, vector<1x128x128xf32>
    %get3A_124 = vector.shape_cast %get3A_123 : vector<1x128x128xf32> to vector<128x128xf32>
    %mul3A_125 = vector.broadcast %get3A_119 : f32 to vector<128x128xf32>
    %mul3A_126 = arith.mulf %mul3A_125, %get3A_124 : vector<128x128xf32>
    %add3A_127 = arith.addf %add3A_115, %mul3A_126 : vector<128x128xf32>
    %get3A_128 = arith.constant 1 : index
    %get3A_129 = arith.constant 3 : index
    %get3A_130 = vector.load %arg5[%get3A_128, %get3A_129] : memref<8x4xf32, #tpu.memory_space<vmem>>, vector<1x1xf32>
    %get3A_131 = vector.extract %get3A_130[0, 0] : f32 from vector<1x1xf32>
    %get3A_132 = arith.constant 3 : index
    %get3A_133 = arith.constant 0 : index
    %get3A_134 = arith.constant 0 : index
    %get3A_135 = vector.load %arg4[%get3A_132, %get3A_133, %get3A_134] : memref<4x128x128xf32, #tpu.memory_space<vmem>>, vector<1x128x128xf32>
    %get3A_136 = vector.shape_cast %get3A_135 : vector<1x128x128xf32> to vector<128x128xf32>
    %mul3A_137 = vector.broadcast %get3A_131 : f32 to vector<128x128xf32>
    %mul3A_138 = arith.mulf %mul3A_137, %get3A_136 : vector<128x128xf32>
    %add3A_139 = arith.addf %add3A_127, %mul3A_138 : vector<128x128xf32>
    %dot_general3A_140 = arith.constant dense<0.000000e+00> : vector<1000x128xf32>
    %dot_general3A_141 = tpu.matmul %mul3A_92, %add3A_139, %dot_general3A_140 {dimension_numbers = #tpu.dot_dimension_numbers<[1], [0], [0], [1], [0, 0, 1, 1], [], []>, transpose_lhs_hint = false} : vector<1000x128xf32>, vector<128x128xf32>, vector<1000x128xf32> -> vector<1000x128xf32>
    %add3A_142 = arith.addf %add3A_74, %dot_general3A_141 : vector<1000x128xf32>
    %get3A_143 = arith.constant 2 : index
    %get3A_144 = arith.constant 0 : index
    %get3A_145 = arith.constant 0 : index
    %get3A_146 = vector.load %arg3[%get3A_143, %get3A_144, %get3A_145] : memref<8x1000x128xf32, #tpu.memory_space<vmem>>, vector<1x1000x1xf32>
    %get3A_147 = vector.shape_cast %get3A_146 : vector<1x1000x1xf32> to vector<1000x1xf32>
    %max3A_148 = arith.constant 1.000000e+00 : f32
    %max3A_149 = vector.broadcast %max3A_148 : f32 to vector<1000x1xf32>
    %max3A_150 = arith.maximumf %get3A_147, %max3A_149 : vector<1000x1xf32>
    %div3A_151 = arith.constant 1.000000e+00 : f32
    %div3A_152 = vector.broadcast %div3A_151 : f32 to vector<1000x1xf32>
    %div3A_153 = arith.divf %div3A_152, %max3A_150 : vector<1000x1xf32>
    %get3A_154 = arith.constant 2 : index
    %get3A_155 = arith.constant 0 : index
    %get3A_156 = arith.constant 0 : index
    %get3A_157 = vector.load %arg2[%get3A_154, %get3A_155, %get3A_156] : memref<8x1000x128xf32, #tpu.memory_space<vmem>>, vector<1x1000x128xf32>
    %get3A_158 = vector.shape_cast %get3A_157 : vector<1x1000x128xf32> to vector<1000x128xf32>
    %mul3A_159 = vector.broadcast %div3A_153 : vector<1000x1xf32> to vector<1000x128xf32>
    %mul3A_160 = arith.mulf %get3A_158, %mul3A_159 : vector<1000x128xf32>
    %get3A_161 = arith.constant 2 : index
    %get3A_162 = arith.constant 0 : index
    %get3A_163 = vector.load %arg5[%get3A_161, %get3A_162] : memref<8x4xf32, #tpu.memory_space<vmem>>, vector<1x1xf32>
    %get3A_164 = vector.extract %get3A_163[0, 0] : f32 from vector<1x1xf32>
    %get3A_165 = arith.constant 0 : index
    %get3A_166 = arith.constant 0 : index
    %get3A_167 = arith.constant 0 : index
    %get3A_168 = vector.load %arg4[%get3A_165, %get3A_166, %get3A_167] : memref<4x128x128xf32, #tpu.memory_space<vmem>>, vector<1x128x128xf32>
    %get3A_169 = vector.shape_cast %get3A_168 : vector<1x128x128xf32> to vector<128x128xf32>
    %mul3A_170 = vector.broadcast %get3A_164 : f32 to vector<128x128xf32>
    %mul3A_171 = arith.mulf %mul3A_170, %get3A_169 : vector<128x128xf32>
    %get3A_172 = arith.constant 2 : index
    %get3A_173 = arith.constant 1 : index
    %get3A_174 = vector.load %arg5[%get3A_172, %get3A_173] : memref<8x4xf32, #tpu.memory_space<vmem>>, vector<1x1xf32>
    %get3A_175 = vector.extract %get3A_174[0, 0] : f32 from vector<1x1xf32>
    %get3A_176 = arith.constant 1 : index
    %get3A_177 = arith.constant 0 : index
    %get3A_178 = arith.constant 0 : index
    %get3A_179 = vector.load %arg4[%get3A_176, %get3A_177, %get3A_178] : memref<4x128x128xf32, #tpu.memory_space<vmem>>, vector<1x128x128xf32>
    %get3A_180 = vector.shape_cast %get3A_179 : vector<1x128x128xf32> to vector<128x128xf32>
    %mul3A_181 = vector.broadcast %get3A_175 : f32 to vector<128x128xf32>
    %mul3A_182 = arith.mulf %mul3A_181, %get3A_180 : vector<128x128xf32>
    %add3A_183 = arith.addf %mul3A_171, %mul3A_182 : vector<128x128xf32>
    %get3A_184 = arith.constant 2 : index
    %get3A_185 = arith.constant 2 : index
    %get3A_186 = vector.load %arg5[%get3A_184, %get3A_185] : memref<8x4xf32, #tpu.memory_space<vmem>>, vector<1x1xf32>
    %get3A_187 = vector.extract %get3A_186[0, 0] : f32 from vector<1x1xf32>
    %get3A_188 = arith.constant 2 : index
    %get3A_189 = arith.constant 0 : index
    %get3A_190 = arith.constant 0 : index
    %get3A_191 = vector.load %arg4[%get3A_188, %get3A_189, %get3A_190] : memref<4x128x128xf32, #tpu.memory_space<vmem>>, vector<1x128x128xf32>
    %get3A_192 = vector.shape_cast %get3A_191 : vector<1x128x128xf32> to vector<128x128xf32>
    %mul3A_193 = vector.broadcast %get3A_187 : f32 to vector<128x128xf32>
    %mul3A_194 = arith.mulf %mul3A_193, %get3A_192 : vector<128x128xf32>
    %add3A_195 = arith.addf %add3A_183, %mul3A_194 : vector<128x128xf32>
    %get3A_196 = arith.constant 2 : index
    %get3A_197 = arith.constant 3 : index
    %get3A_198 = vector.load %arg5[%get3A_196, %get3A_197] : memref<8x4xf32, #tpu.memory_space<vmem>>, vector<1x1xf32>
    %get3A_199 = vector.extract %get3A_198[0, 0] : f32 from vector<1x1xf32>
    %get3A_200 = arith.constant 3 : index
    %get3A_201 = arith.constant 0 : index
    %get3A_202 = arith.constant 0 : index
    %get3A_203 = vector.load %arg4[%get3A_200, %get3A_201, %get3A_202] : memref<4x128x128xf32, #tpu.memory_space<vmem>>, vector<1x128x128xf32>
    %get3A_204 = vector.shape_cast %get3A_203 : vector<1x128x128xf32> to vector<128x128xf32>
    %mul3A_205 = vector.broadcast %get3A_199 : f32 to vector<128x128xf32>
    %mul3A_206 = arith.mulf %mul3A_205, %get3A_204 : vector<128x128xf32>
    %add3A_207 = arith.addf %add3A_195, %mul3A_206 : vector<128x128xf32>
    %dot_general3A_208 = arith.constant dense<0.000000e+00> : vector<1000x128xf32>
    %dot_general3A_209 = tpu.matmul %mul3A_160, %add3A_207, %dot_general3A_208 {dimension_numbers = #tpu.dot_dimension_numbers<[1], [0], [0], [1], [0, 0, 1, 1], [], []>, transpose_lhs_hint = false} : vector<1000x128xf32>, vector<128x128xf32>, vector<1000x128xf32> -> vector<1000x128xf32>
    %add3A_210 = arith.addf %add3A_142, %dot_general3A_209 : vector<1000x128xf32>
    %get3A_211 = arith.constant 3 : index
    %get3A_212 = arith.constant 0 : index
    %get3A_213 = arith.constant 0 : index
    %get3A_214 = vector.load %arg3[%get3A_211, %get3A_212, %get3A_213] : memref<8x1000x128xf32, #tpu.memory_space<vmem>>, vector<1x1000x1xf32>
    %get3A_215 = vector.shape_cast %get3A_214 : vector<1x1000x1xf32> to vector<1000x1xf32>
    %max3A_216 = arith.constant 1.000000e+00 : f32
    %max3A_217 = vector.broadcast %max3A_216 : f32 to vector<1000x1xf32>
    %max3A_218 = arith.maximumf %get3A_215, %max3A_217 : vector<1000x1xf32>
    %div3A_219 = arith.constant 1.000000e+00 : f32
    %div3A_220 = vector.broadcast %div3A_219 : f32 to vector<1000x1xf32>
    %div3A_221 = arith.divf %div3A_220, %max3A_218 : vector<1000x1xf32>
    %get3A_222 = arith.constant 3 : index
    %get3A_223 = arith.constant 0 : index
    %get3A_224 = arith.constant 0 : index
    %get3A_225 = vector.load %arg2[%get3A_222, %get3A_223, %get3A_224] : memref<8x1000x128xf32, #tpu.memory_space<vmem>>, vector<1x1000x128xf32>
    %get3A_226 = vector.shape_cast %get3A_225 : vector<1x1000x128xf32> to vector<1000x128xf32>
    %mul3A_227 = vector.broadcast %div3A_221 : vector<1000x1xf32> to vector<1000x128xf32>
    %mul3A_228 = arith.mulf %get3A_226, %mul3A_227 : vector<1000x128xf32>
    %get3A_229 = arith.constant 3 : index
    %get3A_230 = arith.constant 0 : index
    %get3A_231 = vector.load %arg5[%get3A_229, %get3A_230] : memref<8x4xf32, #tpu.memory_space<vmem>>, vector<1x1xf32>
    %get3A_232 = vector.extract %get3A_231[0, 0] : f32 from vector<1x1xf32>
    %get3A_233 = arith.constant 0 : index
    %get3A_234 = arith.constant 0 : index
    %get3A_235 = arith.constant 0 : index
    %get3A_236 = vector.load %arg4[%get3A_233, %get3A_234, %get3A_235] : memref<4x128x128xf32, #tpu.memory_space<vmem>>, vector<1x128x128xf32>
    %get3A_237 = vector.shape_cast %get3A_236 : vector<1x128x128xf32> to vector<128x128xf32>
    %mul3A_238 = vector.broadcast %get3A_232 : f32 to vector<128x128xf32>
    %mul3A_239 = arith.mulf %mul3A_238, %get3A_237 : vector<128x128xf32>
    %get3A_240 = arith.constant 3 : index
    %get3A_241 = arith.constant 1 : index
    %get3A_242 = vector.load %arg5[%get3A_240, %get3A_241] : memref<8x4xf32, #tpu.memory_space<vmem>>, vector<1x1xf32>
    %get3A_243 = vector.extract %get3A_242[0, 0] : f32 from vector<1x1xf32>
    %get3A_244 = arith.constant 1 : index
    %get3A_245 = arith.constant 0 : index
    %get3A_246 = arith.constant 0 : index
    %get3A_247 = vector.load %arg4[%get3A_244, %get3A_245, %get3A_246] : memref<4x128x128xf32, #tpu.memory_space<vmem>>, vector<1x128x128xf32>
    %get3A_248 = vector.shape_cast %get3A_247 : vector<1x128x128xf32> to vector<128x128xf32>
    %mul3A_249 = vector.broadcast %get3A_243 : f32 to vector<128x128xf32>
    %mul3A_250 = arith.mulf %mul3A_249, %get3A_248 : vector<128x128xf32>
    %add3A_251 = arith.addf %mul3A_239, %mul3A_250 : vector<128x128xf32>
    %get3A_252 = arith.constant 3 : index
    %get3A_253 = arith.constant 2 : index
    %get3A_254 = vector.load %arg5[%get3A_252, %get3A_253] : memref<8x4xf32, #tpu.memory_space<vmem>>, vector<1x1xf32>
    %get3A_255 = vector.extract %get3A_254[0, 0] : f32 from vector<1x1xf32>
    %get3A_256 = arith.constant 2 : index
    %get3A_257 = arith.constant 0 : index
    %get3A_258 = arith.constant 0 : index
    %get3A_259 = vector.load %arg4[%get3A_256, %get3A_257, %get3A_258] : memref<4x128x128xf32, #tpu.memory_space<vmem>>, vector<1x128x128xf32>
    %get3A_260 = vector.shape_cast %get3A_259 : vector<1x128x128xf32> to vector<128x128xf32>
    %mul3A_261 = vector.broadcast %get3A_255 : f32 to vector<128x128xf32>
    %mul3A_262 = arith.mulf %mul3A_261, %get3A_260 : vector<128x128xf32>
    %add3A_263 = arith.addf %add3A_251, %mul3A_262 : vector<128x128xf32>
    %get3A_264 = arith.constant 3 : index
    %get3A_265 = arith.constant 3 : index
    %get3A_266 = vector.load %arg5[%get3A_264, %get3A_265] : memref<8x4xf32, #tpu.memory_space<vmem>>, vector<1x1xf32>
    %get3A_267 = vector.extract %get3A_266[0, 0] : f32 from vector<1x1xf32>
    %get3A_268 = arith.constant 3 : index
    %get3A_269 = arith.constant 0 : index
    %get3A_270 = arith.constant 0 : index
    %get3A_271 = vector.load %arg4[%get3A_268, %get3A_269, %get3A_270] : memref<4x128x128xf32, #tpu.memory_space<vmem>>, vector<1x128x128xf32>
    %get3A_272 = vector.shape_cast %get3A_271 : vector<1x128x128xf32> to vector<128x128xf32>
    %mul3A_273 = vector.broadcast %get3A_267 : f32 to vector<128x128xf32>
    %mul3A_274 = arith.mulf %mul3A_273, %get3A_272 : vector<128x128xf32>
    %add3A_275 = arith.addf %add3A_263, %mul3A_274 : vector<128x128xf32>
    %dot_general3A_276 = arith.constant dense<0.000000e+00> : vector<1000x128xf32>
    %dot_general3A_277 = tpu.matmul %mul3A_228, %add3A_275, %dot_general3A_276 {dimension_numbers = #tpu.dot_dimension_numbers<[1], [0], [0], [1], [0, 0, 1, 1], [], []>, transpose_lhs_hint = false} : vector<1000x128xf32>, vector<128x128xf32>, vector<1000x128xf32> -> vector<1000x128xf32>
    %add3A_278 = arith.addf %add3A_210, %dot_general3A_277 : vector<1000x128xf32>
    %get3A_279 = arith.constant 4 : index
    %get3A_280 = arith.constant 0 : index
    %get3A_281 = arith.constant 0 : index
    %get3A_282 = vector.load %arg3[%get3A_279, %get3A_280, %get3A_281] : memref<8x1000x128xf32, #tpu.memory_space<vmem>>, vector<1x1000x1xf32>
    %get3A_283 = vector.shape_cast %get3A_282 : vector<1x1000x1xf32> to vector<1000x1xf32>
    %max3A_284 = arith.constant 1.000000e+00 : f32
    %max3A_285 = vector.broadcast %max3A_284 : f32 to vector<1000x1xf32>
    %max3A_286 = arith.maximumf %get3A_283, %max3A_285 : vector<1000x1xf32>
    %div3A_287 = arith.constant 1.000000e+00 : f32
    %div3A_288 = vector.broadcast %div3A_287 : f32 to vector<1000x1xf32>
    %div3A_289 = arith.divf %div3A_288, %max3A_286 : vector<1000x1xf32>
    %get3A_290 = arith.constant 4 : index
    %get3A_291 = arith.constant 0 : index
    %get3A_292 = arith.constant 0 : index
    %get3A_293 = vector.load %arg2[%get3A_290, %get3A_291, %get3A_292] : memref<8x1000x128xf32, #tpu.memory_space<vmem>>, vector<1x1000x128xf32>
    %get3A_294 = vector.shape_cast %get3A_293 : vector<1x1000x128xf32> to vector<1000x128xf32>
    %mul3A_295 = vector.broadcast %div3A_289 : vector<1000x1xf32> to vector<1000x128xf32>
    %mul3A_296 = arith.mulf %get3A_294, %mul3A_295 : vector<1000x128xf32>
    %get3A_297 = arith.constant 4 : index
    %get3A_298 = arith.constant 0 : index
    %get3A_299 = vector.load %arg5[%get3A_297, %get3A_298] : memref<8x4xf32, #tpu.memory_space<vmem>>, vector<1x1xf32>
    %get3A_300 = vector.extract %get3A_299[0, 0] : f32 from vector<1x1xf32>
    %get3A_301 = arith.constant 0 : index
    %get3A_302 = arith.constant 0 : index
    %get3A_303 = arith.constant 0 : index
    %get3A_304 = vector.load %arg4[%get3A_301, %get3A_302, %get3A_303] : memref<4x128x128xf32, #tpu.memory_space<vmem>>, vector<1x128x128xf32>
    %get3A_305 = vector.shape_cast %get3A_304 : vector<1x128x128xf32> to vector<128x128xf32>
    %mul3A_306 = vector.broadcast %get3A_300 : f32 to vector<128x128xf32>
    %mul3A_307 = arith.mulf %mul3A_306, %get3A_305 : vector<128x128xf32>
    %get3A_308 = arith.constant 4 : index
    %get3A_309 = arith.constant 1 : index
    %get3A_310 = vector.load %arg5[%get3A_308, %get3A_309] : memref<8x4xf32, #tpu.memory_space<vmem>>, vector<1x1xf32>
    %get3A_311 = vector.extract %get3A_310[0, 0] : f32 from vector<1x1xf32>
    %get3A_312 = arith.constant 1 : index
    %get3A_313 = arith.constant 0 : index
    %get3A_314 = arith.constant 0 : index
    %get3A_315 = vector.load %arg4[%get3A_312, %get3A_313, %get3A_314] : memref<4x128x128xf32, #tpu.memory_space<vmem>>, vector<1x128x128xf32>
    %get3A_316 = vector.shape_cast %get3A_315 : vector<1x128x128xf32> to vector<128x128xf32>
    %mul3A_317 = vector.broadcast %get3A_311 : f32 to vector<128x128xf32>
    %mul3A_318 = arith.mulf %mul3A_317, %get3A_316 : vector<128x128xf32>
    %add3A_319 = arith.addf %mul3A_307, %mul3A_318 : vector<128x128xf32>
    %get3A_320 = arith.constant 4 : index
    %get3A_321 = arith.constant 2 : index
    %get3A_322 = vector.load %arg5[%get3A_320, %get3A_321] : memref<8x4xf32, #tpu.memory_space<vmem>>, vector<1x1xf32>
    %get3A_323 = vector.extract %get3A_322[0, 0] : f32 from vector<1x1xf32>
    %get3A_324 = arith.constant 2 : index
    %get3A_325 = arith.constant 0 : index
    %get3A_326 = arith.constant 0 : index
    %get3A_327 = vector.load %arg4[%get3A_324, %get3A_325, %get3A_326] : memref<4x128x128xf32, #tpu.memory_space<vmem>>, vector<1x128x128xf32>
    %get3A_328 = vector.shape_cast %get3A_327 : vector<1x128x128xf32> to vector<128x128xf32>
    %mul3A_329 = vector.broadcast %get3A_323 : f32 to vector<128x128xf32>
    %mul3A_330 = arith.mulf %mul3A_329, %get3A_328 : vector<128x128xf32>
    %add3A_331 = arith.addf %add3A_319, %mul3A_330 : vector<128x128xf32>
    %get3A_332 = arith.constant 4 : index
    %get3A_333 = arith.constant 3 : index
    %get3A_334 = vector.load %arg5[%get3A_332, %get3A_333] : memref<8x4xf32, #tpu.memory_space<vmem>>, vector<1x1xf32>
    %get3A_335 = vector.extract %get3A_334[0, 0] : f32 from vector<1x1xf32>
    %get3A_336 = arith.constant 3 : index
    %get3A_337 = arith.constant 0 : index
    %get3A_338 = arith.constant 0 : index
    %get3A_339 = vector.load %arg4[%get3A_336, %get3A_337, %get3A_338] : memref<4x128x128xf32, #tpu.memory_space<vmem>>, vector<1x128x128xf32>
    %get3A_340 = vector.shape_cast %get3A_339 : vector<1x128x128xf32> to vector<128x128xf32>
    %mul3A_341 = vector.broadcast %get3A_335 : f32 to vector<128x128xf32>
    %mul3A_342 = arith.mulf %mul3A_341, %get3A_340 : vector<128x128xf32>
    %add3A_343 = arith.addf %add3A_331, %mul3A_342 : vector<128x128xf32>
    %dot_general3A_344 = arith.constant dense<0.000000e+00> : vector<1000x128xf32>
    %dot_general3A_345 = tpu.matmul %mul3A_296, %add3A_343, %dot_general3A_344 {dimension_numbers = #tpu.dot_dimension_numbers<[1], [0], [0], [1], [0, 0, 1, 1], [], []>, transpose_lhs_hint = false} : vector<1000x128xf32>, vector<128x128xf32>, vector<1000x128xf32> -> vector<1000x128xf32>
    %add3A_346 = arith.addf %add3A_278, %dot_general3A_345 : vector<1000x128xf32>
    %get3A_347 = arith.constant 5 : index
    %get3A_348 = arith.constant 0 : index
    %get3A_349 = arith.constant 0 : index
    %get3A_350 = vector.load %arg3[%get3A_347, %get3A_348, %get3A_349] : memref<8x1000x128xf32, #tpu.memory_space<vmem>>, vector<1x1000x1xf32>
    %get3A_351 = vector.shape_cast %get3A_350 : vector<1x1000x1xf32> to vector<1000x1xf32>
    %max3A_352 = arith.constant 1.000000e+00 : f32
    %max3A_353 = vector.broadcast %max3A_352 : f32 to vector<1000x1xf32>
    %max3A_354 = arith.maximumf %get3A_351, %max3A_353 : vector<1000x1xf32>
    %div3A_355 = arith.constant 1.000000e+00 : f32
    %div3A_356 = vector.broadcast %div3A_355 : f32 to vector<1000x1xf32>
    %div3A_357 = arith.divf %div3A_356, %max3A_354 : vector<1000x1xf32>
    %get3A_358 = arith.constant 5 : index
    %get3A_359 = arith.constant 0 : index
    %get3A_360 = arith.constant 0 : index
    %get3A_361 = vector.load %arg2[%get3A_358, %get3A_359, %get3A_360] : memref<8x1000x128xf32, #tpu.memory_space<vmem>>, vector<1x1000x128xf32>
    %get3A_362 = vector.shape_cast %get3A_361 : vector<1x1000x128xf32> to vector<1000x128xf32>
    %mul3A_363 = vector.broadcast %div3A_357 : vector<1000x1xf32> to vector<1000x128xf32>
    %mul3A_364 = arith.mulf %get3A_362, %mul3A_363 : vector<1000x128xf32>
    %get3A_365 = arith.constant 5 : index
    %get3A_366 = arith.constant 0 : index
    %get3A_367 = vector.load %arg5[%get3A_365, %get3A_366] : memref<8x4xf32, #tpu.memory_space<vmem>>, vector<1x1xf32>
    %get3A_368 = vector.extract %get3A_367[0, 0] : f32 from vector<1x1xf32>
    %get3A_369 = arith.constant 0 : index
    %get3A_370 = arith.constant 0 : index
    %get3A_371 = arith.constant 0 : index
    %get3A_372 = vector.load %arg4[%get3A_369, %get3A_370, %get3A_371] : memref<4x128x128xf32, #tpu.memory_space<vmem>>, vector<1x128x128xf32>
    %get3A_373 = vector.shape_cast %get3A_372 : vector<1x128x128xf32> to vector<128x128xf32>
    %mul3A_374 = vector.broadcast %get3A_368 : f32 to vector<128x128xf32>
    %mul3A_375 = arith.mulf %mul3A_374, %get3A_373 : vector<128x128xf32>
    %get3A_376 = arith.constant 5 : index
    %get3A_377 = arith.constant 1 : index
    %get3A_378 = vector.load %arg5[%get3A_376, %get3A_377] : memref<8x4xf32, #tpu.memory_space<vmem>>, vector<1x1xf32>
    %get3A_379 = vector.extract %get3A_378[0, 0] : f32 from vector<1x1xf32>
    %get3A_380 = arith.constant 1 : index
    %get3A_381 = arith.constant 0 : index
    %get3A_382 = arith.constant 0 : index
    %get3A_383 = vector.load %arg4[%get3A_380, %get3A_381, %get3A_382] : memref<4x128x128xf32, #tpu.memory_space<vmem>>, vector<1x128x128xf32>
    %get3A_384 = vector.shape_cast %get3A_383 : vector<1x128x128xf32> to vector<128x128xf32>
    %mul3A_385 = vector.broadcast %get3A_379 : f32 to vector<128x128xf32>
    %mul3A_386 = arith.mulf %mul3A_385, %get3A_384 : vector<128x128xf32>
    %add3A_387 = arith.addf %mul3A_375, %mul3A_386 : vector<128x128xf32>
    %get3A_388 = arith.constant 5 : index
    %get3A_389 = arith.constant 2 : index
    %get3A_390 = vector.load %arg5[%get3A_388, %get3A_389] : memref<8x4xf32, #tpu.memory_space<vmem>>, vector<1x1xf32>
    %get3A_391 = vector.extract %get3A_390[0, 0] : f32 from vector<1x1xf32>
    %get3A_392 = arith.constant 2 : index
    %get3A_393 = arith.constant 0 : index
    %get3A_394 = arith.constant 0 : index
    %get3A_395 = vector.load %arg4[%get3A_392, %get3A_393, %get3A_394] : memref<4x128x128xf32, #tpu.memory_space<vmem>>, vector<1x128x128xf32>
    %get3A_396 = vector.shape_cast %get3A_395 : vector<1x128x128xf32> to vector<128x128xf32>
    %mul3A_397 = vector.broadcast %get3A_391 : f32 to vector<128x128xf32>
    %mul3A_398 = arith.mulf %mul3A_397, %get3A_396 : vector<128x128xf32>
    %add3A_399 = arith.addf %add3A_387, %mul3A_398 : vector<128x128xf32>
    %get3A_400 = arith.constant 5 : index
    %get3A_401 = arith.constant 3 : index
    %get3A_402 = vector.load %arg5[%get3A_400, %get3A_401] : memref<8x4xf32, #tpu.memory_space<vmem>>, vector<1x1xf32>
    %get3A_403 = vector.extract %get3A_402[0, 0] : f32 from vector<1x1xf32>
    %get3A_404 = arith.constant 3 : index
    %get3A_405 = arith.constant 0 : index
    %get3A_406 = arith.constant 0 : index
    %get3A_407 = vector.load %arg4[%get3A_404, %get3A_405, %get3A_406] : memref<4x128x128xf32, #tpu.memory_space<vmem>>, vector<1x128x128xf32>
    %get3A_408 = vector.shape_cast %get3A_407 : vector<1x128x128xf32> to vector<128x128xf32>
    %mul3A_409 = vector.broadcast %get3A_403 : f32 to vector<128x128xf32>
    %mul3A_410 = arith.mulf %mul3A_409, %get3A_408 : vector<128x128xf32>
    %add3A_411 = arith.addf %add3A_399, %mul3A_410 : vector<128x128xf32>
    %dot_general3A_412 = arith.constant dense<0.000000e+00> : vector<1000x128xf32>
    %dot_general3A_413 = tpu.matmul %mul3A_364, %add3A_411, %dot_general3A_412 {dimension_numbers = #tpu.dot_dimension_numbers<[1], [0], [0], [1], [0, 0, 1, 1], [], []>, transpose_lhs_hint = false} : vector<1000x128xf32>, vector<128x128xf32>, vector<1000x128xf32> -> vector<1000x128xf32>
    %add3A_414 = arith.addf %add3A_346, %dot_general3A_413 : vector<1000x128xf32>
    %get3A_415 = arith.constant 6 : index
    %get3A_416 = arith.constant 0 : index
    %get3A_417 = arith.constant 0 : index
    %get3A_418 = vector.load %arg3[%get3A_415, %get3A_416, %get3A_417] : memref<8x1000x128xf32, #tpu.memory_space<vmem>>, vector<1x1000x1xf32>
    %get3A_419 = vector.shape_cast %get3A_418 : vector<1x1000x1xf32> to vector<1000x1xf32>
    %max3A_420 = arith.constant 1.000000e+00 : f32
    %max3A_421 = vector.broadcast %max3A_420 : f32 to vector<1000x1xf32>
    %max3A_422 = arith.maximumf %get3A_419, %max3A_421 : vector<1000x1xf32>
    %div3A_423 = arith.constant 1.000000e+00 : f32
    %div3A_424 = vector.broadcast %div3A_423 : f32 to vector<1000x1xf32>
    %div3A_425 = arith.divf %div3A_424, %max3A_422 : vector<1000x1xf32>
    %get3A_426 = arith.constant 6 : index
    %get3A_427 = arith.constant 0 : index
    %get3A_428 = arith.constant 0 : index
    %get3A_429 = vector.load %arg2[%get3A_426, %get3A_427, %get3A_428] : memref<8x1000x128xf32, #tpu.memory_space<vmem>>, vector<1x1000x128xf32>
    %get3A_430 = vector.shape_cast %get3A_429 : vector<1x1000x128xf32> to vector<1000x128xf32>
    %mul3A_431 = vector.broadcast %div3A_425 : vector<1000x1xf32> to vector<1000x128xf32>
    %mul3A_432 = arith.mulf %get3A_430, %mul3A_431 : vector<1000x128xf32>
    %get3A_433 = arith.constant 6 : index
    %get3A_434 = arith.constant 0 : index
    %get3A_435 = vector.load %arg5[%get3A_433, %get3A_434] : memref<8x4xf32, #tpu.memory_space<vmem>>, vector<1x1xf32>
    %get3A_436 = vector.extract %get3A_435[0, 0] : f32 from vector<1x1xf32>
    %get3A_437 = arith.constant 0 : index
    %get3A_438 = arith.constant 0 : index
    %get3A_439 = arith.constant 0 : index
    %get3A_440 = vector.load %arg4[%get3A_437, %get3A_438, %get3A_439] : memref<4x128x128xf32, #tpu.memory_space<vmem>>, vector<1x128x128xf32>
    %get3A_441 = vector.shape_cast %get3A_440 : vector<1x128x128xf32> to vector<128x128xf32>
    %mul3A_442 = vector.broadcast %get3A_436 : f32 to vector<128x128xf32>
    %mul3A_443 = arith.mulf %mul3A_442, %get3A_441 : vector<128x128xf32>
    %get3A_444 = arith.constant 6 : index
    %get3A_445 = arith.constant 1 : index
    %get3A_446 = vector.load %arg5[%get3A_444, %get3A_445] : memref<8x4xf32, #tpu.memory_space<vmem>>, vector<1x1xf32>
    %get3A_447 = vector.extract %get3A_446[0, 0] : f32 from vector<1x1xf32>
    %get3A_448 = arith.constant 1 : index
    %get3A_449 = arith.constant 0 : index
    %get3A_450 = arith.constant 0 : index
    %get3A_451 = vector.load %arg4[%get3A_448, %get3A_449, %get3A_450] : memref<4x128x128xf32, #tpu.memory_space<vmem>>, vector<1x128x128xf32>
    %get3A_452 = vector.shape_cast %get3A_451 : vector<1x128x128xf32> to vector<128x128xf32>
    %mul3A_453 = vector.broadcast %get3A_447 : f32 to vector<128x128xf32>
    %mul3A_454 = arith.mulf %mul3A_453, %get3A_452 : vector<128x128xf32>
    %add3A_455 = arith.addf %mul3A_443, %mul3A_454 : vector<128x128xf32>
    %get3A_456 = arith.constant 6 : index
    %get3A_457 = arith.constant 2 : index
    %get3A_458 = vector.load %arg5[%get3A_456, %get3A_457] : memref<8x4xf32, #tpu.memory_space<vmem>>, vector<1x1xf32>
    %get3A_459 = vector.extract %get3A_458[0, 0] : f32 from vector<1x1xf32>
    %get3A_460 = arith.constant 2 : index
    %get3A_461 = arith.constant 0 : index
    %get3A_462 = arith.constant 0 : index
    %get3A_463 = vector.load %arg4[%get3A_460, %get3A_461, %get3A_462] : memref<4x128x128xf32, #tpu.memory_space<vmem>>, vector<1x128x128xf32>
    %get3A_464 = vector.shape_cast %get3A_463 : vector<1x128x128xf32> to vector<128x128xf32>
    %mul3A_465 = vector.broadcast %get3A_459 : f32 to vector<128x128xf32>
    %mul3A_466 = arith.mulf %mul3A_465, %get3A_464 : vector<128x128xf32>
    %add3A_467 = arith.addf %add3A_455, %mul3A_466 : vector<128x128xf32>
    %get3A_468 = arith.constant 6 : index
    %get3A_469 = arith.constant 3 : index
    %get3A_470 = vector.load %arg5[%get3A_468, %get3A_469] : memref<8x4xf32, #tpu.memory_space<vmem>>, vector<1x1xf32>
    %get3A_471 = vector.extract %get3A_470[0, 0] : f32 from vector<1x1xf32>
    %get3A_472 = arith.constant 3 : index
    %get3A_473 = arith.constant 0 : index
    %get3A_474 = arith.constant 0 : index
    %get3A_475 = vector.load %arg4[%get3A_472, %get3A_473, %get3A_474] : memref<4x128x128xf32, #tpu.memory_space<vmem>>, vector<1x128x128xf32>
    %get3A_476 = vector.shape_cast %get3A_475 : vector<1x128x128xf32> to vector<128x128xf32>
    %mul3A_477 = vector.broadcast %get3A_471 : f32 to vector<128x128xf32>
    %mul3A_478 = arith.mulf %mul3A_477, %get3A_476 : vector<128x128xf32>
    %add3A_479 = arith.addf %add3A_467, %mul3A_478 : vector<128x128xf32>
    %dot_general3A_480 = arith.constant dense<0.000000e+00> : vector<1000x128xf32>
    %dot_general3A_481 = tpu.matmul %mul3A_432, %add3A_479, %dot_general3A_480 {dimension_numbers = #tpu.dot_dimension_numbers<[1], [0], [0], [1], [0, 0, 1, 1], [], []>, transpose_lhs_hint = false} : vector<1000x128xf32>, vector<128x128xf32>, vector<1000x128xf32> -> vector<1000x128xf32>
    %add3A_482 = arith.addf %add3A_414, %dot_general3A_481 : vector<1000x128xf32>
    %get3A_483 = arith.constant 7 : index
    %get3A_484 = arith.constant 0 : index
    %get3A_485 = arith.constant 0 : index
    %get3A_486 = vector.load %arg3[%get3A_483, %get3A_484, %get3A_485] : memref<8x1000x128xf32, #tpu.memory_space<vmem>>, vector<1x1000x1xf32>
    %get3A_487 = vector.shape_cast %get3A_486 : vector<1x1000x1xf32> to vector<1000x1xf32>
    %max3A_488 = arith.constant 1.000000e+00 : f32
    %max3A_489 = vector.broadcast %max3A_488 : f32 to vector<1000x1xf32>
    %max3A_490 = arith.maximumf %get3A_487, %max3A_489 : vector<1000x1xf32>
    %div3A_491 = arith.constant 1.000000e+00 : f32
    %div3A_492 = vector.broadcast %div3A_491 : f32 to vector<1000x1xf32>
    %div3A_493 = arith.divf %div3A_492, %max3A_490 : vector<1000x1xf32>
    %get3A_494 = arith.constant 7 : index
    %get3A_495 = arith.constant 0 : index
    %get3A_496 = arith.constant 0 : index
    %get3A_497 = vector.load %arg2[%get3A_494, %get3A_495, %get3A_496] : memref<8x1000x128xf32, #tpu.memory_space<vmem>>, vector<1x1000x128xf32>
    %get3A_498 = vector.shape_cast %get3A_497 : vector<1x1000x128xf32> to vector<1000x128xf32>
    %mul3A_499 = vector.broadcast %div3A_493 : vector<1000x1xf32> to vector<1000x128xf32>
    %mul3A_500 = arith.mulf %get3A_498, %mul3A_499 : vector<1000x128xf32>
    %get3A_501 = arith.constant 7 : index
    %get3A_502 = arith.constant 0 : index
    %get3A_503 = vector.load %arg5[%get3A_501, %get3A_502] : memref<8x4xf32, #tpu.memory_space<vmem>>, vector<1x1xf32>
    %get3A_504 = vector.extract %get3A_503[0, 0] : f32 from vector<1x1xf32>
    %get3A_505 = arith.constant 0 : index
    %get3A_506 = arith.constant 0 : index
    %get3A_507 = arith.constant 0 : index
    %get3A_508 = vector.load %arg4[%get3A_505, %get3A_506, %get3A_507] : memref<4x128x128xf32, #tpu.memory_space<vmem>>, vector<1x128x128xf32>
    %get3A_509 = vector.shape_cast %get3A_508 : vector<1x128x128xf32> to vector<128x128xf32>
    %mul3A_510 = vector.broadcast %get3A_504 : f32 to vector<128x128xf32>
    %mul3A_511 = arith.mulf %mul3A_510, %get3A_509 : vector<128x128xf32>
    %get3A_512 = arith.constant 7 : index
    %get3A_513 = arith.constant 1 : index
    %get3A_514 = vector.load %arg5[%get3A_512, %get3A_513] : memref<8x4xf32, #tpu.memory_space<vmem>>, vector<1x1xf32>
    %get3A_515 = vector.extract %get3A_514[0, 0] : f32 from vector<1x1xf32>
    %get3A_516 = arith.constant 1 : index
    %get3A_517 = arith.constant 0 : index
    %get3A_518 = arith.constant 0 : index
    %get3A_519 = vector.load %arg4[%get3A_516, %get3A_517, %get3A_518] : memref<4x128x128xf32, #tpu.memory_space<vmem>>, vector<1x128x128xf32>
    %get3A_520 = vector.shape_cast %get3A_519 : vector<1x128x128xf32> to vector<128x128xf32>
    %mul3A_521 = vector.broadcast %get3A_515 : f32 to vector<128x128xf32>
    %mul3A_522 = arith.mulf %mul3A_521, %get3A_520 : vector<128x128xf32>
    %add3A_523 = arith.addf %mul3A_511, %mul3A_522 : vector<128x128xf32>
    %get3A_524 = arith.constant 7 : index
    %get3A_525 = arith.constant 2 : index
    %get3A_526 = vector.load %arg5[%get3A_524, %get3A_525] : memref<8x4xf32, #tpu.memory_space<vmem>>, vector<1x1xf32>
    %get3A_527 = vector.extract %get3A_526[0, 0] : f32 from vector<1x1xf32>
    %get3A_528 = arith.constant 2 : index
    %get3A_529 = arith.constant 0 : index
    %get3A_530 = arith.constant 0 : index
    %get3A_531 = vector.load %arg4[%get3A_528, %get3A_529, %get3A_530] : memref<4x128x128xf32, #tpu.memory_space<vmem>>, vector<1x128x128xf32>
    %get3A_532 = vector.shape_cast %get3A_531 : vector<1x128x128xf32> to vector<128x128xf32>
    %mul3A_533 = vector.broadcast %get3A_527 : f32 to vector<128x128xf32>
    %mul3A_534 = arith.mulf %mul3A_533, %get3A_532 : vector<128x128xf32>
    %add3A_535 = arith.addf %add3A_523, %mul3A_534 : vector<128x128xf32>
    %get3A_536 = arith.constant 7 : index
    %get3A_537 = arith.constant 3 : index
    %get3A_538 = vector.load %arg5[%get3A_536, %get3A_537] : memref<8x4xf32, #tpu.memory_space<vmem>>, vector<1x1xf32>
    %get3A_539 = vector.extract %get3A_538[0, 0] : f32 from vector<1x1xf32>
    %get3A_540 = arith.constant 3 : index
    %get3A_541 = arith.constant 0 : index
    %get3A_542 = arith.constant 0 : index
    %get3A_543 = vector.load %arg4[%get3A_540, %get3A_541, %get3A_542] : memref<4x128x128xf32, #tpu.memory_space<vmem>>, vector<1x128x128xf32>
    %get3A_544 = vector.shape_cast %get3A_543 : vector<1x128x128xf32> to vector<128x128xf32>
    %mul3A_545 = vector.broadcast %get3A_539 : f32 to vector<128x128xf32>
    %mul3A_546 = arith.mulf %mul3A_545, %get3A_544 : vector<128x128xf32>
    %add3A_547 = arith.addf %add3A_535, %mul3A_546 : vector<128x128xf32>
    %dot_general3A_548 = arith.constant dense<0.000000e+00> : vector<1000x128xf32>
    %dot_general3A_549 = tpu.matmul %mul3A_500, %add3A_547, %dot_general3A_548 {dimension_numbers = #tpu.dot_dimension_numbers<[1], [0], [0], [1], [0, 0, 1, 1], [], []>, transpose_lhs_hint = false} : vector<1000x128xf32>, vector<128x128xf32>, vector<1000x128xf32> -> vector<1000x128xf32>
    %add3A_550 = arith.addf %add3A_482, %dot_general3A_549 : vector<1000x128xf32>
    %neg3A = arith.constant 0.000000e+00 : f32
    %neg3A_551 = vector.broadcast %neg3A : f32 to vector<1000x128xf32>
    %neg3A_552 = arith.subf %neg3A_551, %add3A_550 : vector<1000x128xf32>
    %exp3A = math.exp %neg3A_552 : vector<1000x128xf32>
    %add3A_553 = arith.constant 1.000000e+00 : f32
    %add3A_554 = vector.broadcast %add3A_553 : f32 to vector<1000x128xf32>
    %add3A_555 = arith.addf %add3A_554, %exp3A : vector<1000x128xf32>
    %div3A_556 = arith.constant 1.000000e+00 : f32
    %div3A_557 = vector.broadcast %div3A_556 : f32 to vector<1000x128xf32>
    %div3A_558 = arith.divf %div3A_557, %add3A_555 : vector<1000x128xf32>
    %mul3A_559 = arith.mulf %add3A_550, %div3A_558 : vector<1000x128xf32>
    %reduce_sum3A = arith.constant dense<0.000000e+00> : vector<1000xf32>
    %reduce_sum3A_560 = vector.multi_reduction <add>, %mul3A_559, %reduce_sum3A [1] : vector<1000x128xf32> to vector<1000xf32>
    %broadcast_in_dim3A = vector.shape_cast %reduce_sum3A_560 : vector<1000xf32> to vector<1000x1xf32>
    %div3A_561 = arith.constant 1.280000e+02 : f32
    %div3A_562 = vector.broadcast %div3A_561 : f32 to vector<1000x1xf32>
    %div3A_563 = arith.divf %broadcast_in_dim3A, %div3A_562 : vector<1000x1xf32>
    %sub3A = vector.broadcast %div3A_563 : vector<1000x1xf32> to vector<1000x128xf32>
    %sub3A_564 = arith.subf %mul3A_559, %sub3A : vector<1000x128xf32>
    %mul3A_565 = arith.mulf %sub3A_564, %sub3A_564 : vector<1000x128xf32>
    %reduce_sum3A_566 = arith.constant dense<0.000000e+00> : vector<1000xf32>
    %reduce_sum3A_567 = vector.multi_reduction <add>, %mul3A_565, %reduce_sum3A_566 [1] : vector<1000x128xf32> to vector<1000xf32>
    %broadcast_in_dim3A_568 = vector.shape_cast %reduce_sum3A_567 : vector<1000xf32> to vector<1000x1xf32>
    %div3A_569 = arith.constant 1.280000e+02 : f32
    %div3A_570 = vector.broadcast %div3A_569 : f32 to vector<1000x1xf32>
    %div3A_571 = arith.divf %broadcast_in_dim3A_568, %div3A_570 : vector<1000x1xf32>
    %add3A_572 = arith.constant 9.99999974E-6 : f32
    %add3A_573 = vector.broadcast %add3A_572 : f32 to vector<1000x1xf32>
    %add3A_574 = arith.addf %div3A_571, %add3A_573 : vector<1000x1xf32>
    %rsqrt3A = math.rsqrt %add3A_574 : vector<1000x1xf32>
    %mul3A_575 = vector.broadcast %rsqrt3A : vector<1000x1xf32> to vector<1000x128xf32>
    %mul3A_576 = arith.mulf %sub3A_564, %mul3A_575 : vector<1000x128xf32>
    %get3A_577 = arith.constant 0 : index
    %get3A_578 = arith.constant 0 : index
    %get3A_579 = vector.load %arg8[%get3A_577, %get3A_578] : memref<1x128xf32, #tpu.memory_space<vmem>>, vector<1x128xf32>
    %mul3A_580 = vector.broadcast %get3A_579 : vector<1x128xf32> to vector<1000x128xf32>
    %mul3A_581 = arith.mulf %mul3A_576, %mul3A_580 : vector<1000x128xf32>
    %get3A_582 = arith.constant 0 : index
    %get3A_583 = arith.constant 0 : index
    %get3A_584 = vector.load %arg9[%get3A_582, %get3A_583] : memref<1x128xf32, #tpu.memory_space<vmem>>, vector<1x128xf32>
    %add3A_585 = vector.broadcast %get3A_584 : vector<1x128xf32> to vector<1000x128xf32>
    %add3A_586 = arith.addf %mul3A_581, %add3A_585 : vector<1000x128xf32>
    %swap3A = arith.constant 0 : index
    %swap3A_587 = arith.constant 0 : index
    %swap3A_588 = vector.load %arg10[%swap3A, %swap3A_587] : memref<1000x128xf32, #tpu.memory_space<vmem>>, vector<1000x128xf32>
    tpu.vector_store %arg10[%swap3A, %swap3A_587], %add3A_586 {strides = array<i32>} : memref<1000x128xf32, #tpu.memory_space<vmem>>, vector<1000x128xf32>,
    return
  }
  func.func @transform_0(%arg0: i32) -> (i32, i32) {
    %c0_i32 = arith.constant 0 : i32
    %c0_i32_0 = arith.constant 0 : i32
    return %arg0, %c0_i32 : i32, i32
  }
  func.func @transform_1(%arg0: i32) -> (i32, i32, i32) {
    %c0_i32 = arith.constant 0 : i32
    %c0_i32_0 = arith.constant 0 : i32
    %c0_i32_1 = arith.constant 0 : i32
    return %c0_i32, %arg0, %c0_i32_0 : i32, i32, i32
  }
  func.func @transform_2(%arg0: i32) -> (i32, i32, i32) {
    %c0_i32 = arith.constant 0 : i32
    %c0_i32_0 = arith.constant 0 : i32
    %c0_i32_1 = arith.constant 0 : i32
    return %c0_i32, %arg0, %c0_i32_0 : i32, i32, i32
  }
  func.func @transform_3(%arg0: i32) -> (i32, i32, i32) {
    %c0_i32 = arith.constant 0 : i32
    %c0_i32_0 = arith.constant 0 : i32
    %c0_i32_1 = arith.constant 0 : i32
    %c0_i32_2 = arith.constant 0 : i32
    return %c0_i32, %c0_i32_0, %c0_i32_1 : i32, i32, i32
  }
  func.func @transform_4(%arg0: i32) -> (i32, i32) {
    %c0_i32 = arith.constant 0 : i32
    %c0_i32_0 = arith.constant 0 : i32
    %c0_i32_1 = arith.constant 0 : i32
    return %c0_i32, %c0_i32_0 : i32, i32
  }
  func.func @transform_5(%arg0: i32) -> (i32, i32) {
    %c0_i32 = arith.constant 0 : i32
    %c0_i32_0 = arith.constant 0 : i32
    %c0_i32_1 = arith.constant 0 : i32
    return %c0_i32, %c0_i32_0 : i32, i32
  }
  func.func @transform_6(%arg0: i32) -> (i32, i32) {
    %c0_i32 = arith.constant 0 : i32
    %c0_i32_0 = arith.constant 0 : i32
    %c0_i32_1 = arith.constant 0 : i32
    return %c0_i32, %c0_i32_0 : i32, i32
  }
  func.func @transform_7(%arg0: i32) -> (i32, i32) {
    %c0_i32 = arith.constant 0 : i32
    %c0_i32_0 = arith.constant 0 : i32
    %c0_i32_1 = arith.constant 0 : i32
    return %c0_i32, %c0_i32_0 : i32, i32
  }
  func.func @transform_8(%arg0: i32) -> (i32, i32) {
    %c0_i32 = arith.constant 0 : i32
    %c0_i32_0 = arith.constant 0 : i32
    %c0_i32_1 = arith.constant 0 : i32
    return %c0_i32, %c0_i32_0 : i32, i32
  }
  func.func @transform_9(%arg0: i32) -> (i32, i32) {
    %c0_i32 = arith.constant 0 : i32
    %c0_i32_0 = arith.constant 0 : i32
    return %arg0, %c0_i32 : i32, i32
  }
}

</mosaic_0001>

<sc_bundles>
// kernel: kernel.4.cloned.1.call-start
scs
__scs_entry_jumppad:
0x0: {  	(pc) =	sbr.rel $0x88, $3  }
0x1: {  	(tag) =	ssettag $0x0;
	lr =	simm.s32 $0x1  }
0x2: {  	[smem:$0x3F99] =	sst lr;
	_ =	strace $0xD0000000  }
0x3: {  	_ = 	snop  }
0x4: {  	_ = 	snop  }
0x5: {  	_ = 	snop  }
0x6: {  	_ = 	snop  }
0x7: {  	_ = 	snop  }
__scs_overlays_trampoline_lowered:
0x8: {  	[smem:$0x3FA8] =	sst s0  }
0x9: {  	[smem:$0x3FA9] =	sst s1  }
0xa: {  	[smem:$0x3FAA] =	sst s2  }
0xb: {  	[smem:$0x3FAB] =	sst s3  }
0xc: {  	[smem:$0x3FAC] =	sst s4  }
0xd: {  	[smem:$0x3FAD] =	sst s5  }
0xe: {  	[smem:$0x3FAE] =	sst s6  }
0xf: {  	[smem:$0x3FAF] =	sst s7  }
0x10: {  	[smem:$0x3FB0] =	sst s8  }
0x11: {  	[smem:$0x3FB1] =	sst s9;
	s0 =	simm.s32 @!p0 $0x0  }
0x12: {  	s1 =	sld [smem:$0x3F97];
	s0 =	simm.s32 @p0 $0x1  }
0x13: {  	[smem:$0x3FB2] =	sst s0;
	s0 =	simm.s32 @!p1 $0x0  }
0x14: {  	s2 =	sld [smem:$0x3F96];
	s0 =	simm.s32 @p1 $0x1  }
0x15: {  	[smem:$0x3FB3] =	sst s0;
	s0 =	simm.s32 @!p2 $0x0  }
0x16: {  	s3 =	sld [smem:$0x3FDB];
	s0 =	simm.s32 @p2 $0x1  }
0x17: {  	s4 =	simm.s32 $0x1BF5;
	[smem:$0x3FB5] =	sst s0  }
0x18: {  	s0 =	sld [smem:$0x3F98];
	_ =	swait.ge [sflag:s4], $0x0  }
0x19: {  	s7 =	sld [smem:$0x3F99]  }
0x1a: {  	s8 =	sadd.s32 $0xFFFFE003, lr  }
0x1b: {  	s9 =	sadd.s32 $0xFFFFFEF7, lr;
	s5 =	simm.s32 $0xFFFFFFFF;
	p2 =	slt.u32 s8, $0xFFFFF086  }
0x1c: {  	p1 =	slt.u32 s9, $0xF7A;
	s5 =	simm.s32 @!p2 $0x0  }
0x1d: {  	s5 =	simm.s32 @p1 $0x1;
	p0 =	seq.s32 s7, s2  }
0x1e: {  	s7 =	smul.u32 @!p0 $0xF7A, s2;
	p2 =	seq.s32 @!p0 s5, $0x0  }
0x1f: {  	s9 =	smul.u32 $0xF7A, s1;
	s8 =	simm.s32 @!p0 $0x1BF5;
	p2 =	por !p2, p0  }
0x20: {  	[sflag:s8] =	ssyncset.s32 @!p0 $0xFFFFF086;
	s6 =	sadd.s32 @!p0 s3, s7;
	s7 =	simm.s32 @!p0 $0x108  }
0x21: {  	s3 =	sadd.s32 s3, s9;
	s6 =	sadd.s32 @!p0 $0x88, s6;
	s7 =	simm.s32 @p2 $0x1082  }
0x22: {  	[simem:s7], [sflag:s8] =	dma.local @!p0 [hbm:s6], $0xF7A  }
0x23: {  	s9 =	sor.u32 $0xD0000000, s2;
	s6 =	simm.s32 $0x108;
	_ =	swait.ge @!p0 [sflag:s8], $0x0  }
0x24: {  	s3 =	sadd.s32 $0x88, s3;
	s6 =	simm.s32 @!p1 $0x1082;
	[sflag:s4] =	ssyncset.s32 $0xFFFFF086  }
0x25: {  	[simem:s6], [sflag:s4] =	dma.local [hbm:s3], $0xF7A  }
0x26: {  	[smem:$0x3F99] =	sst s1;
	(tag) =	ssettag s2;
	_ =	strace s9  }
0x27: {  	s1 =	sld [smem:$0x3FA9]  }
0x28: {  	s2 =	sld [smem:$0x3FAA]  }
0x29: {  	s4 =	sld [smem:$0x3FAC]  }
0x2a: {  	p0 =	seq.s32 s5, $0x0;
	s5 =	sld [smem:$0x3FAD]  }
0x2b: {  	s6 =	sld [smem:$0x3FAE]  }
0x2c: {  	s7 =	sld [smem:$0x3FAF]  }
0x2d: {  	s3 =	simm.s32 $0x108;
	s8 =	sld [smem:$0x3FB0]  }
0x2e: {  	s3 =	simm.s32 @!p0 $0x1082;
	s9 =	sld [smem:$0x3FB1]  }
0x2f: {  	lr =	sadd.s32 s0, s3;
	s0 =	sld [smem:$0x3FA8]  }
0x30: {  	s3 =	sld [smem:$0x3FAB]  }
0x31: {  	[smem:$0x3FB4] =	sst s10  }
0x32: {  	s10 =	sld [smem:$0x3FB2];
	_ =	sdelay $0x3  }
0x33: {  	p0 =	seq.s32 s10, $0x1;
	s10 =	sld [smem:$0x3FB4];
	_ =	sdelay $0x3  }
0x34: {  	[smem:$0x3FB4] =	sst s10  }
0x35: {  	s10 =	sld [smem:$0x3FB3];
	_ =	sdelay $0x3  }
0x36: {  	p1 =	seq.s32 s10, $0x1;
	s10 =	sld [smem:$0x3FB4];
	_ =	sdelay $0x3  }
0x37: {  	[smem:$0x3FB4] =	sst s10  }
0x38: {  	s10 =	sld [smem:$0x3FB5]  }
0x39: {  	_ = 	snop;
	(pc) =	sbr.ind lr, $3  }
0x3a: {  	_ = 	snop  }
0x3b: {  	_ = 	snop  }
0x3c: {  	p2 =	seq.s32 s10, $0x1;
	s10 =	sld [smem:$0x3FB4]  }
0x3d: {  	_ =	shalt  }
0x3e: {  	_ =	shalt  }
0x3f: {  	_ =	shalt  }
0x40: {  	_ =	shalt  }
0x41: {  	_ =	shalt  }
0x42: {  	_ =	shalt  }
0x43: {  	_ =	shalt  }
0x44: {  	_ =	shalt  }
0x45: {  	_ =	shalt  }
0x46: {  	_ =	shalt  }
0x47: {  	_ =	shalt  }
0x48: {  	_ =	shalt  }
0x49: {  	_ =	shalt  }
0x4a: {  	_ =	shalt  }
0x4b: {  	_ =	shalt  }
0x4c: {  	_ =	shalt  }
0x4d: {  	_ =	shalt  }
0x4e: {  	_ =	shalt  }
0x4f: {  	_ =	shalt  }
0x50: {  	_ =	shalt  }
0x51: {  	_ =	shalt  }
0x52: {  	_ =	shalt  }
0x53: {  	_ =	shalt  }
0x54: {  	_ =	shalt  }
0x55: {  	_ =	shalt  }
0x56: {  	_ =	shalt  }
0x57: {  	_ =	shalt  }
0x58: {  	_ =	shalt  }
0x59: {  	_ =	shalt  }
0x5a: {  	_ =	shalt  }
0x5b: {  	_ =	shalt  }
0x5c: {  	_ =	shalt  }
0x5d: {  	_ =	shalt  }
0x5e: {  	_ =	shalt  }
0x5f: {  	_ =	shalt  }
0x60: {  	_ =	shalt  }
0x61: {  	_ =	shalt  }
0x62: {  	_ =	shalt  }
0x63: {  	_ =	shalt  }
0x64: {  	_ =	shalt  }
0x65: {  	_ =	shalt  }
0x66: {  	_ =	shalt  }
0x67: {  	_ =	shalt  }
0x68: {  	_ =	shalt  }
0x69: {  	_ =	shalt  }
0x6a: {  	_ =	shalt  }
0x6b: {  	_ =	shalt  }
0x6c: {  	_ =	shalt  }
0x6d: {  	_ =	shalt  }
0x6e: {  	_ =	shalt  }
0x6f: {  	_ =	shalt  }
0x70: {  	_ =	shalt  }
0x71: {  	_ =	shalt  }
0x72: {  	_ =	shalt  }
0x73: {  	_ =	shalt  }
0x74: {  	_ =	shalt  }
0x75: {  	_ =	shalt  }
0x76: {  	_ =	shalt  }
0x77: {  	_ =	shalt  }
0x78: {  	_ =	shalt  }
0x79: {  	_ =	shalt  }
0x7a: {  	_ =	shalt  }
0x7b: {  	_ =	shalt  }
0x7c: {  	_ =	shalt  }
0x7d: {  	_ =	shalt  }
0x7e: {  	_ =	shalt  }
0x7f: {  	_ =	shalt  }
0x80: {  	_ =	shalt  }
0x81: {  	_ =	shalt  }
0x82: {  	_ =	shalt  }
0x83: {  	_ =	shalt  }
0x84: {  	_ =	shalt  }
0x85: {  	_ =	shalt  }
0x86: {  	_ =	shalt  }
0x87: {  	_ =	shalt  }
.Lfunc_end0:
.L_simem_size_0:
called_computation_lowered:
.L_overlay_start_0:
0x88: {  	s2 =	sld [smem:$0x3FD9]  }
0x89: {  	s3 =	sld [smem:$0x3FFE];
	_ =	sdelay $0x1  }
0x8a: {  	s1 =	srdreg.scid  }
0x8b: {  	s0 =	sand.u32 $0x1, s1  }
0x8c: {  	s17 =	sshll.u32 s0, $0xA;
	s2 =	sadd.s32 s3, s2  }
0x8d: {  	s2 =	sadd.s32 s2, s17  }
0x8e: {  	[smem:$0x3FC0] =	sst s2  }
0x8f: {  	_ = 	snop  }
0x90: {  	s2 =	sld [smem:$0x3FD0];
	(tm) =	ssettm $0x1  }
0x91: {  	s18 =	sld [smem:$0x3FFB];
	_ =	sdelay $0x3  }
0x92: {  	_ =	strace s18  }
0x93: {  	s3 =	sld [smem:$0x3FFC];
	_ =	sdelay $0x3  }
0x94: {  	_ =	strace s3  }
0x95: {  	s3 =	sld [smem:$0x3FFD];
	_ =	sdelay $0x3  }
0x96: {  	_ =	strace s3  }
0x97: {  	_ =	strace $0x8FFFFFFF  }
0x98: {  	s19 =	sld [smem:$0x3FDB];
	_ =	sdelay $0x1  }
0x99: {  	s4 =	simm.s32 $_scs_section_size  }
0x9a: {  	s5 =	simm.s32 $_size__tile_overlayer_lowered;
	s6 =	simm.s32 $_tile_overlayer_lowered  }
0x9b: {  	s22 =	simm.s32 $0x1BFF;
	s21 =	sshll.u32 s6, $0x1;
	s3 =	sadd.s32 s4, s19  }
0x9c: {  	s7 =	simm.s32 $0x0;
	s20 =	sshll.u32 s5, $0x1;
	s5 =	sadd.s32 s21, s3  }
0x9d: {  	[timem:s7], [sflag:s22] =	dma.local [hbm:s5], s20  }
0x9e: {  	_ =	swait.ge [sflag:s22], s20  }
0x9f: {  	s4 =	ssub.s32 $0x0, s20;
	[sflag:s22] =	ssyncset.done $0x0  }
0xa0: {  	[sflag:s22] =	ssyncadd.s32 s4;
	_ =	sdelay $0x1  }
0xa1: {  	s23 =	simm.s32 $0x1B8B  }
0xa2: {  	_ =	swait.ge [sflag:s23], $0x1  }
0xa3: {  	[sflag:s23] =	ssyncset.done $0x0  }
0xa4: {  	s25 =	simm.s32 $0x1B8E;
	s24 =	sld [smem:$0x3FFE];
	[sflag:s23] =	ssyncadd.s32 $0xFFFFFFFF  }
0xa5: {  	s26 =	simm.s32 $execute0_lowered;
	[smem:$0x3FD2] =	sst s25  }
0xa6: {  	s5 =	sshll.u32 s26, $0x1;
	_ =	strace $0x80000046;
	[dreg:$0x1] =	wrdreg $0xFFFFFFFF  }
0xa7: {  	s28 =	simm.s32 $_size_execute0_lowered;
	s3 =	sadd.s32 s3, s5;
	[dreg:$0x0] =	wrdreg $0x0  }
0xa8: {  	s5 =	sshll.u32 s28, $0x1;
	[dreg:$0x2] =	wrdreg s3  }
0xa9: {  	[dreg:$0x3] =	wrdreg s5  }
0xaa: {  	[dreg:$0x4] =	wrdreg $0xC0  }
0xab: {  	_ =	task [dreg:s7], $0x5FFFF  }
0xac: {  	[dreg:$0x1] =	wrdreg $0xFFFFFFFF  }
0xad: {  	[dreg:$0x0] =	wrdreg $0x60  }
0xae: {  	[dreg:$0x2] =	wrdreg s24  }
0xaf: {  	[dreg:$0x3] =	wrdreg s2  }
0xb0: {  	[dreg:$0x4] =	wrdreg $0x0  }
0xb1: {  	[dreg:$0x5] =	wrdreg $0x9  }
0xb2: {  	_ =	task.clear_ibuf [dreg:s7], $0x6FFFF;
	_ =	strace $0x90000046  }
0xb3: {  	s29 =	simm.s32 $0x9;
	_ =	strace $0x80000048  }
0xb4: {  	_ =	swait.ge [sflag:s29], $0x1  }
0xb5: {  	[sflag:s29] =	ssyncadd.s32 $0xFFFFFFFF  }
0xb6: {  	_ =	strace $0x90000048  }
0xb7: {  	_ =	sfence  }
0xb8: {  	s30 =	sld [smem:$0x0];
	_ =	sdelay $0x2  }
0xb9: {  	s31 =	sshll.u32 s1, $0xD;
	s1 =	sshrl.u32 s1, $0x2  }
0xba: {  	s3 =	sand.u32 $0x4000, s31;
	s1 =	sadd.s32 s1, s30  }
0xbb: {  	s0 =	sor.u32 s3, s0;
	s1 =	sshll.u32 s1, $0x11  }
0xbc: {  	s0 =	sor.u32 s1, s0  }
0xbd: {  	s0 =	sadd.s32 $0x8F2B, s0  }
0xbe: {  	[sflag:s0] =	ssyncadd.remote.s32 $0x1  }
0xbf: {  	_ =	sfence.sel $0xFFFF  }
0xc0: {  	[dreg:$0x0] =	wrdreg $0xFFFFFFFF;
	(pc) =	sbr.abs _section_cstart, $3  }
0xc1: {  	[dreg:$0x1] =	wrdreg $0xFFFFFFFF  }
0xc2: {  	_ =	task.clear_ibuf [dreg:s7], $0x2FFFF;
	_ =	strace $0x9FFFFFFF  }
0xc3: {  	(tm) =	ssettm $0x7FFFFFFF  }
tec
execute0_lowered:
.L_overlay_start_1:
0x0: {  	(tag) =	ssettag $0x1  }
0x1: {  	s0 =	rddreg [dreg:$0x0]  }
0x2: {  	s1 =	rddreg [dreg:$0x1]  }
0x3: {  	s2 =	rddreg [dreg:$0x2];
	s3 =	simm.s32 $0x0;
	s5 =	srdreg.scid  }
0x4: {  	s14 =	stileid.u32;
	s29 =	simm.s32 $0x1A800;
	s31 =	simm.s32 $0x1BC00  }
0x5: {  	[smem:$0x7FF] =	sst s3;
	s4 =	sadd.s32 $0x41E00, s0;
	s7 =	sadd.s32 $0x1C00, s0  }
0x6: {  	s5 =	sand.u32 $0x1, s5;
	s6 =	sadd.s32 $0x69000, s0;
	s8 =	sadd.s32 $0x69400, s0  }
0x7: {  	s0 =	sadd.s32 $0x1A9400, s0;
	s11 =	smul.u32 $0x280, s14;
	s12 =	sshll.u32 s14, $0xE  }
0x8: {  	s14 =	smul.u32 $0x50000, s14;
	_ =	strace $0x80000047;
	s9 =	ssub.s32 $0x2, s5  }
0x9: {  	s13 =	sshll.u32 s5, $0x14;
	s16 =	smul.u32 $0xA000, s5;
	s15 =	sshll.u32 s5, $0x2  }
0xa: {  	s5 =	sshllo.u32 s5, $0x2;
	s10 =	sshrl.u32 s9, $0x1;
	s13 =	sor.u32 s12, s13  }
0xb: {  	s17 =	sor.u32 $0x1, s15;
	s14 =	sshrl.u32 s14, $0x2;
	s20 =	sor.u32 $0x2, s15  }
0xc: {  	s24 =	smul.u32 $0x2800, s5;
	s5 =	sshll.u32 s5, $0x12;
	s15 =	simm.s32 $0x17E80  }
0xd: {  	s9 =	ssub.s32 s9, s10;
	s13 =	sshrl.u32 s13, $0x3;
	s10 =	sadd.s32 s11, s16  }
0xe: {  	s16 =	smul.u32 $0x2800, s17;
	s14 =	sadd.s32 s14, s2;
	s22 =	sshll.u32 s20, $0x12  }
0xf: {  	s5 =	sor.u32 s12, s5;
	s13 =	sadd.s32 s7, s13;
	s10 =	sshll.u32 s10, $0x4  }
0x10: {  	[dreg:$0x5] =	wrdreg s14;
	s14 =	smul.u32 $0x2800, s20;
	s5 =	sshrl.u32 s5, $0x3  }
0x11: {  	s30 =	smax.u32 s9, $0x1;
	s9 =	simm.s32 $0x5;
	[dreg:$0x4] =	wrdreg s13  }
0x12: {  	s18 =	sadd.s32 s8, s10;
	s13 =	sshll.u32 s17, $0x12;
	s10 =	sadd.s32 s0, s10  }
0x13: {  	s19 =	sadd.s32 s11, s16;
	s5 =	sadd.s32 s7, s5;
	[dreg:$0x11] =	wrdreg s30  }
0x14: {  	s16 =	simm.s32 $0x17F80;
	s17 =	simm.s32 $0x14080;
	[dreg:$0x6] =	wrdreg s18  }
0x15: {  	[dreg:$0x7] =	wrdreg s10;
	s13 =	sor.u32 s12, s13;
	s10 =	sshll.u32 s19, $0x4  }
0x16: {  	s14 =	sadd.s32 s11, s14;
	s11 =	sadd.s32 s11, s24;
	[dreg:$0xe] =	wrdreg s5  }
0x17: {  	s24 =	simm.s32 $0x18000;
	s5 =	simm.s32 $0x2;
	s18 =	simm.s32 $0x14180  }
0x18: {  	s19 =	simm.s32 $0x0;
	s13 =	sshrl.u32 s13, $0x3;
	s21 =	sadd.s32 s8, s10  }
0x19: {  	s10 =	sadd.s32 s0, s10;
	s25 =	sshll.u32 s14, $0x4;
	[dreg:$0x9] =	wrdreg s21  }
0x1a: {  	s11 =	sshll.u32 s11, $0x4;
	s13 =	sadd.s32 s7, s13;
	[dreg:$0xa] =	wrdreg s10  }
0x1b: {  	s14 =	simm.s32 $0x17D80;
	s26 =	sadd.s32 s8, s25;
	[dreg:$0x8] =	wrdreg s13  }
0x1c: {  	s28 =	sadd.s32 s8, s11;
	s21 =	simm.s32 $0x14000;
	[dreg:$0xc] =	wrdreg s26  }
0x1d: {  	s8 =	simm.s32 $0x4;
	s13 =	sor.u32 s12, s22;
	[dreg:$0xf] =	wrdreg s28  }
0x1e: {  	s22 =	simm.s32 $0x9;
	s26 =	simm.s32 $0x19400;
	s23 =	sshrl.u32 s13, $0x3  }
0x1f: {  	s12 =	simm.s32 $0x8;
	s10 =	sadd.s32 s7, s23;
	s23 =	simm.s32 $0x28  }
0x20: {  	s7 =	simm.s32 $0x3;
	[dreg:$0xb] =	wrdreg s10;
	s10 =	sadd.s32 s0, s25  }
0x21: {  	s0 =	sadd.s32 s0, s11;
	s11 =	simm.s32 $0x7;
	[dreg:$0xd] =	wrdreg s10  }
0x22: {  	[dreg:$0x10] =	wrdreg s0;
	s0 =	simm.s32 $0x1;
	s10 =	simm.s32 $0x6  }
.LBB2_1:
0x23: {  	s13 =	rddreg [dreg:$0x4]  }
0x24: {  	[tilespmem:s21], [sflag:$0x9] =	stream.linear.gather [hbm4b:s13+s3], $0x4000, $0x38;
	[tilespmem:$0x1D000] =	vst v63  }
0x25: {  	s20 =	stileid.u32;
	_ =	swait.ge [sflag:s22], $0x4000  }
0x26: {  	s20 =	sshll.u32 s20, $0x6;
	[sflag:s22] =	ssyncset.done $0x0;
	s25 =	rddreg [dreg:$0x5]  }
0x27: {  	s20 =	sor.u32 $0x1C09, s20;
	[sflag:s22] =	ssyncadd.s32 $0xFFFFC000;
	s25 =	sshrl.u32 s25, $0x3  }
0x28: {  	[spmem:s25], [sflag:s20] =	dma.local [hbm:s1], $0x2800  }
0x29: {  	_ =	swait.ge [sflag:s22], $0x2800  }
0x2a: {  	[sflag:s22] =	ssyncset.done $0x0  }
0x2b: {  	[sflag:s22] =	ssyncadd.s32 $0xFFFFD800  }
0x2c: {  	[bflag:$0x0] =	sbarrier.arrive $0xFFFF  }
0x2d: {  	[tilespmem:s24], [sflag:$0x1] =	stream.indirect.gather [hbm4b:s4+s23], $0x80, s21, s23, $0xb8;
	[tilespmem:$0x1D000] =	vst v63  }
0x2e: {  	s13 =	simm.s32 $0x14100  }
0x2f: {  	[tilespmem:s26], [sflag:$0x2] =	stream.indirect.gather [hbm4b:s4+s23], $0x80, s13, s23, $0xb8;
	[tilespmem:$0x1D000] =	vst v63  }
0x30: {  	s13 =	simm.s32 $0x14200  }
0x31: {  	[tilespmem:s29], [sflag:$0x3] =	stream.indirect.gather [hbm4b:s4+s23], $0x80, s13, s23, $0xb8;
	[tilespmem:$0x1D000] =	vst v63  }
0x32: {  	s13 =	simm.s32 $0x14300  }
0x33: {  	[tilespmem:s31], [sflag:$0x4] =	stream.indirect.gather [hbm4b:s4+s23], $0x80, s13, s23, $0xb8;
	[tilespmem:$0x1D000] =	vst v63  }
0x34: {  	_ =	swait.ge [sflag:s0], $0x1400  }
0x35: {  	[sflag:s0] =	ssyncset.done $0x0  }
0x36: {  	s28 =	simm.s32 $0x14080;
	[sflag:s0] =	ssyncadd.s32 $0xFFFFEC00  }
0x37: {  	[spmem:s2] =	stream.indirect.scatter.add.f32 [tilespmem:s24], [sflag:$0x5], $0x80, s28, s23, $0xb8;
	[tilespmem:$0x1D000] =	vst v63  }
0x38: {  	_ =	swait.ge [sflag:s5], $0x1400  }
0x39: {  	[sflag:s5] =	ssyncset.done $0x0  }
0x3a: {  	s28 =	simm.s32 $0x14180;
	[sflag:s5] =	ssyncadd.s32 $0xFFFFEC00  }
0x3b: {  	[spmem:s2] =	stream.indirect.scatter.add.f32 [tilespmem:s26], [sflag:$0x6], $0x80, s28, s23, $0xb8;
	[tilespmem:$0x1D000] =	vst v63  }
0x3c: {  	_ =	swait.ge [sflag:s7], $0x1400  }
0x3d: {  	[sflag:s7] =	ssyncset.done $0x0  }
0x3e: {  	s28 =	simm.s32 $0x14280;
	[sflag:s7] =	ssyncadd.s32 $0xFFFFEC00  }
0x3f: {  	[spmem:s2] =	stream.indirect.scatter.add.f32 [tilespmem:s29], [sflag:$0x7], $0x80, s28, s23, $0xb8;
	[tilespmem:$0x1D000] =	vst v63  }
0x40: {  	_ =	swait.ge [sflag:s8], $0x1400  }
0x41: {  	[sflag:s8] =	ssyncset.done $0x0  }
0x42: {  	s28 =	simm.s32 $0x14380;
	[sflag:s8] =	ssyncadd.s32 $0xFFFFEC00  }
0x43: {  	[spmem:s2] =	stream.indirect.scatter.add.f32 [tilespmem:s31], [sflag:$0x8], $0x80, s28, s23, $0xb8;
	[tilespmem:$0x1D000] =	vst v63  }
0x44: {  	_ =	swait.ge [sflag:s9], $0x1400  }
0x45: {  	[sflag:s9] =	ssyncset.done $0x0  }
0x46: {  	s28 =	simm.s32 $0x14400;
	[sflag:s9] =	ssyncadd.s32 $0xFFFFEC00  }
0x47: {  	[tilespmem:s24], [sflag:$0x1] =	stream.indirect.gather [hbm4b:s4+s23], $0x80, s28, s23, $0xb8;
	[tilespmem:$0x1D000] =	vst v63  }
0x48: {  	_ =	swait.ge [sflag:s10], $0x1400  }
0x49: {  	[sflag:s10] =	ssyncset.done $0x0  }
0x4a: {  	s28 =	simm.s32 $0x14500;
	[sflag:s10] =	ssyncadd.s32 $0xFFFFEC00  }
0x4b: {  	[tilespmem:s26], [sflag:$0x2] =	stream.indirect.gather [hbm4b:s4+s23], $0x80, s28, s23, $0xb8;
	[tilespmem:$0x1D000] =	vst v63  }
0x4c: {  	_ =	swait.ge [sflag:s11], $0x1400  }
0x4d: {  	[sflag:s11] =	ssyncset.done $0x0  }
0x4e: {  	s28 =	simm.s32 $0x14600;
	[sflag:s11] =	ssyncadd.s32 $0xFFFFEC00  }
0x4f: {  	[tilespmem:s29], [sflag:$0x3] =	stream.indirect.gather [hbm4b:s4+s23], $0x80, s28, s23, $0xb8;
	[tilespmem:$0x1D000] =	vst v63  }
0x50: {  	_ =	swait.ge [sflag:s12], $0x1400  }
0x51: {  	[sflag:s12] =	ssyncset.done $0x0  }
0x52: {  	s30 =	simm.s32 $0x14700;
	s28 =	simm.s32 $0x1000;
	[sflag:s12] =	ssyncadd.s32 $0xFFFFEC00  }
.LBB2_2:
0x53: {  	[tilespmem:s31], [sflag:$0x4] =	stream.indirect.gather [hbm4b:s4+s23], $0x80, s30, s23, $0xb8;
	[tilespmem:$0x1D000] =	vst v63  }
0x54: {  	s30 =	smov.u32 s28  }
0x55: {  	p0 =	sne.s32 s28, $0xE000;
	s28 =	sadd.s32 $0x1000, s28;
	_ =	swait.ge [sflag:s0], $0x1400  }
0x56: {  	s30 =	sshra.s32 s30, $0x2;
	[sflag:s0] =	ssyncset.done $0x0  }
0x57: {  	s13 =	sadd.s32 $0x14080, s30;
	[sflag:s0] =	ssyncadd.s32 $0xFFFFEC00  }
0x58: {  	[spmem:s2] =	stream.indirect.scatter.add.f32 [tilespmem:s24], [sflag:$0x5], $0x80, s13, s23, $0xb8;
	[tilespmem:$0x1D000] =	vst v63  }
0x59: {  	_ =	swait.ge [sflag:s5], $0x1400  }
0x5a: {  	[sflag:s5] =	ssyncset.done $0x0  }
0x5b: {  	s13 =	sadd.s32 $0x14180, s30;
	[sflag:s5] =	ssyncadd.s32 $0xFFFFEC00  }
0x5c: {  	[spmem:s2] =	stream.indirect.scatter.add.f32 [tilespmem:s26], [sflag:$0x6], $0x80, s13, s23, $0xb8;
	[tilespmem:$0x1D000] =	vst v63  }
0x5d: {  	_ =	swait.ge [sflag:s7], $0x1400  }
0x5e: {  	[sflag:s7] =	ssyncset.done $0x0  }
0x5f: {  	s13 =	sadd.s32 $0x14280, s30;
	[sflag:s7] =	ssyncadd.s32 $0xFFFFEC00  }
0x60: {  	[spmem:s2] =	stream.indirect.scatter.add.f32 [tilespmem:s29], [sflag:$0x7], $0x80, s13, s23, $0xb8;
	[tilespmem:$0x1D000] =	vst v63  }
0x61: {  	_ =	swait.ge [sflag:s8], $0x1400  }
0x62: {  	[sflag:s8] =	ssyncset.done $0x0  }
0x63: {  	s13 =	sadd.s32 $0x14380, s30;
	[sflag:s8] =	ssyncadd.s32 $0xFFFFEC00  }
0x64: {  	[spmem:s2] =	stream.indirect.scatter.add.f32 [tilespmem:s31], [sflag:$0x8], $0x80, s13, s23, $0xb8;
	[tilespmem:$0x1D000] =	vst v63  }
0x65: {  	_ =	swait.ge [sflag:s9], $0x1400  }
0x66: {  	[sflag:s9] =	ssyncset.done $0x0  }
0x67: {  	s13 =	sadd.s32 $0x14400, s30;
	[sflag:s9] =	ssyncadd.s32 $0xFFFFEC00  }
0x68: {  	[tilespmem:s24], [sflag:$0x1] =	stream.indirect.gather [hbm4b:s4+s23], $0x80, s13, s23, $0xb8;
	[tilespmem:$0x1D000] =	vst v63  }
0x69: {  	_ =	swait.ge [sflag:s10], $0x1400  }
0x6a: {  	[sflag:s10] =	ssyncset.done $0x0  }
0x6b: {  	s13 =	sadd.s32 $0x14500, s30;
	[sflag:s10] =	ssyncadd.s32 $0xFFFFEC00  }
0x6c: {  	[tilespmem:s26], [sflag:$0x2] =	stream.indirect.gather [hbm4b:s4+s23], $0x80, s13, s23, $0xb8;
	[tilespmem:$0x1D000] =	vst v63  }
0x6d: {  	_ =	swait.ge [sflag:s11], $0x1400  }
0x6e: {  	[sflag:s11] =	ssyncset.done $0x0  }
.Ltmp0:
0x6f: {  	s13 =	sadd.s32 $0x14600, s30;
	[sflag:s11] =	ssyncadd.s32 $0xFFFFEC00;
	(pc) =	sbr.rel @p0 .LBB2_2-.Ltmp0, $4  }
0x70: {  	[tilespmem:s29], [sflag:$0x3] =	stream.indirect.gather [hbm4b:s4+s23], $0x80, s13, s23, $0xb8;
	[tilespmem:$0x1D000] =	vst v63  }
0x71: {  	_ =	swait.ge [sflag:s12], $0x1400  }
0x72: {  	[sflag:s12] =	ssyncset.done $0x0  }
0x73: {  	s30 =	sadd.s32 $0x14700, s30;
	[sflag:s12] =	ssyncadd.s32 $0xFFFFEC00  }
0x74: {  	[tilespmem:s31], [sflag:$0x4] =	stream.indirect.gather [hbm4b:s4+s23], $0x80, s30, s23, $0xb8;
	[tilespmem:$0x1D000] =	vst v63  }
0x75: {  	_ =	swait.ge [sflag:s0], $0x1400  }
0x76: {  	[sflag:s0] =	ssyncset.done $0x0  }
0x77: {  	s13 =	simm.s32 $0x17C80;
	[sflag:s0] =	ssyncadd.s32 $0xFFFFEC00  }
0x78: {  	[spmem:s2] =	stream.indirect.scatter.add.f32 [tilespmem:s24], [sflag:$0x5], $0x80, s13, s23, $0xb8;
	[tilespmem:$0x1D000] =	vst v63  }
0x79: {  	_ =	swait.ge [sflag:s5], $0x1400  }
0x7a: {  	[sflag:s5] =	ssyncset.done $0x0  }
0x7b: {  	[sflag:s5] =	ssyncadd.s32 $0xFFFFEC00  }
0x7c: {  	[spmem:s2] =	stream.indirect.scatter.add.f32 [tilespmem:s26], [sflag:$0x6], $0x80, s14, s23, $0xb8;
	[tilespmem:$0x1D000] =	vst v63  }
0x7d: {  	_ =	swait.ge [sflag:s7], $0x1400  }
0x7e: {  	[sflag:s7] =	ssyncset.done $0x0  }
0x7f: {  	[sflag:s7] =	ssyncadd.s32 $0xFFFFEC00  }
0x80: {  	[spmem:s2] =	stream.indirect.scatter.add.f32 [tilespmem:s29], [sflag:$0x7], $0x80, s15, s23, $0xb8;
	[tilespmem:$0x1D000] =	vst v63  }
0x81: {  	_ =	swait.ge [sflag:s8], $0x1400  }
0x82: {  	[sflag:s8] =	ssyncset.done $0x0  }
0x83: {  	[sflag:s8] =	ssyncadd.s32 $0xFFFFEC00  }
0x84: {  	[spmem:s2] =	stream.indirect.scatter.add.f32 [tilespmem:s31], [sflag:$0x8], $0x80, s16, s23, $0xb8;
	[tilespmem:$0x1D000] =	vst v63  }
0x85: {  	_ =	swait.ge [sflag:s9], $0x1400  }
0x86: {  	[sflag:s9] =	ssyncset.done $0x0  }
0x87: {  	[sflag:s9] =	ssyncadd.s32 $0xFFFFEC00  }
0x88: {  	_ =	swait.ge [sflag:s10], $0x1400  }
0x89: {  	[sflag:s10] =	ssyncset.done $0x0  }
0x8a: {  	[sflag:s10] =	ssyncadd.s32 $0xFFFFEC00  }
0x8b: {  	_ =	swait.ge [sflag:s11], $0x1400  }
0x8c: {  	[sflag:s11] =	ssyncset.done $0x0  }
0x8d: {  	[sflag:s11] =	ssyncadd.s32 $0xFFFFEC00  }
0x8e: {  	_ =	swait.ge [sflag:s12], $0x1400  }
0x8f: {  	[sflag:s12] =	ssyncset.done $0x0  }
0x90: {  	[sflag:s12] =	ssyncadd.s32 $0xFFFFEC00  }
0x91: {  	[bflag:$0x0] =	sbarrier.arrive $0xFFFF  }
0x92: {  	s13 =	rddreg [dreg:$0x6]  }
0x93: {  	[hbm:s13], [sflag:s20] =	dma.local [spmem:s25], $0x2800  }
0x94: {  	_ =	swait.ge [sflag:s22], $0x2800  }
0x95: {  	[sflag:s22] =	ssyncset.done $0x0  }
0x96: {  	[sflag:s22] =	ssyncadd.s32 $0xFFFFD800  }
0x97: {  	[spmem:s25], [sflag:s20] =	dma.local [hbm:s1], $0x2800  }
0x98: {  	_ =	swait.ge [sflag:s22], $0x2800  }
0x99: {  	[sflag:s22] =	ssyncset.done $0x0  }
0x9a: {  	[sflag:s22] =	ssyncadd.s32 $0xFFFFD800  }
0x9b: {  	[tilespmem:s24], [sflag:$0x9] =	stream.linear.gather [hbm4b:s6+s3], $0x1400, $0x38;
	[tilespmem:$0x1D000] =	vst v63  }
0x9c: {  	_ =	swait.ge [sflag:s22], $0x1400  }
0x9d: {  	[sflag:s22] =	ssyncset.done $0x0  }
0x9e: {  	[sflag:s22] =	ssyncadd.s32 $0xFFFFEC00  }
0x9f: {  	[bflag:$0x0] =	sbarrier.arrive $0xFFFF  }
0xa0: {  	[spmem:s2] =	stream.indirect.scatter.add.f32 [tilespmem:s24], [sflag:$0x5], $0x80, s17, s23, $0xb8;
	[tilespmem:$0x1D000] =	vst v63  }
0xa1: {  	_ = 	snop  }
0xa2: {  	[spmem:s2] =	stream.indirect.scatter.add.f32 [tilespmem:s24], [sflag:$0x6], $0x80, s18, s23, $0xb8;
	[tilespmem:$0x1D000] =	vst v63  }
0xa3: {  	_ =	swait.ge [sflag:s9], $0x1400  }
0xa4: {  	[sflag:s9] =	ssyncset.done $0x0  }
0xa5: {  	s13 =	simm.s32 $0x14280;
	[sflag:s9] =	ssyncadd.s32 $0xFFFFEC00  }
0xa6: {  	[spmem:s2] =	stream.indirect.scatter.add.f32 [tilespmem:s24], [sflag:$0x5], $0x80, s13, s23, $0xb8;
	[tilespmem:$0x1D000] =	vst v63  }
0xa7: {  	_ =	swait.ge [sflag:s10], $0x1400  }
0xa8: {  	[sflag:s10] =	ssyncset.done $0x0  }
0xa9: {  	s28 =	simm.s32 $0xFFFF1000;
	s30 =	simm.s32 $0x14380;
	[sflag:s10] =	ssyncadd.s32 $0xFFFFEC00  }
.LBB2_4:
0xaa: {  	[spmem:s2] =	stream.indirect.scatter.add.f32 [tilespmem:s24], [sflag:$0x6], $0x80, s30, s23, $0xb8;
	[tilespmem:$0x1D000] =	vst v63  }
0xab: {  	s13 =	smov.u32 s28  }
0xac: {  	p0 =	sne.s32 s28, $0xFFFFF800;
	s28 =	sadd.s32 $0x800, s28;
	_ =	swait.ge [sflag:s9], $0x1400  }
0xad: {  	s13 =	sshra.s32 s13, $0x2;
	[sflag:s9] =	ssyncset.done $0x0  }
.Ltmp1:
0xae: {  	s30 =	sadd.s32 $0x18080, s13;
	[sflag:s9] =	ssyncadd.s32 $0xFFFFEC00;
	(pc) =	sbr.rel @p0 .LBB2_4-.Ltmp1, $4  }
0xaf: {  	[spmem:s2] =	stream.indirect.scatter.add.f32 [tilespmem:s24], [sflag:$0x5], $0x80, s30, s23, $0xb8;
	[tilespmem:$0x1D000] =	vst v63  }
0xb0: {  	_ =	swait.ge [sflag:s10], $0x1400  }
0xb1: {  	[sflag:s10] =	ssyncset.done $0x0  }
0xb2: {  	s30 =	sadd.s32 $0x18180, s13;
	[sflag:s10] =	ssyncadd.s32 $0xFFFFEC00  }
0xb3: {  	[spmem:s2] =	stream.indirect.scatter.add.f32 [tilespmem:s24], [sflag:$0x6], $0x80, s30, s23, $0xb8;
	[tilespmem:$0x1D000] =	vst v63  }
0xb4: {  	_ =	swait.ge [sflag:s9], $0x1400  }
0xb5: {  	[sflag:s9] =	ssyncset.done $0x0  }
0xb6: {  	[sflag:s9] =	ssyncadd.s32 $0xFFFFEC00  }
0xb7: {  	_ =	swait.ge [sflag:s10], $0x1400  }
0xb8: {  	[sflag:s10] =	ssyncset.done $0x0  }
0xb9: {  	[sflag:s10] =	ssyncadd.s32 $0xFFFFEC00  }
0xba: {  	[bflag:$0x0] =	sbarrier.arrive $0xFFFF  }
0xbb: {  	s13 =	rddreg [dreg:$0x7]  }
0xbc: {  	[hbm:s13], [sflag:s20] =	dma.local [spmem:s25], $0x2800  }
0xbd: {  	_ =	swait.ge [sflag:s22], $0x2800  }
0xbe: {  	[sflag:s22] =	ssyncset.done $0x0  }
0xbf: {  	s13 =	simm.s32 $0x0;
	s28 =	rddreg [dreg:$0x8];
	[sflag:s22] =	ssyncadd.s32 $0xFFFFD800  }
0xc0: {  	[tilespmem:s21], [sflag:$0x9] =	stream.linear.gather [hbm4b:s28+s13], $0x4000, $0x38;
	[tilespmem:$0x1D000] =	vst v63  }
0xc1: {  	_ =	swait.ge [sflag:s22], $0x4000  }
0xc2: {  	[sflag:s22] =	ssyncset.done $0x0  }
0xc3: {  	[sflag:s22] =	ssyncadd.s32 $0xFFFFC000  }
0xc4: {  	[spmem:s25], [sflag:s20] =	dma.local [hbm:s1], $0x2800  }
0xc5: {  	_ =	swait.ge [sflag:s22], $0x2800  }
0xc6: {  	[sflag:s22] =	ssyncset.done $0x0  }
0xc7: {  	[sflag:s22] =	ssyncadd.s32 $0xFFFFD800  }
0xc8: {  	[bflag:$0x0] =	sbarrier.arrive $0xFFFF  }
0xc9: {  	[tilespmem:s24], [sflag:$0x1] =	stream.indirect.gather [hbm4b:s4+s23], $0x80, s21, s23, $0xb8;
	[tilespmem:$0x1D000] =	vst v63  }
0xca: {  	s13 =	simm.s32 $0x14100  }
0xcb: {  	[tilespmem:s26], [sflag:$0x2] =	stream.indirect.gather [hbm4b:s4+s23], $0x80, s13, s23, $0xb8;
	[tilespmem:$0x1D000] =	vst v63  }
0xcc: {  	s13 =	simm.s32 $0x14200  }
0xcd: {  	[tilespmem:s29], [sflag:$0x3] =	stream.indirect.gather [hbm4b:s4+s23], $0x80, s13, s23, $0xb8;
	[tilespmem:$0x1D000] =	vst v63  }
0xce: {  	s13 =	simm.s32 $0x14300  }
0xcf: {  	[tilespmem:s31], [sflag:$0x4] =	stream.indirect.gather [hbm4b:s4+s23], $0x80, s13, s23, $0xb8;
	[tilespmem:$0x1D000] =	vst v63  }
0xd0: {  	_ =	swait.ge [sflag:s0], $0x1400  }
0xd1: {  	[sflag:s0] =	ssyncset.done $0x0  }
0xd2: {  	s13 =	simm.s32 $0x14080;
	[sflag:s0] =	ssyncadd.s32 $0xFFFFEC00  }
0xd3: {  	[spmem:s2] =	stream.indirect.scatter.add.f32 [tilespmem:s24], [sflag:$0x5], $0x80, s13, s23, $0xb8;
	[tilespmem:$0x1D000] =	vst v63  }
0xd4: {  	_ =	swait.ge [sflag:s5], $0x1400  }
0xd5: {  	[sflag:s5] =	ssyncset.done $0x0  }
0xd6: {  	s13 =	simm.s32 $0x14180;
	[sflag:s5] =	ssyncadd.s32 $0xFFFFEC00  }
0xd7: {  	[spmem:s2] =	stream.indirect.scatter.add.f32 [tilespmem:s26], [sflag:$0x6], $0x80, s13, s23, $0xb8;
	[tilespmem:$0x1D000] =	vst v63  }
0xd8: {  	_ =	swait.ge [sflag:s7], $0x1400  }
0xd9: {  	[sflag:s7] =	ssyncset.done $0x0  }
0xda: {  	s13 =	simm.s32 $0x14280;
	[sflag:s7] =	ssyncadd.s32 $0xFFFFEC00  }
0xdb: {  	[spmem:s2] =	stream.indirect.scatter.add.f32 [tilespmem:s29], [sflag:$0x7], $0x80, s13, s23, $0xb8;
	[tilespmem:$0x1D000] =	vst v63  }
0xdc: {  	_ =	swait.ge [sflag:s8], $0x1400  }
0xdd: {  	[sflag:s8] =	ssyncset.done $0x0  }
0xde: {  	s13 =	simm.s32 $0x14380;
	[sflag:s8] =	ssyncadd.s32 $0xFFFFEC00  }
0xdf: {  	[spmem:s2] =	stream.indirect.scatter.add.f32 [tilespmem:s31], [sflag:$0x8], $0x80, s13, s23, $0xb8;
	[tilespmem:$0x1D000] =	vst v63  }
0xe0: {  	_ =	swait.ge [sflag:s9], $0x1400  }
0xe1: {  	[sflag:s9] =	ssyncset.done $0x0  }
0xe2: {  	s13 =	simm.s32 $0x14400;
	[sflag:s9] =	ssyncadd.s32 $0xFFFFEC00  }
0xe3: {  	[tilespmem:s24], [sflag:$0x1] =	stream.indirect.gather [hbm4b:s4+s23], $0x80, s13, s23, $0xb8;
	[tilespmem:$0x1D000] =	vst v63  }
0xe4: {  	_ =	swait.ge [sflag:s10], $0x1400  }
0xe5: {  	[sflag:s10] =	ssyncset.done $0x0  }
0xe6: {  	s13 =	simm.s32 $0x14500;
	[sflag:s10] =	ssyncadd.s32 $0xFFFFEC00  }
0xe7: {  	[tilespmem:s26], [sflag:$0x2] =	stream.indirect.gather [hbm4b:s4+s23], $0x80, s13, s23, $0xb8;
	[tilespmem:$0x1D000] =	vst v63  }
0xe8: {  	_ =	swait.ge [sflag:s11], $0x1400  }
0xe9: {  	[sflag:s11] =	ssyncset.done $0x0  }
0xea: {  	s13 =	simm.s32 $0x14600;
	[sflag:s11] =	ssyncadd.s32 $0xFFFFEC00  }
0xeb: {  	[tilespmem:s29], [sflag:$0x3] =	stream.indirect.gather [hbm4b:s4+s23], $0x80, s13, s23, $0xb8;
	[tilespmem:$0x1D000] =	vst v63  }
0xec: {  	_ =	swait.ge [sflag:s12], $0x1400  }
0xed: {  	[sflag:s12] =	ssyncset.done $0x0  }
0xee: {  	s30 =	simm.s32 $0x14700;
	s28 =	simm.s32 $0x1000;
	[sflag:s12] =	ssyncadd.s32 $0xFFFFEC00  }
.LBB2_6:
0xef: {  	[tilespmem:s31], [sflag:$0x4] =	stream.indirect.gather [hbm4b:s4+s23], $0x80, s30, s23, $0xb8;
	[tilespmem:$0x1D000] =	vst v63  }
0xf0: {  	s13 =	smov.u32 s28  }
0xf1: {  	p0 =	sne.s32 s28, $0xE000;
	s28 =	sadd.s32 $0x1000, s28;
	_ =	swait.ge [sflag:s0], $0x1400  }
0xf2: {  	s30 =	sshra.s32 s13, $0x2;
	[sflag:s0] =	ssyncset.done $0x0  }
0xf3: {  	s13 =	sadd.s32 $0x14080, s30;
	[sflag:s0] =	ssyncadd.s32 $0xFFFFEC00  }
0xf4: {  	[spmem:s2] =	stream.indirect.scatter.add.f32 [tilespmem:s24], [sflag:$0x5], $0x80, s13, s23, $0xb8;
	[tilespmem:$0x1D000] =	vst v63  }
0xf5: {  	_ =	swait.ge [sflag:s5], $0x1400  }
0xf6: {  	[sflag:s5] =	ssyncset.done $0x0  }
0xf7: {  	s13 =	sadd.s32 $0x14180, s30;
	[sflag:s5] =	ssyncadd.s32 $0xFFFFEC00  }
0xf8: {  	[spmem:s2] =	stream.indirect.scatter.add.f32 [tilespmem:s26], [sflag:$0x6], $0x80, s13, s23, $0xb8;
	[tilespmem:$0x1D000] =	vst v63  }
0xf9: {  	_ =	swait.ge [sflag:s7], $0x1400  }
0xfa: {  	[sflag:s7] =	ssyncset.done $0x0  }
0xfb: {  	s13 =	sadd.s32 $0x14280, s30;
	[sflag:s7] =	ssyncadd.s32 $0xFFFFEC00  }
0xfc: {  	[spmem:s2] =	stream.indirect.scatter.add.f32 [tilespmem:s29], [sflag:$0x7], $0x80, s13, s23, $0xb8;
	[tilespmem:$0x1D000] =	vst v63  }
0xfd: {  	_ =	swait.ge [sflag:s8], $0x1400  }
0xfe: {  	[sflag:s8] =	ssyncset.done $0x0  }
0xff: {  	s13 =	sadd.s32 $0x14380, s30;
	[sflag:s8] =	ssyncadd.s32 $0xFFFFEC00  }
0x100: {  	[spmem:s2] =	stream.indirect.scatter.add.f32 [tilespmem:s31], [sflag:$0x8], $0x80, s13, s23, $0xb8;
	[tilespmem:$0x1D000] =	vst v63  }
0x101: {  	_ =	swait.ge [sflag:s9], $0x1400  }
0x102: {  	[sflag:s9] =	ssyncset.done $0x0  }
0x103: {  	s13 =	sadd.s32 $0x14400, s30;
	[sflag:s9] =	ssyncadd.s32 $0xFFFFEC00  }
0x104: {  	[tilespmem:s24], [sflag:$0x1] =	stream.indirect.gather [hbm4b:s4+s23], $0x80, s13, s23, $0xb8;
	[tilespmem:$0x1D000] =	vst v63  }
0x105: {  	_ =	swait.ge [sflag:s10], $0x1400  }
0x106: {  	[sflag:s10] =	ssyncset.done $0x0  }
0x107: {  	s13 =	sadd.s32 $0x14500, s30;
	[sflag:s10] =	ssyncadd.s32 $0xFFFFEC00  }
0x108: {  	[tilespmem:s26], [sflag:$0x2] =	stream.indirect.gather [hbm4b:s4+s23], $0x80, s13, s23, $0xb8;
	[tilespmem:$0x1D000] =	vst v63  }
0x109: {  	_ =	swait.ge [sflag:s11], $0x1400  }
0x10a: {  	[sflag:s11] =	ssyncset.done $0x0  }
.Ltmp2:
0x10b: {  	s13 =	sadd.s32 $0x14600, s30;
	[sflag:s11] =	ssyncadd.s32 $0xFFFFEC00;
	(pc) =	sbr.rel @p0 .LBB2_6-.Ltmp2, $4  }
0x10c: {  	[tilespmem:s29], [sflag:$0x3] =	stream.indirect.gather [hbm4b:s4+s23], $0x80, s13, s23, $0xb8;
	[tilespmem:$0x1D000] =	vst v63  }
0x10d: {  	_ =	swait.ge [sflag:s12], $0x1400  }
0x10e: {  	[sflag:s12] =	ssyncset.done $0x0  }
0x10f: {  	s30 =	sadd.s32 $0x14700, s30;
	[sflag:s12] =	ssyncadd.s32 $0xFFFFEC00  }
0x110: {  	[tilespmem:s31], [sflag:$0x4] =	stream.indirect.gather [hbm4b:s4+s23], $0x80, s30, s23, $0xb8;
	[tilespmem:$0x1D000] =	vst v63  }
0x111: {  	_ =	swait.ge [sflag:s0], $0x1400  }
0x112: {  	[sflag:s0] =	ssyncset.done $0x0  }
0x113: {  	s13 =	simm.s32 $0x17C80;
	[sflag:s0] =	ssyncadd.s32 $0xFFFFEC00  }
0x114: {  	[spmem:s2] =	stream.indirect.scatter.add.f32 [tilespmem:s24], [sflag:$0x5], $0x80, s13, s23, $0xb8;
	[tilespmem:$0x1D000] =	vst v63  }
0x115: {  	_ =	swait.ge [sflag:s5], $0x1400  }
0x116: {  	[sflag:s5] =	ssyncset.done $0x0  }
0x117: {  	[sflag:s5] =	ssyncadd.s32 $0xFFFFEC00  }
0x118: {  	[spmem:s2] =	stream.indirect.scatter.add.f32 [tilespmem:s26], [sflag:$0x6], $0x80, s14, s23, $0xb8;
	[tilespmem:$0x1D000] =	vst v63  }
0x119: {  	_ =	swait.ge [sflag:s7], $0x1400  }
0x11a: {  	[sflag:s7] =	ssyncset.done $0x0  }
0x11b: {  	[sflag:s7] =	ssyncadd.s32 $0xFFFFEC00  }
0x11c: {  	[spmem:s2] =	stream.indirect.scatter.add.f32 [tilespmem:s29], [sflag:$0x7], $0x80, s15, s23, $0xb8;
	[tilespmem:$0x1D000] =	vst v63  }
0x11d: {  	_ =	swait.ge [sflag:s8], $0x1400  }
0x11e: {  	[sflag:s8] =	ssyncset.done $0x0  }
0x11f: {  	[sflag:s8] =	ssyncadd.s32 $0xFFFFEC00  }
0x120: {  	[spmem:s2] =	stream.indirect.scatter.add.f32 [tilespmem:s31], [sflag:$0x8], $0x80, s16, s23, $0xb8;
	[tilespmem:$0x1D000] =	vst v63  }
0x121: {  	_ =	swait.ge [sflag:s9], $0x1400  }
0x122: {  	[sflag:s9] =	ssyncset.done $0x0  }
0x123: {  	[sflag:s9] =	ssyncadd.s32 $0xFFFFEC00  }
0x124: {  	_ =	swait.ge [sflag:s10], $0x1400  }
0x125: {  	[sflag:s10] =	ssyncset.done $0x0  }
0x126: {  	[sflag:s10] =	ssyncadd.s32 $0xFFFFEC00  }
0x127: {  	_ =	swait.ge [sflag:s11], $0x1400  }
0x128: {  	[sflag:s11] =	ssyncset.done $0x0  }
0x129: {  	[sflag:s11] =	ssyncadd.s32 $0xFFFFEC00  }
0x12a: {  	_ =	swait.ge [sflag:s12], $0x1400  }
0x12b: {  	[sflag:s12] =	ssyncset.done $0x0  }
0x12c: {  	[sflag:s12] =	ssyncadd.s32 $0xFFFFEC00  }
0x12d: {  	[bflag:$0x0] =	sbarrier.arrive $0xFFFF  }
0x12e: {  	s13 =	rddreg [dreg:$0x9]  }
0x12f: {  	[hbm:s13], [sflag:s20] =	dma.local [spmem:s25], $0x2800  }
0x130: {  	_ =	swait.ge [sflag:s22], $0x2800  }
0x131: {  	[sflag:s22] =	ssyncset.done $0x0  }
0x132: {  	[sflag:s22] =	ssyncadd.s32 $0xFFFFD800  }
0x133: {  	[spmem:s25], [sflag:s20] =	dma.local [hbm:s1], $0x2800  }
0x134: {  	_ =	swait.ge [sflag:s22], $0x2800  }
0x135: {  	[sflag:s22] =	ssyncset.done $0x0  }
0x136: {  	[sflag:s22] =	ssyncadd.s32 $0xFFFFD800  }
0x137: {  	[tilespmem:s24], [sflag:$0x9] =	stream.linear.gather [hbm4b:s6+s3], $0x1400, $0x38;
	[tilespmem:$0x1D000] =	vst v63  }
0x138: {  	_ =	swait.ge [sflag:s22], $0x1400  }
0x139: {  	[sflag:s22] =	ssyncset.done $0x0  }
0x13a: {  	[sflag:s22] =	ssyncadd.s32 $0xFFFFEC00  }
0x13b: {  	[bflag:$0x0] =	sbarrier.arrive $0xFFFF  }
0x13c: {  	[spmem:s2] =	stream.indirect.scatter.add.f32 [tilespmem:s24], [sflag:$0x5], $0x80, s17, s23, $0xb8;
	[tilespmem:$0x1D000] =	vst v63  }
0x13d: {  	_ = 	snop  }
0x13e: {  	[spmem:s2] =	stream.indirect.scatter.add.f32 [tilespmem:s24], [sflag:$0x6], $0x80, s18, s23, $0xb8;
	[tilespmem:$0x1D000] =	vst v63  }
0x13f: {  	_ =	swait.ge [sflag:s9], $0x1400  }
0x140: {  	[sflag:s9] =	ssyncset.done $0x0  }
0x141: {  	s13 =	simm.s32 $0x14280;
	[sflag:s9] =	ssyncadd.s32 $0xFFFFEC00  }
0x142: {  	[spmem:s2] =	stream.indirect.scatter.add.f32 [tilespmem:s24], [sflag:$0x5], $0x80, s13, s23, $0xb8;
	[tilespmem:$0x1D000] =	vst v63  }
0x143: {  	_ =	swait.ge [sflag:s10], $0x1400  }
0x144: {  	[sflag:s10] =	ssyncset.done $0x0  }
0x145: {  	s28 =	simm.s32 $0xFFFF1000;
	s30 =	simm.s32 $0x14380;
	[sflag:s10] =	ssyncadd.s32 $0xFFFFEC00  }
.LBB2_8:
0x146: {  	[spmem:s2] =	stream.indirect.scatter.add.f32 [tilespmem:s24], [sflag:$0x6], $0x80, s30, s23, $0xb8;
	[tilespmem:$0x1D000] =	vst v63  }
0x147: {  	s13 =	smov.u32 s28  }
0x148: {  	p0 =	sne.s32 s28, $0xFFFFF800;
	s28 =	sadd.s32 $0x800, s28;
	_ =	swait.ge [sflag:s9], $0x1400  }
0x149: {  	s13 =	sshra.s32 s13, $0x2;
	[sflag:s9] =	ssyncset.done $0x0  }
.Ltmp3:
0x14a: {  	s30 =	sadd.s32 $0x18080, s13;
	[sflag:s9] =	ssyncadd.s32 $0xFFFFEC00;
	(pc) =	sbr.rel @p0 .LBB2_8-.Ltmp3, $4  }
0x14b: {  	[spmem:s2] =	stream.indirect.scatter.add.f32 [tilespmem:s24], [sflag:$0x5], $0x80, s30, s23, $0xb8;
	[tilespmem:$0x1D000] =	vst v63  }
0x14c: {  	_ =	swait.ge [sflag:s10], $0x1400  }
0x14d: {  	[sflag:s10] =	ssyncset.done $0x0  }
0x14e: {  	s30 =	sadd.s32 $0x18180, s13;
	[sflag:s10] =	ssyncadd.s32 $0xFFFFEC00  }
0x14f: {  	[spmem:s2] =	stream.indirect.scatter.add.f32 [tilespmem:s24], [sflag:$0x6], $0x80, s30, s23, $0xb8;
	[tilespmem:$0x1D000] =	vst v63  }
0x150: {  	_ =	swait.ge [sflag:s9], $0x1400  }
0x151: {  	[sflag:s9] =	ssyncset.done $0x0  }
0x152: {  	[sflag:s9] =	ssyncadd.s32 $0xFFFFEC00  }
0x153: {  	_ =	swait.ge [sflag:s10], $0x1400  }
0x154: {  	[sflag:s10] =	ssyncset.done $0x0  }
0x155: {  	[sflag:s10] =	ssyncadd.s32 $0xFFFFEC00  }
0x156: {  	[bflag:$0x0] =	sbarrier.arrive $0xFFFF  }
0x157: {  	s13 =	rddreg [dreg:$0xa]  }
0x158: {  	[hbm:s13], [sflag:s20] =	dma.local [spmem:s25], $0x2800  }
0x159: {  	_ =	swait.ge [sflag:s22], $0x2800  }
0x15a: {  	[sflag:s22] =	ssyncset.done $0x0  }
0x15b: {  	s13 =	simm.s32 $0x0;
	s28 =	rddreg [dreg:$0xb];
	[sflag:s22] =	ssyncadd.s32 $0xFFFFD800  }
0x15c: {  	[tilespmem:s21], [sflag:$0x9] =	stream.linear.gather [hbm4b:s28+s13], $0x4000, $0x38;
	[tilespmem:$0x1D000] =	vst v63  }
0x15d: {  	_ =	swait.ge [sflag:s22], $0x4000  }
0x15e: {  	[sflag:s22] =	ssyncset.done $0x0  }
0x15f: {  	[sflag:s22] =	ssyncadd.s32 $0xFFFFC000  }
0x160: {  	[spmem:s25], [sflag:s20] =	dma.local [hbm:s1], $0x2800  }
0x161: {  	_ =	swait.ge [sflag:s22], $0x2800  }
0x162: {  	[sflag:s22] =	ssyncset.done $0x0  }
0x163: {  	[sflag:s22] =	ssyncadd.s32 $0xFFFFD800  }
0x164: {  	[bflag:$0x0] =	sbarrier.arrive $0xFFFF  }
0x165: {  	[tilespmem:s24], [sflag:$0x1] =	stream.indirect.gather [hbm4b:s4+s23], $0x80, s21, s23, $0xb8;
	[tilespmem:$0x1D000] =	vst v63  }
0x166: {  	s13 =	simm.s32 $0x14100  }
0x167: {  	[tilespmem:s26], [sflag:$0x2] =	stream.indirect.gather [hbm4b:s4+s23], $0x80, s13, s23, $0xb8;
	[tilespmem:$0x1D000] =	vst v63  }
0x168: {  	s13 =	simm.s32 $0x14200  }
0x169: {  	[tilespmem:s29], [sflag:$0x3] =	stream.indirect.gather [hbm4b:s4+s23], $0x80, s13, s23, $0xb8;
	[tilespmem:$0x1D000] =	vst v63  }
0x16a: {  	s13 =	simm.s32 $0x14300  }
0x16b: {  	[tilespmem:s31], [sflag:$0x4] =	stream.indirect.gather [hbm4b:s4+s23], $0x80, s13, s23, $0xb8;
	[tilespmem:$0x1D000] =	vst v63  }
0x16c: {  	_ =	swait.ge [sflag:s0], $0x1400  }
0x16d: {  	[sflag:s0] =	ssyncset.done $0x0  }
0x16e: {  	s13 =	simm.s32 $0x14080;
	[sflag:s0] =	ssyncadd.s32 $0xFFFFEC00  }
0x16f: {  	[spmem:s2] =	stream.indirect.scatter.add.f32 [tilespmem:s24], [sflag:$0x5], $0x80, s13, s23, $0xb8;
	[tilespmem:$0x1D000] =	vst v63  }
0x170: {  	_ =	swait.ge [sflag:s5], $0x1400  }
0x171: {  	[sflag:s5] =	ssyncset.done $0x0  }
0x172: {  	s13 =	simm.s32 $0x14180;
	[sflag:s5] =	ssyncadd.s32 $0xFFFFEC00  }
0x173: {  	[spmem:s2] =	stream.indirect.scatter.add.f32 [tilespmem:s26], [sflag:$0x6], $0x80, s13, s23, $0xb8;
	[tilespmem:$0x1D000] =	vst v63  }
0x174: {  	_ =	swait.ge [sflag:s7], $0x1400  }
0x175: {  	[sflag:s7] =	ssyncset.done $0x0  }
0x176: {  	s13 =	simm.s32 $0x14280;
	[sflag:s7] =	ssyncadd.s32 $0xFFFFEC00  }
0x177: {  	[spmem:s2] =	stream.indirect.scatter.add.f32 [tilespmem:s29], [sflag:$0x7], $0x80, s13, s23, $0xb8;
	[tilespmem:$0x1D000] =	vst v63  }
0x178: {  	_ =	swait.ge [sflag:s8], $0x1400  }
0x179: {  	[sflag:s8] =	ssyncset.done $0x0  }
0x17a: {  	s13 =	simm.s32 $0x14380;
	[sflag:s8] =	ssyncadd.s32 $0xFFFFEC00  }
0x17b: {  	[spmem:s2] =	stream.indirect.scatter.add.f32 [tilespmem:s31], [sflag:$0x8], $0x80, s13, s23, $0xb8;
	[tilespmem:$0x1D000] =	vst v63  }
0x17c: {  	_ =	swait.ge [sflag:s9], $0x1400  }
0x17d: {  	[sflag:s9] =	ssyncset.done $0x0  }
0x17e: {  	s13 =	simm.s32 $0x14400;
	[sflag:s9] =	ssyncadd.s32 $0xFFFFEC00  }
0x17f: {  	[tilespmem:s24], [sflag:$0x1] =	stream.indirect.gather [hbm4b:s4+s23], $0x80, s13, s23, $0xb8;
	[tilespmem:$0x1D000] =	vst v63  }
0x180: {  	_ =	swait.ge [sflag:s10], $0x1400  }
0x181: {  	[sflag:s10] =	ssyncset.done $0x0  }
0x182: {  	s13 =	simm.s32 $0x14500;
	[sflag:s10] =	ssyncadd.s32 $0xFFFFEC00  }
0x183: {  	[tilespmem:s26], [sflag:$0x2] =	stream.indirect.gather [hbm4b:s4+s23], $0x80, s13, s23, $0xb8;
	[tilespmem:$0x1D000] =	vst v63  }
0x184: {  	_ =	swait.ge [sflag:s11], $0x1400  }
0x185: {  	[sflag:s11] =	ssyncset.done $0x0  }
0x186: {  	s13 =	simm.s32 $0x14600;
	[sflag:s11] =	ssyncadd.s32 $0xFFFFEC00  }
0x187: {  	[tilespmem:s29], [sflag:$0x3] =	stream.indirect.gather [hbm4b:s4+s23], $0x80, s13, s23, $0xb8;
	[tilespmem:$0x1D000] =	vst v63  }
0x188: {  	_ =	swait.ge [sflag:s12], $0x1400  }
0x189: {  	[sflag:s12] =	ssyncset.done $0x0  }
0x18a: {  	s30 =	simm.s32 $0x14700;
	s28 =	simm.s32 $0x1000;
	[sflag:s12] =	ssyncadd.s32 $0xFFFFEC00  }
.LBB2_10:
0x18b: {  	[tilespmem:s31], [sflag:$0x4] =	stream.indirect.gather [hbm4b:s4+s23], $0x80, s30, s23, $0xb8;
	[tilespmem:$0x1D000] =	vst v63  }
0x18c: {  	s13 =	smov.u32 s28  }
0x18d: {  	p0 =	sne.s32 s28, $0xE000;
	s28 =	sadd.s32 $0x1000, s28;
	_ =	swait.ge [sflag:s0], $0x1400  }
0x18e: {  	s30 =	sshra.s32 s13, $0x2;
	[sflag:s0] =	ssyncset.done $0x0  }
0x18f: {  	s13 =	sadd.s32 $0x14080, s30;
	[sflag:s0] =	ssyncadd.s32 $0xFFFFEC00  }
0x190: {  	[spmem:s2] =	stream.indirect.scatter.add.f32 [tilespmem:s24], [sflag:$0x5], $0x80, s13, s23, $0xb8;
	[tilespmem:$0x1D000] =	vst v63  }
0x191: {  	_ =	swait.ge [sflag:s5], $0x1400  }
0x192: {  	[sflag:s5] =	ssyncset.done $0x0  }
0x193: {  	s13 =	sadd.s32 $0x14180, s30;
	[sflag:s5] =	ssyncadd.s32 $0xFFFFEC00  }
0x194: {  	[spmem:s2] =	stream.indirect.scatter.add.f32 [tilespmem:s26], [sflag:$0x6], $0x80, s13, s23, $0xb8;
	[tilespmem:$0x1D000] =	vst v63  }
0x195: {  	_ =	swait.ge [sflag:s7], $0x1400  }
0x196: {  	[sflag:s7] =	ssyncset.done $0x0  }
0x197: {  	s13 =	sadd.s32 $0x14280, s30;
	[sflag:s7] =	ssyncadd.s32 $0xFFFFEC00  }
0x198: {  	[spmem:s2] =	stream.indirect.scatter.add.f32 [tilespmem:s29], [sflag:$0x7], $0x80, s13, s23, $0xb8;
	[tilespmem:$0x1D000] =	vst v63  }
0x199: {  	_ =	swait.ge [sflag:s8], $0x1400  }
0x19a: {  	[sflag:s8] =	ssyncset.done $0x0  }
0x19b: {  	s13 =	sadd.s32 $0x14380, s30;
	[sflag:s8] =	ssyncadd.s32 $0xFFFFEC00  }
0x19c: {  	[spmem:s2] =	stream.indirect.scatter.add.f32 [tilespmem:s31], [sflag:$0x8], $0x80, s13, s23, $0xb8;
	[tilespmem:$0x1D000] =	vst v63  }
0x19d: {  	_ =	swait.ge [sflag:s9], $0x1400  }
0x19e: {  	[sflag:s9] =	ssyncset.done $0x0  }
0x19f: {  	s13 =	sadd.s32 $0x14400, s30;
	[sflag:s9] =	ssyncadd.s32 $0xFFFFEC00  }
0x1a0: {  	[tilespmem:s24], [sflag:$0x1] =	stream.indirect.gather [hbm4b:s4+s23], $0x80, s13, s23, $0xb8;
	[tilespmem:$0x1D000] =	vst v63  }
0x1a1: {  	_ =	swait.ge [sflag:s10], $0x1400  }
0x1a2: {  	[sflag:s10] =	ssyncset.done $0x0  }
0x1a3: {  	s13 =	sadd.s32 $0x14500, s30;
	[sflag:s10] =	ssyncadd.s32 $0xFFFFEC00  }
0x1a4: {  	[tilespmem:s26], [sflag:$0x2] =	stream.indirect.gather [hbm4b:s4+s23], $0x80, s13, s23, $0xb8;
	[tilespmem:$0x1D000] =	vst v63  }
0x1a5: {  	_ =	swait.ge [sflag:s11], $0x1400  }
0x1a6: {  	[sflag:s11] =	ssyncset.done $0x0  }
.Ltmp4:
0x1a7: {  	s13 =	sadd.s32 $0x14600, s30;
	[sflag:s11] =	ssyncadd.s32 $0xFFFFEC00;
	(pc) =	sbr.rel @p0 .LBB2_10-.Ltmp4, $4  }
0x1a8: {  	[tilespmem:s29], [sflag:$0x3] =	stream.indirect.gather [hbm4b:s4+s23], $0x80, s13, s23, $0xb8;
	[tilespmem:$0x1D000] =	vst v63  }
0x1a9: {  	_ =	swait.ge [sflag:s12], $0x1400  }
0x1aa: {  	[sflag:s12] =	ssyncset.done $0x0  }
0x1ab: {  	s30 =	sadd.s32 $0x14700, s30;
	[sflag:s12] =	ssyncadd.s32 $0xFFFFEC00  }
0x1ac: {  	[tilespmem:s31], [sflag:$0x4] =	stream.indirect.gather [hbm4b:s4+s23], $0x80, s30, s23, $0xb8;
	[tilespmem:$0x1D000] =	vst v63  }
0x1ad: {  	_ =	swait.ge [sflag:s0], $0x1400  }
0x1ae: {  	[sflag:s0] =	ssyncset.done $0x0  }
0x1af: {  	s13 =	simm.s32 $0x17C80;
	[sflag:s0] =	ssyncadd.s32 $0xFFFFEC00  }
0x1b0: {  	[spmem:s2] =	stream.indirect.scatter.add.f32 [tilespmem:s24], [sflag:$0x5], $0x80, s13, s23, $0xb8;
	[tilespmem:$0x1D000] =	vst v63  }
0x1b1: {  	_ =	swait.ge [sflag:s5], $0x1400  }
0x1b2: {  	[sflag:s5] =	ssyncset.done $0x0  }
0x1b3: {  	[sflag:s5] =	ssyncadd.s32 $0xFFFFEC00  }
0x1b4: {  	[spmem:s2] =	stream.indirect.scatter.add.f32 [tilespmem:s26], [sflag:$0x6], $0x80, s14, s23, $0xb8;
	[tilespmem:$0x1D000] =	vst v63  }
0x1b5: {  	_ =	swait.ge [sflag:s7], $0x1400  }
0x1b6: {  	[sflag:s7] =	ssyncset.done $0x0  }
0x1b7: {  	[sflag:s7] =	ssyncadd.s32 $0xFFFFEC00  }
0x1b8: {  	[spmem:s2] =	stream.indirect.scatter.add.f32 [tilespmem:s29], [sflag:$0x7], $0x80, s15, s23, $0xb8;
	[tilespmem:$0x1D000] =	vst v63  }
0x1b9: {  	_ =	swait.ge [sflag:s8], $0x1400  }
0x1ba: {  	[sflag:s8] =	ssyncset.done $0x0  }
0x1bb: {  	[sflag:s8] =	ssyncadd.s32 $0xFFFFEC00  }
0x1bc: {  	[spmem:s2] =	stream.indirect.scatter.add.f32 [tilespmem:s31], [sflag:$0x8], $0x80, s16, s23, $0xb8;
	[tilespmem:$0x1D000] =	vst v63  }
0x1bd: {  	_ =	swait.ge [sflag:s9], $0x1400  }
0x1be: {  	[sflag:s9] =	ssyncset.done $0x0  }
0x1bf: {  	[sflag:s9] =	ssyncadd.s32 $0xFFFFEC00  }
0x1c0: {  	_ =	swait.ge [sflag:s10], $0x1400  }
0x1c1: {  	[sflag:s10] =	ssyncset.done $0x0  }
0x1c2: {  	[sflag:s10] =	ssyncadd.s32 $0xFFFFEC00  }
0x1c3: {  	_ =	swait.ge [sflag:s11], $0x1400  }
0x1c4: {  	[sflag:s11] =	ssyncset.done $0x0  }
0x1c5: {  	[sflag:s11] =	ssyncadd.s32 $0xFFFFEC00  }
0x1c6: {  	_ =	swait.ge [sflag:s12], $0x1400  }
0x1c7: {  	[sflag:s12] =	ssyncset.done $0x0  }
0x1c8: {  	[sflag:s12] =	ssyncadd.s32 $0xFFFFEC00  }
0x1c9: {  	[bflag:$0x0] =	sbarrier.arrive $0xFFFF  }
0x1ca: {  	s13 =	rddreg [dreg:$0xc]  }
0x1cb: {  	[hbm:s13], [sflag:s20] =	dma.local [spmem:s25], $0x2800  }
0x1cc: {  	_ =	swait.ge [sflag:s22], $0x2800  }
0x1cd: {  	[sflag:s22] =	ssyncset.done $0x0  }
0x1ce: {  	[sflag:s22] =	ssyncadd.s32 $0xFFFFD800  }
0x1cf: {  	[spmem:s25], [sflag:s20] =	dma.local [hbm:s1], $0x2800  }
0x1d0: {  	_ =	swait.ge [sflag:s22], $0x2800  }
0x1d1: {  	[sflag:s22] =	ssyncset.done $0x0  }
0x1d2: {  	[sflag:s22] =	ssyncadd.s32 $0xFFFFD800  }
0x1d3: {  	[tilespmem:s24], [sflag:$0x9] =	stream.linear.gather [hbm4b:s6+s3], $0x1400, $0x38;
	[tilespmem:$0x1D000] =	vst v63  }
0x1d4: {  	_ =	swait.ge [sflag:s22], $0x1400  }
0x1d5: {  	[sflag:s22] =	ssyncset.done $0x0  }
0x1d6: {  	[sflag:s22] =	ssyncadd.s32 $0xFFFFEC00  }
0x1d7: {  	[bflag:$0x0] =	sbarrier.arrive $0xFFFF  }
0x1d8: {  	[spmem:s2] =	stream.indirect.scatter.add.f32 [tilespmem:s24], [sflag:$0x5], $0x80, s17, s23, $0xb8;
	[tilespmem:$0x1D000] =	vst v63  }
0x1d9: {  	_ = 	snop  }
0x1da: {  	[spmem:s2] =	stream.indirect.scatter.add.f32 [tilespmem:s24], [sflag:$0x6], $0x80, s18, s23, $0xb8;
	[tilespmem:$0x1D000] =	vst v63  }
0x1db: {  	_ =	swait.ge [sflag:s9], $0x1400  }
0x1dc: {  	[sflag:s9] =	ssyncset.done $0x0  }
0x1dd: {  	s13 =	simm.s32 $0x14280;
	[sflag:s9] =	ssyncadd.s32 $0xFFFFEC00  }
0x1de: {  	[spmem:s2] =	stream.indirect.scatter.add.f32 [tilespmem:s24], [sflag:$0x5], $0x80, s13, s23, $0xb8;
	[tilespmem:$0x1D000] =	vst v63  }
0x1df: {  	_ =	swait.ge [sflag:s10], $0x1400  }
0x1e0: {  	[sflag:s10] =	ssyncset.done $0x0  }
0x1e1: {  	s28 =	simm.s32 $0xFFFF1000;
	s30 =	simm.s32 $0x14380;
	[sflag:s10] =	ssyncadd.s32 $0xFFFFEC00  }
.LBB2_12:
0x1e2: {  	[spmem:s2] =	stream.indirect.scatter.add.f32 [tilespmem:s24], [sflag:$0x6], $0x80, s30, s23, $0xb8;
	[tilespmem:$0x1D000] =	vst v63  }
0x1e3: {  	s13 =	smov.u32 s28  }
0x1e4: {  	p0 =	sne.s32 s28, $0xFFFFF800;
	s28 =	sadd.s32 $0x800, s28;
	_ =	swait.ge [sflag:s9], $0x1400  }
0x1e5: {  	s13 =	sshra.s32 s13, $0x2;
	[sflag:s9] =	ssyncset.done $0x0  }
.Ltmp5:
0x1e6: {  	s30 =	sadd.s32 $0x18080, s13;
	[sflag:s9] =	ssyncadd.s32 $0xFFFFEC00;
	(pc) =	sbr.rel @p0 .LBB2_12-.Ltmp5, $4  }
0x1e7: {  	[spmem:s2] =	stream.indirect.scatter.add.f32 [tilespmem:s24], [sflag:$0x5], $0x80, s30, s23, $0xb8;
	[tilespmem:$0x1D000] =	vst v63  }
0x1e8: {  	_ =	swait.ge [sflag:s10], $0x1400  }
0x1e9: {  	[sflag:s10] =	ssyncset.done $0x0  }
0x1ea: {  	s30 =	sadd.s32 $0x18180, s13;
	[sflag:s10] =	ssyncadd.s32 $0xFFFFEC00  }
0x1eb: {  	[spmem:s2] =	stream.indirect.scatter.add.f32 [tilespmem:s24], [sflag:$0x6], $0x80, s30, s23, $0xb8;
	[tilespmem:$0x1D000] =	vst v63  }
0x1ec: {  	_ =	swait.ge [sflag:s9], $0x1400  }
0x1ed: {  	[sflag:s9] =	ssyncset.done $0x0  }
0x1ee: {  	[sflag:s9] =	ssyncadd.s32 $0xFFFFEC00  }
0x1ef: {  	_ =	swait.ge [sflag:s10], $0x1400  }
0x1f0: {  	[sflag:s10] =	ssyncset.done $0x0  }
0x1f1: {  	[sflag:s10] =	ssyncadd.s32 $0xFFFFEC00  }
0x1f2: {  	[bflag:$0x0] =	sbarrier.arrive $0xFFFF  }
0x1f3: {  	s13 =	rddreg [dreg:$0xd]  }
0x1f4: {  	[hbm:s13], [sflag:s20] =	dma.local [spmem:s25], $0x2800  }
0x1f5: {  	_ =	swait.ge [sflag:s22], $0x2800  }
0x1f6: {  	[sflag:s22] =	ssyncset.done $0x0  }
0x1f7: {  	s13 =	simm.s32 $0x0;
	s28 =	rddreg [dreg:$0xe];
	[sflag:s22] =	ssyncadd.s32 $0xFFFFD800  }
0x1f8: {  	[tilespmem:s21], [sflag:$0x9] =	stream.linear.gather [hbm4b:s28+s13], $0x4000, $0x38;
	[tilespmem:$0x1D000] =	vst v63  }
0x1f9: {  	_ =	swait.ge [sflag:s22], $0x4000  }
0x1fa: {  	[sflag:s22] =	ssyncset.done $0x0  }
0x1fb: {  	[sflag:s22] =	ssyncadd.s32 $0xFFFFC000  }
0x1fc: {  	[spmem:s25], [sflag:s20] =	dma.local [hbm:s1], $0x2800  }
0x1fd: {  	_ =	swait.ge [sflag:s22], $0x2800  }
0x1fe: {  	[sflag:s22] =	ssyncset.done $0x0  }
0x1ff: {  	[sflag:s22] =	ssyncadd.s32 $0xFFFFD800  }
0x200: {  	[bflag:$0x0] =	sbarrier.arrive $0xFFFF  }
0x201: {  	[tilespmem:s24], [sflag:$0x1] =	stream.indirect.gather [hbm4b:s4+s23], $0x80, s21, s23, $0xb8;
	[tilespmem:$0x1D000] =	vst v63  }
0x202: {  	s13 =	simm.s32 $0x14100  }
0x203: {  	[tilespmem:s26], [sflag:$0x2] =	stream.indirect.gather [hbm4b:s4+s23], $0x80, s13, s23, $0xb8;
	[tilespmem:$0x1D000] =	vst v63  }
0x204: {  	s13 =	simm.s32 $0x14200  }
0x205: {  	[tilespmem:s29], [sflag:$0x3] =	stream.indirect.gather [hbm4b:s4+s23], $0x80, s13, s23, $0xb8;
	[tilespmem:$0x1D000] =	vst v63  }
0x206: {  	s13 =	simm.s32 $0x14300  }
0x207: {  	[tilespmem:s31], [sflag:$0x4] =	stream.indirect.gather [hbm4b:s4+s23], $0x80, s13, s23, $0xb8;
	[tilespmem:$0x1D000] =	vst v63  }
0x208: {  	_ =	swait.ge [sflag:s0], $0x1400  }
0x209: {  	[sflag:s0] =	ssyncset.done $0x0  }
0x20a: {  	s13 =	simm.s32 $0x14080;
	[sflag:s0] =	ssyncadd.s32 $0xFFFFEC00  }
0x20b: {  	[spmem:s2] =	stream.indirect.scatter.add.f32 [tilespmem:s24], [sflag:$0x5], $0x80, s13, s23, $0xb8;
	[tilespmem:$0x1D000] =	vst v63  }
0x20c: {  	_ =	swait.ge [sflag:s5], $0x1400  }
0x20d: {  	[sflag:s5] =	ssyncset.done $0x0  }
0x20e: {  	s13 =	simm.s32 $0x14180;
	[sflag:s5] =	ssyncadd.s32 $0xFFFFEC00  }
0x20f: {  	[spmem:s2] =	stream.indirect.scatter.add.f32 [tilespmem:s26], [sflag:$0x6], $0x80, s13, s23, $0xb8;
	[tilespmem:$0x1D000] =	vst v63  }
0x210: {  	_ =	swait.ge [sflag:s7], $0x1400  }
0x211: {  	[sflag:s7] =	ssyncset.done $0x0  }
0x212: {  	s13 =	simm.s32 $0x14280;
	[sflag:s7] =	ssyncadd.s32 $0xFFFFEC00  }
0x213: {  	[spmem:s2] =	stream.indirect.scatter.add.f32 [tilespmem:s29], [sflag:$0x7], $0x80, s13, s23, $0xb8;
	[tilespmem:$0x1D000] =	vst v63  }
0x214: {  	_ =	swait.ge [sflag:s8], $0x1400  }
0x215: {  	[sflag:s8] =	ssyncset.done $0x0  }
0x216: {  	s13 =	simm.s32 $0x14380;
	[sflag:s8] =	ssyncadd.s32 $0xFFFFEC00  }
0x217: {  	[spmem:s2] =	stream.indirect.scatter.add.f32 [tilespmem:s31], [sflag:$0x8], $0x80, s13, s23, $0xb8;
	[tilespmem:$0x1D000] =	vst v63  }
0x218: {  	_ =	swait.ge [sflag:s9], $0x1400  }
0x219: {  	[sflag:s9] =	ssyncset.done $0x0  }
0x21a: {  	s13 =	simm.s32 $0x14400;
	[sflag:s9] =	ssyncadd.s32 $0xFFFFEC00  }
0x21b: {  	[tilespmem:s24], [sflag:$0x1] =	stream.indirect.gather [hbm4b:s4+s23], $0x80, s13, s23, $0xb8;
	[tilespmem:$0x1D000] =	vst v63  }
0x21c: {  	_ =	swait.ge [sflag:s10], $0x1400  }
0x21d: {  	[sflag:s10] =	ssyncset.done $0x0  }
0x21e: {  	s13 =	simm.s32 $0x14500;
	[sflag:s10] =	ssyncadd.s32 $0xFFFFEC00  }
0x21f: {  	[tilespmem:s26], [sflag:$0x2] =	stream.indirect.gather [hbm4b:s4+s23], $0x80, s13, s23, $0xb8;
	[tilespmem:$0x1D000] =	vst v63  }
0x220: {  	_ =	swait.ge [sflag:s11], $0x1400  }
0x221: {  	[sflag:s11] =	ssyncset.done $0x0  }
0x222: {  	s13 =	simm.s32 $0x14600;
	[sflag:s11] =	ssyncadd.s32 $0xFFFFEC00  }
0x223: {  	[tilespmem:s29], [sflag:$0x3] =	stream.indirect.gather [hbm4b:s4+s23], $0x80, s13, s23, $0xb8;
	[tilespmem:$0x1D000] =	vst v63  }
0x224: {  	_ =	swait.ge [sflag:s12], $0x1400  }
0x225: {  	[sflag:s12] =	ssyncset.done $0x0  }
0x226: {  	s30 =	simm.s32 $0x14700;
	s28 =	simm.s32 $0x1000;
	[sflag:s12] =	ssyncadd.s32 $0xFFFFEC00  }
.LBB2_14:
0x227: {  	[tilespmem:s31], [sflag:$0x4] =	stream.indirect.gather [hbm4b:s4+s23], $0x80, s30, s23, $0xb8;
	[tilespmem:$0x1D000] =	vst v63  }
0x228: {  	s13 =	smov.u32 s28  }
0x229: {  	p0 =	sne.s32 s28, $0xE000;
	s28 =	sadd.s32 $0x1000, s28;
	_ =	swait.ge [sflag:s0], $0x1400  }
0x22a: {  	s30 =	sshra.s32 s13, $0x2;
	[sflag:s0] =	ssyncset.done $0x0  }
0x22b: {  	s13 =	sadd.s32 $0x14080, s30;
	[sflag:s0] =	ssyncadd.s32 $0xFFFFEC00  }
0x22c: {  	[spmem:s2] =	stream.indirect.scatter.add.f32 [tilespmem:s24], [sflag:$0x5], $0x80, s13, s23, $0xb8;
	[tilespmem:$0x1D000] =	vst v63  }
0x22d: {  	_ =	swait.ge [sflag:s5], $0x1400  }
0x22e: {  	[sflag:s5] =	ssyncset.done $0x0  }
0x22f: {  	s13 =	sadd.s32 $0x14180, s30;
	[sflag:s5] =	ssyncadd.s32 $0xFFFFEC00  }
0x230: {  	[spmem:s2] =	stream.indirect.scatter.add.f32 [tilespmem:s26], [sflag:$0x6], $0x80, s13, s23, $0xb8;
	[tilespmem:$0x1D000] =	vst v63  }
0x231: {  	_ =	swait.ge [sflag:s7], $0x1400  }
0x232: {  	[sflag:s7] =	ssyncset.done $0x0  }
0x233: {  	s13 =	sadd.s32 $0x14280, s30;
	[sflag:s7] =	ssyncadd.s32 $0xFFFFEC00  }
0x234: {  	[spmem:s2] =	stream.indirect.scatter.add.f32 [tilespmem:s29], [sflag:$0x7], $0x80, s13, s23, $0xb8;
	[tilespmem:$0x1D000] =	vst v63  }
0x235: {  	_ =	swait.ge [sflag:s8], $0x1400  }
0x236: {  	[sflag:s8] =	ssyncset.done $0x0  }
0x237: {  	s13 =	sadd.s32 $0x14380, s30;
	[sflag:s8] =	ssyncadd.s32 $0xFFFFEC00  }
0x238: {  	[spmem:s2] =	stream.indirect.scatter.add.f32 [tilespmem:s31], [sflag:$0x8], $0x80, s13, s23, $0xb8;
	[tilespmem:$0x1D000] =	vst v63  }
0x239: {  	_ =	swait.ge [sflag:s9], $0x1400  }
0x23a: {  	[sflag:s9] =	ssyncset.done $0x0  }
0x23b: {  	s13 =	sadd.s32 $0x14400, s30;
	[sflag:s9] =	ssyncadd.s32 $0xFFFFEC00  }
0x23c: {  	[tilespmem:s24], [sflag:$0x1] =	stream.indirect.gather [hbm4b:s4+s23], $0x80, s13, s23, $0xb8;
	[tilespmem:$0x1D000] =	vst v63  }
0x23d: {  	_ =	swait.ge [sflag:s10], $0x1400  }
0x23e: {  	[sflag:s10] =	ssyncset.done $0x0  }
0x23f: {  	s13 =	sadd.s32 $0x14500, s30;
	[sflag:s10] =	ssyncadd.s32 $0xFFFFEC00  }
0x240: {  	[tilespmem:s26], [sflag:$0x2] =	stream.indirect.gather [hbm4b:s4+s23], $0x80, s13, s23, $0xb8;
	[tilespmem:$0x1D000] =	vst v63  }
0x241: {  	_ =	swait.ge [sflag:s11], $0x1400  }
0x242: {  	[sflag:s11] =	ssyncset.done $0x0  }
.Ltmp6:
0x243: {  	s13 =	sadd.s32 $0x14600, s30;
	[sflag:s11] =	ssyncadd.s32 $0xFFFFEC00;
	(pc) =	sbr.rel @p0 .LBB2_14-.Ltmp6, $4  }
0x244: {  	[tilespmem:s29], [sflag:$0x3] =	stream.indirect.gather [hbm4b:s4+s23], $0x80, s13, s23, $0xb8;
	[tilespmem:$0x1D000] =	vst v63  }
0x245: {  	_ =	swait.ge [sflag:s12], $0x1400  }
0x246: {  	[sflag:s12] =	ssyncset.done $0x0  }
0x247: {  	s30 =	sadd.s32 $0x14700, s30;
	[sflag:s12] =	ssyncadd.s32 $0xFFFFEC00  }
0x248: {  	[tilespmem:s31], [sflag:$0x4] =	stream.indirect.gather [hbm4b:s4+s23], $0x80, s30, s23, $0xb8;
	[tilespmem:$0x1D000] =	vst v63  }
0x249: {  	_ =	swait.ge [sflag:s0], $0x1400  }
0x24a: {  	[sflag:s0] =	ssyncset.done $0x0  }
0x24b: {  	s13 =	simm.s32 $0x17C80;
	[sflag:s0] =	ssyncadd.s32 $0xFFFFEC00  }
0x24c: {  	[spmem:s2] =	stream.indirect.scatter.add.f32 [tilespmem:s24], [sflag:$0x5], $0x80, s13, s23, $0xb8;
	[tilespmem:$0x1D000] =	vst v63  }
0x24d: {  	_ =	swait.ge [sflag:s5], $0x1400  }
0x24e: {  	[sflag:s5] =	ssyncset.done $0x0  }
0x24f: {  	[sflag:s5] =	ssyncadd.s32 $0xFFFFEC00  }
0x250: {  	[spmem:s2] =	stream.indirect.scatter.add.f32 [tilespmem:s26], [sflag:$0x6], $0x80, s14, s23, $0xb8;
	[tilespmem:$0x1D000] =	vst v63  }
0x251: {  	_ =	swait.ge [sflag:s7], $0x1400  }
0x252: {  	[sflag:s7] =	ssyncset.done $0x0  }
0x253: {  	[sflag:s7] =	ssyncadd.s32 $0xFFFFEC00  }
0x254: {  	[spmem:s2] =	stream.indirect.scatter.add.f32 [tilespmem:s29], [sflag:$0x7], $0x80, s15, s23, $0xb8;
	[tilespmem:$0x1D000] =	vst v63  }
0x255: {  	_ =	swait.ge [sflag:s8], $0x1400  }
0x256: {  	[sflag:s8] =	ssyncset.done $0x0  }
0x257: {  	[sflag:s8] =	ssyncadd.s32 $0xFFFFEC00  }
0x258: {  	[spmem:s2] =	stream.indirect.scatter.add.f32 [tilespmem:s31], [sflag:$0x8], $0x80, s16, s23, $0xb8;
	[tilespmem:$0x1D000] =	vst v63  }
0x259: {  	_ =	swait.ge [sflag:s9], $0x1400  }
0x25a: {  	[sflag:s9] =	ssyncset.done $0x0  }
0x25b: {  	[sflag:s9] =	ssyncadd.s32 $0xFFFFEC00  }
0x25c: {  	_ =	swait.ge [sflag:s10], $0x1400  }
0x25d: {  	[sflag:s10] =	ssyncset.done $0x0  }
0x25e: {  	[sflag:s10] =	ssyncadd.s32 $0xFFFFEC00  }
0x25f: {  	_ =	swait.ge [sflag:s11], $0x1400  }
0x260: {  	[sflag:s11] =	ssyncset.done $0x0  }
0x261: {  	[sflag:s11] =	ssyncadd.s32 $0xFFFFEC00  }
0x262: {  	_ =	swait.ge [sflag:s12], $0x1400  }
0x263: {  	[sflag:s12] =	ssyncset.done $0x0  }
0x264: {  	[sflag:s12] =	ssyncadd.s32 $0xFFFFEC00  }
0x265: {  	[bflag:$0x0] =	sbarrier.arrive $0xFFFF  }
0x266: {  	s13 =	rddreg [dreg:$0xf]  }
0x267: {  	[hbm:s13], [sflag:s20] =	dma.local [spmem:s25], $0x2800  }
0x268: {  	_ =	swait.ge [sflag:s22], $0x2800  }
0x269: {  	[sflag:s22] =	ssyncset.done $0x0  }
0x26a: {  	[sflag:s22] =	ssyncadd.s32 $0xFFFFD800  }
0x26b: {  	[spmem:s25], [sflag:s20] =	dma.local [hbm:s1], $0x2800  }
0x26c: {  	_ =	swait.ge [sflag:s22], $0x2800  }
0x26d: {  	[sflag:s22] =	ssyncset.done $0x0  }
0x26e: {  	[sflag:s22] =	ssyncadd.s32 $0xFFFFD800  }
0x26f: {  	[tilespmem:s24], [sflag:$0x9] =	stream.linear.gather [hbm4b:s6+s3], $0x1400, $0x38;
	[tilespmem:$0x1D000] =	vst v63  }
0x270: {  	_ =	swait.ge [sflag:s22], $0x1400  }
0x271: {  	[sflag:s22] =	ssyncset.done $0x0  }
0x272: {  	[sflag:s22] =	ssyncadd.s32 $0xFFFFEC00  }
0x273: {  	[bflag:$0x0] =	sbarrier.arrive $0xFFFF  }
0x274: {  	[spmem:s2] =	stream.indirect.scatter.add.f32 [tilespmem:s24], [sflag:$0x5], $0x80, s17, s23, $0xb8;
	[tilespmem:$0x1D000] =	vst v63  }
0x275: {  	_ = 	snop  }
0x276: {  	[spmem:s2] =	stream.indirect.scatter.add.f32 [tilespmem:s24], [sflag:$0x6], $0x80, s18, s23, $0xb8;
	[tilespmem:$0x1D000] =	vst v63  }
0x277: {  	_ =	swait.ge [sflag:s9], $0x1400  }
0x278: {  	[sflag:s9] =	ssyncset.done $0x0  }
0x279: {  	s13 =	simm.s32 $0x14280;
	[sflag:s9] =	ssyncadd.s32 $0xFFFFEC00  }
0x27a: {  	[spmem:s2] =	stream.indirect.scatter.add.f32 [tilespmem:s24], [sflag:$0x5], $0x80, s13, s23, $0xb8;
	[tilespmem:$0x1D000] =	vst v63  }
0x27b: {  	_ =	swait.ge [sflag:s10], $0x1400  }
0x27c: {  	[sflag:s10] =	ssyncset.done $0x0  }
0x27d: {  	s28 =	simm.s32 $0xFFFF1000;
	s30 =	simm.s32 $0x14380;
	[sflag:s10] =	ssyncadd.s32 $0xFFFFEC00  }
.LBB2_16:
0x27e: {  	[spmem:s2] =	stream.indirect.scatter.add.f32 [tilespmem:s24], [sflag:$0x6], $0x80, s30, s23, $0xb8;
	[tilespmem:$0x1D000] =	vst v63  }
0x27f: {  	s13 =	smov.u32 s28  }
0x280: {  	p0 =	sne.s32 s28, $0xFFFFF800;
	s28 =	sadd.s32 $0x800, s28;
	_ =	swait.ge [sflag:s9], $0x1400  }
0x281: {  	s13 =	sshra.s32 s13, $0x2;
	[sflag:s9] =	ssyncset.done $0x0  }
.Ltmp7:
0x282: {  	s30 =	sadd.s32 $0x18080, s13;
	[sflag:s9] =	ssyncadd.s32 $0xFFFFEC00;
	(pc) =	sbr.rel @p0 .LBB2_16-.Ltmp7, $4  }
0x283: {  	[spmem:s2] =	stream.indirect.scatter.add.f32 [tilespmem:s24], [sflag:$0x5], $0x80, s30, s23, $0xb8;
	[tilespmem:$0x1D000] =	vst v63  }
0x284: {  	_ =	swait.ge [sflag:s10], $0x1400  }
0x285: {  	[sflag:s10] =	ssyncset.done $0x0  }
0x286: {  	s30 =	sadd.s32 $0x18180, s13;
	[sflag:s10] =	ssyncadd.s32 $0xFFFFEC00  }
0x287: {  	[spmem:s2] =	stream.indirect.scatter.add.f32 [tilespmem:s24], [sflag:$0x6], $0x80, s30, s23, $0xb8;
	[tilespmem:$0x1D000] =	vst v63  }
0x288: {  	_ =	swait.ge [sflag:s9], $0x1400  }
0x289: {  	[sflag:s9] =	ssyncset.done $0x0  }
0x28a: {  	[sflag:s9] =	ssyncadd.s32 $0xFFFFEC00  }
0x28b: {  	_ =	swait.ge [sflag:s10], $0x1400  }
0x28c: {  	[sflag:s10] =	ssyncset.done $0x0  }
0x28d: {  	[sflag:s10] =	ssyncadd.s32 $0xFFFFEC00  }
0x28e: {  	[bflag:$0x0] =	sbarrier.arrive $0xFFFF  }
0x28f: {  	s13 =	rddreg [dreg:$0x10]  }
0x290: {  	[hbm:s13], [sflag:s20] =	dma.local [spmem:s25], $0x2800  }
0x291: {  	_ =	swait.ge [sflag:s22], $0x2800  }
0x292: {  	s19 =	sadd.s32 $0x1, s19;
	s30 =	rddreg [dreg:$0x11]  }
0x293: {  	p0 =	sne.s32 s19, s30  }
.Ltmp8:
0x294: {  	_ = 	snop;
	(pc) =	sbr.rel @p0 .LBB2_1-.Ltmp8, $3  }
0x295: {  	_ =	sdelay $0x1  }
0x296: {  	[sflag:s22] =	ssyncset.done $0x0  }
0x297: {  	[sflag:s22] =	ssyncadd.s32 $0xFFFFD800  }
0x298: {  	_ =	sfence.sel $0x180000  }
0x299: {  	[bflag:$0x0] =	sbarrier.arrive $0xFFFF  }
0x29a: {  	_ =	strace $0x90000047  }
0x29b: {  	s0 =	stileid.u32;
	[bflag:$0x2] =	sbarrier.arrive $0xFFFF  }
0x29c: {  	p0 =	sne.s32 s0, $0x0;
	s0 =	rddreg [dreg:$0x3]  }
0x29d: {  	s0 =	sadd.s32 @!p0 $0x100000, s0  }
0x29e: {  	[sflag:s0] =	ssyncadd.tile.s32 @!p0 $0x1;
	_ =	shalt  }
.Lfunc_end2:
_tile_overlayer_lowered:
.L_overlay_start_2:
0x29f: {  	(tag) =	ssettag $0x2  }
0x2a0: {  	s0 =	rddreg [dreg:$0x0];
	s2 =	stileid.u32  }
0x2a1: {  	s1 =	rddreg [dreg:$0x1];
	p0 =	sne.s32 s2, $0x0  }
0x2a2: {  	s3 =	rddreg [dreg:$0x2];
	[bflag:$0x3] =	sbarrier.arrive $0xFFFF;
	s2 =	simm.s32 @!p0 $0x1C09  }
0x2a3: {  	[timem:s3], [sflag:s2] =	dma.local @!p0 [hbm:s0], s1  }
0x2a4: {  	s0 =	simm.s32 @!p0 $0x9  }
0x2a5: {  	_ =	swait.ge @!p0 [sflag:s0], s1  }
0x2a6: {  	s1 =	ssub.s32 @!p0 $0x0, s1;
	[sflag:s0] =	ssyncset.done @!p0 $0x0  }
0x2a7: {  	[sflag:s0] =	ssyncadd.s32 @!p0 s1  }
0x2a8: {  	[bflag:$0x3] =	sbarrier.arrive $0xFFFF  }
0x2a9: {  	_ =	shalt  }

</sc_bundles>
